<compile_context>
chip_gen: v7x
topology: tpu7x:2x2x1
jax: 0.10.2.dev20260603
libtpu: 0.0.44.dev20260713+nightly
codegen_flags: <defaults>
</compile_context>

<pallas_src>
import functools

import jax
import jax.numpy as jnp
from jax import lax
from jax.experimental import pallas as pl
from jax.experimental.pallas import tpu as pltpu
from jax.experimental.pallas import tpu_sc as plsc

N = 10000
F = 128
H = 128
E = 320000

NUM_TILES = 16
CHUNK = 128
NBUF = 2
NIDX = 80
CPT = 160
NGRP = CPT // NIDX
EPAD = CPT * NUM_TILES * CHUNK
PADROW = N
NACC = 10240
STRIPE = NACC // NUM_TILES
BLANES = 32


def _matmul2_bf16(xd, xs, wd, ws, rows_blk):
    def body(xd_ref, xs_ref, wd_ref, ws_ref, od_ref, os_ref):
        od_ref[...] = jnp.dot(xd_ref[...], wd_ref[...],
                              preferred_element_type=jnp.float32).astype(jnp.bfloat16)
        os_ref[...] = jnp.dot(xs_ref[...], ws_ref[...],
                              preferred_element_type=jnp.float32).astype(jnp.bfloat16)
    grid = (N // rows_blk,)
    x_spec = pl.BlockSpec((rows_blk, F), lambda r: (r, 0))
    w_spec = pl.BlockSpec((F, H), lambda r: (0, 0))
    o_spec = pl.BlockSpec((rows_blk, H), lambda r: (r, 0))
    o_type = jax.ShapeDtypeStruct((N, H), jnp.bfloat16)
    return pl.pallas_call(
        body, grid=grid,
        in_specs=[x_spec, x_spec, w_spec, w_spec],
        out_specs=[o_spec, o_spec],
        out_shape=[o_type, o_type],
    )(xd, xs, wd, ws)


def _bias_relu_matmul2_bf16(ad, as_, bd, bs, wd, ws, rows_blk):
    def body(ad_ref, as_ref, bd_ref, bs_ref, wd_ref, ws_ref, od_ref, os_ref):
        hd = jnp.maximum(ad_ref[...].astype(jnp.float32) + bd_ref[...], 0.0)
        od_ref[...] = jnp.dot(hd, wd_ref[...],
                              preferred_element_type=jnp.float32).astype(jnp.bfloat16)
        hs = jnp.maximum(as_ref[...].astype(jnp.float32) + bs_ref[...], 0.0)
        os_ref[...] = jnp.dot(hs, ws_ref[...],
                              preferred_element_type=jnp.float32).astype(jnp.bfloat16)
    grid = (N // rows_blk,)
    a_spec = pl.BlockSpec((rows_blk, H), lambda r: (r, 0))
    b_spec = pl.BlockSpec((1, H), lambda r: (0, 0))
    w_spec = pl.BlockSpec((H, H), lambda r: (0, 0))
    o_spec = pl.BlockSpec((rows_blk, H), lambda r: (r, 0))
    o_type = jax.ShapeDtypeStruct((N, H), jnp.bfloat16)
    return pl.pallas_call(
        body, grid=grid,
        in_specs=[a_spec, a_spec, b_spec, b_spec, w_spec, w_spec],
        out_specs=[o_spec, o_spec],
        out_shape=[o_type, o_type],
    )(ad, as_, bd.reshape(1, H), bs.reshape(1, H), wd, ws)


def _bias_add2_f32(ad, as_, bd, bs, rows_blk):
    def body(ad_ref, as_ref, bd_ref, bs_ref, od_ref, os_ref):
        od_ref[...] = ad_ref[...].astype(jnp.float32) + bd_ref[...]
        os_ref[...] = as_ref[...].astype(jnp.float32) + bs_ref[...]
    grid = (N // rows_blk,)
    a_spec = pl.BlockSpec((rows_blk, H), lambda r: (r, 0))
    b_spec = pl.BlockSpec((1, H), lambda r: (0, 0))
    o_spec = pl.BlockSpec((rows_blk, H), lambda r: (r, 0))
    o_type = jax.ShapeDtypeStruct((N, H), jnp.float32)
    return pl.pallas_call(
        body, grid=grid,
        in_specs=[a_spec, a_spec, b_spec, b_spec],
        out_specs=[o_spec, o_spec],
        out_shape=[o_type, o_type],
    )(ad, as_, bd.reshape(1, H), bs.reshape(1, H))


def _sc_conv(m_d, m_s, eid, eis):
    mesh = plsc.VectorSubcoreMesh(core_axis_name="c", subcore_axis_name="s")

    @functools.partial(
        pl.kernel,
        out_type=(
            jax.ShapeDtypeStruct((N, H), jnp.bfloat16),
            jax.ShapeDtypeStruct((N, H), jnp.bfloat16),
        ),
        mesh=mesh,
        compiler_params=pltpu.CompilerParams(use_tc_tiling_on_sc=False),
        scratch_types=[
            pltpu.VMEM_SHARED((NACC, H), jnp.bfloat16),
            pltpu.VMEM_SHARED((NACC, H), jnp.bfloat16),
            [pltpu.VMEM((CHUNK, H), jnp.bfloat16)] * NBUF,
            pltpu.VMEM((NIDX, CHUNK), jnp.int32),
            pltpu.VMEM((NIDX, CHUNK), jnp.int32),
            [pltpu.SemaphoreType.DMA] * NBUF,
        ],
    )
    def conv_kernel(m_d_hbm, m_s_hbm, eid_hbm, eis_hbm, agg_d_hbm, agg_s_hbm,
                    msp, acc, rows, src_idx, dst_idx, gsems):
        c = lax.axis_index("c")
        s = lax.axis_index("s")

        def zrow(i, _):
            def zlane(j, _):
                rows[0][i, pl.ds(j * BLANES, BLANES)] = jnp.zeros((BLANES,), jnp.bfloat16)
                return 0
            return lax.fori_loop(0, H // BLANES, zlane, 0)
        lax.fori_loop(0, CHUNK, zrow, 0)

        def run(m_hbm, ei_hbm, out_hbm):
            sbase = s * STRIPE

            @pl.when(s < 15)
            def _():
                pltpu.sync_copy(m_hbm.at[pl.ds(sbase, STRIPE)],
                                msp.at[pl.ds(sbase, STRIPE)])

            @pl.when(s == 15)
            def _():
                pltpu.sync_copy(m_hbm.at[pl.ds(9600, 400)],
                                msp.at[pl.ds(9600, 400)])

            def zcopy(k, _):
                pltpu.sync_copy(rows[0], acc.at[pl.ds(sbase + k * CHUNK, CHUNK)])
                return 0
            lax.fori_loop(0, STRIPE // CHUNK, zcopy, 0)
            plsc.subcore_barrier()

            def gather(k, b):
                return pltpu.make_async_copy(msp.at[src_idx.at[k]],
                                             rows[b], gsems[b])

            def grp(gi, _):
                pltpu.sync_copy(ei_hbm.at[0, s, pl.ds(gi * NIDX, NIDX)], src_idx)
                pltpu.sync_copy(ei_hbm.at[1, s, pl.ds(gi * NIDX, NIDX)], dst_idx)
                for b in range(NBUF):
                    gather(b, b).start()

                def inner(t, _):
                    for b in range(NBUF):
                        k = t * NBUF + b
                        gather(k, b).wait()
                        pltpu.sync_copy(rows[b], acc.at[dst_idx.at[k]], add=True)

                        @pl.when(k + NBUF < NIDX)
                        def _():
                            gather(k + NBUF, b).start()
                    return 0
                lax.fori_loop(0, NIDX // NBUF, inner, 0)
                return 0
            lax.fori_loop(0, NGRP, grp, 0)
            plsc.subcore_barrier()

            @pl.when(s < 15)
            def _():
                pltpu.sync_copy(acc.at[pl.ds(sbase, STRIPE)],
                                out_hbm.at[pl.ds(sbase, STRIPE)])

            @pl.when(s == 15)
            def _():
                pltpu.sync_copy(acc.at[pl.ds(9600, 400)],
                                out_hbm.at[pl.ds(9600, 400)])

        @pl.when(c == 0)
        def _():
            run(m_d_hbm, eid_hbm, agg_d_hbm)

        @pl.when(c == 1)
        def _():
            run(m_s_hbm, eis_hbm, agg_s_hbm)

    return conv_kernel(m_d, m_s, eid, eis)


def _pad_edges(ei):
    pad = EPAD - E
    pad_cols = jnp.concatenate([
        jnp.zeros((1, pad), jnp.int32),
        jnp.full((1, pad), PADROW, jnp.int32),
    ], axis=0)
    padded = jnp.concatenate([ei, pad_cols], axis=1)
    return padded.reshape(2, NUM_TILES, CPT, CHUNK)


def kernel(drug_x, drug_edge_index, dis_x, dis_edge_index,
           W1d, b1d, W2d, b2d, W1s, b1s, W2s, b2s):
    eid = _pad_edges(drug_edge_index)
    eis = _pad_edges(dis_edge_index)

    rows_blk = 2000
    m1_d, m1_s = _matmul2_bf16(drug_x, dis_x, W1d, W1s, rows_blk)
    a1_d, a1_s = _sc_conv(m1_d, m1_s, eid, eis)
    m2_d, m2_s = _bias_relu_matmul2_bf16(a1_d, a1_s, b1d, b1s, W2d, W2s, rows_blk)
    a2_d, a2_s = _sc_conv(m2_d, m2_s, eid, eis)
    emb1, emb2 = _bias_add2_f32(a2_d, a2_s, b2d, b2s, rows_blk)
    return (emb1, emb2)

# --- scband reference (transcript-rebuilt; emitter-appended) ---
"""Pipeline reference for scband-fgcn-48687749268219 (READ-ONLY COPY).

The authoritative reference and input builder live on the scoring server;
editing this copy changes nothing except your own understanding.
"""

import jax, jax.numpy as jnp
import numpy as np

N = 10000
E = 320000
F = 128
H1 = 128
H2 = 128


def setup_inputs(seed: int = 0) -> dict:
    key = jax.random.key(seed)
    ks = jax.random.split(key, 12)
    inp = {}
    inp["drug_x"] = jax.random.normal(ks[0], (N, F), dtype=jnp.float32)
    inp["drug_edge_index"] = jax.random.randint(ks[1], (2, E), 0, N, dtype=jnp.int32)
    inp["dis_x"] = jax.random.normal(ks[2], (N, F), dtype=jnp.float32)
    inp["dis_edge_index"] = jax.random.randint(ks[3], (2, E), 0, N, dtype=jnp.int32)
    # GCN parameters (two layers per branch): in->nhid1 (ReLU), nhid1->nhid2
    inp["W1d"] = jax.random.normal(ks[4], (F, H1), dtype=jnp.float32) * 0.05
    inp["b1d"] = jnp.zeros((H1,), dtype=jnp.float32)
    inp["W2d"] = jax.random.normal(ks[5], (H1, H2), dtype=jnp.float32) * 0.05
    inp["b2d"] = jnp.zeros((H2,), dtype=jnp.float32)
    inp["W1s"] = jax.random.normal(ks[6], (F, H1), dtype=jnp.float32) * 0.05
    inp["b1s"] = jnp.zeros((H1,), dtype=jnp.float32)
    inp["W2s"] = jax.random.normal(ks[7], (H1, H2), dtype=jnp.float32) * 0.05
    inp["b2s"] = jnp.zeros((H2,), dtype=jnp.float32)
    return inp


def gcn_conv(x, edge_index, W, b):
    # GCNConv with normalize=False, bias=True: linear transform,
    # then scatter-add messages from src to dst, plus bias.
    m = x @ W
    src = edge_index[0]
    dst = edge_index[1]
    agg = jnp.zeros((x.shape[0], W.shape[1]), dtype=x.dtype).at[dst].add(m[src])
    return agg + b


def gcn_branch(x, edge_index, W1, b1, W2, b2):
    h = jax.nn.relu(gcn_conv(x, edge_index, W1, b1))
    # dropout=0.0 (eval-equivalent) -> identity
    return gcn_conv(h, edge_index, W2, b2)


def reference(drug_x, drug_edge_index, dis_x, dis_edge_index, W1d, b1d, W2d, b2d, W1s, b1s, W2s, b2s):
    emb1 = gcn_branch(drug_x, drug_edge_index, W1d, b1d, W2d, b2d)
    emb2 = gcn_branch(dis_x, dis_edge_index, W1s, b1s, W2s, b2s)
    return (emb1, emb2)

if __name__ == "__main__":
    import jax
    _d = setup_inputs()
    print(jax.jit(kernel)(*tuple(_d.values())))

</pallas_src>

<mosaic_0001>
#map = affine_map<(d0, d1) -> (0, 0)>
#map1 = affine_map<(d0, d1) -> (0, 0, 0, 0)>
module attributes {stable_mosaic.version = 14 : i64} {
  func.func @conv_kernel(%arg0: i32, %arg1: i32, %arg2: memref<10000x128xbf16, #tpu.memory_space<hbm>>, %arg3: memref<10000x128xbf16, #tpu.memory_space<hbm>>, %arg4: memref<2x16x160x128xi32, #tpu.memory_space<hbm>>, %arg5: memref<2x16x160x128xi32, #tpu.memory_space<hbm>>, %arg6: memref<10000x128xbf16, #tpu.memory_space<hbm>>, %arg7: memref<10000x128xbf16, #tpu.memory_space<hbm>>, %arg8: memref<10240x128xbf16, #tpu.memory_space<vmem_shared>>, %arg9: memref<10240x128xbf16, #tpu.memory_space<vmem_shared>>, %arg10: memref<128x128xbf16, #tpu.memory_space<vmem>>, %arg11: memref<128x128xbf16, #tpu.memory_space<vmem>>, %arg12: memref<80x128xi32, #tpu.memory_space<vmem>>, %arg13: memref<80x128xi32, #tpu.memory_space<vmem>>, %arg14: memref<!tpu.dma_semaphore, #tpu.memory_space<semaphore_mem>>, %arg15: memref<!tpu.dma_semaphore, #tpu.memory_space<semaphore_mem>>) attributes {dimension_semantics = [#tpu.dimension_semantics<core_parallel>, #tpu.dimension_semantics<subcore_parallel>], iteration_bounds = array<i64: 2, 16>, scalar_prefetch = 0 : i64, scratch_operands = 8 : i64, tpu.core_type = #tpu.core_type<sc_vector_subcore>, window_params = [{transform_indices = #map}, {transform_indices = #map}, {transform_indices = #map1}, {transform_indices = #map1}, {transform_indices = #map}, {transform_indices = #map}]} {
    %scan3A = arith.constant 0 : i32
    %scan3A_0 = arith.constant 0 : i32
    %scan3A_1 = arith.constant 128 : i32
    %scan3A_2 = arith.addi %scan3A_0, %scan3A_1 : i32
    %scan3A_3 = arith.constant 1 : i32
    %scan3A_4 = scf.for %scan3A_13 = %scan3A_0 to %scan3A_2 step %scan3A_3 iter_args(%scan3A_14 = %scan3A) -> (i32)  : i32 {
      %scan3A_15 = arith.constant 0 : i32
      %scan3A_16 = arith.constant 0 : i32
      %scan3A_17 = arith.constant 4 : i32
      %scan3A_18 = arith.addi %scan3A_16, %scan3A_17 : i32
      %scan3A_19 = arith.constant 1 : i32
      %scan3A_20 = scf.for %scan3A_22 = %scan3A_16 to %scan3A_18 step %scan3A_19 iter_args(%scan3A_23 = %scan3A_15) -> (i32)  : i32 {
        %broadcast_in_dim3A = arith.constant 0.000000e+00 : bf16
        %broadcast_in_dim3A_24 = vector.broadcast %broadcast_in_dim3A : bf16 to vector<32xbf16>
        %mul3A = arith.constant 32 : i32
        %mul3A_25 = arith.muli %scan3A_22, %mul3A : i32
        %swap3A = arith.index_cast %scan3A_13 : i32 to index
        %swap3A_26 = arith.index_cast %mul3A_25 : i32 to index
        %swap3A_27 = tpu.vector_load %arg10[%swap3A, %swap3A_26] {strides = array<i32>} : memref<128x128xbf16, #tpu.memory_space<vmem>>, vector<1x32xbf16>,
        %swap3A_28 = vector.shape_cast %swap3A_27 : vector<1x32xbf16> to vector<32xbf16>
        %swap3A_29 = vector.shape_cast %broadcast_in_dim3A_24 : vector<32xbf16> to vector<1x32xbf16>
        tpu.vector_store %arg10[%swap3A, %swap3A_26], %swap3A_29 {strides = array<i32>} : memref<128x128xbf16, #tpu.memory_space<vmem>>, vector<1x32xbf16>,
        %scan3A_30 = arith.constant 0 : i32
        scf.yield %scan3A_30 : i32
      }
      %scan3A_21 = arith.constant 4 : i32
      scf.yield %scan3A_20 : i32
    }
    %scan3A_5 = arith.constant 128 : i32
    %eq3A = arith.constant 0 : i32
    %eq3A_6 = arith.cmpi eq, %arg0, %eq3A : i32
    %convert_element_type3A = arith.extui %eq3A_6 : i1 to i32
    %cond3A = arith.constant 0 : i32
    %cond3A_7 = arith.cmpi ne, %convert_element_type3A, %cond3A : i32
    scf.if %cond3A_7 {
      %mul3A = arith.constant 640 : i32
      %mul3A_13 = arith.muli %arg1, %mul3A : i32
      %lt3A = arith.constant 15 : i32
      %lt3A_14 = arith.cmpi slt, %arg1, %lt3A : i32
      %convert_element_type3A_15 = arith.extui %lt3A_14 : i1 to i32
      %cond3A_16 = arith.constant 0 : i32
      %cond3A_17 = arith.cmpi ne, %convert_element_type3A_15, %cond3A_16 : i32
      scf.if %cond3A_17 {
        "tpu.region"() ({
          %run_scoped3A = tpu.sem_alloc : memref<!tpu.dma_semaphore, #tpu.memory_space<semaphore_mem>>
          %dma_start3A = arith.constant 0 : i32
          %dma_start3A_48 = tpu.memref_slice %arg8[%mul3A_13, %dma_start3A] : memref<10240x128xbf16, #tpu.memory_space<vmem_shared>> -> memref<640x128xbf16, #tpu.memory_space<vmem_shared>>
          %dma_start3A_49 = arith.constant 0 : i32
          %dma_start3A_50 = tpu.memref_slice %arg2[%mul3A_13, %dma_start3A_49] : memref<10000x128xbf16, #tpu.memory_space<hbm>> -> memref<640x128xbf16, #tpu.memory_space<hbm>>
          tpu.enqueue_dma source(%dma_start3A_50 : memref<640x128xbf16, #tpu.memory_space<hbm>>) target(%dma_start3A_48 : memref<640x128xbf16, #tpu.memory_space<vmem_shared>>) target_semaphore(%run_scoped3A : memref<!tpu.dma_semaphore, #tpu.memory_space<semaphore_mem>>)
          %dma_wait3A = arith.constant 0 : i32
          %dma_wait3A_51 = tpu.memref_slice %arg8[%mul3A_13, %dma_wait3A] : memref<10240x128xbf16, #tpu.memory_space<vmem_shared>> -> memref<640x128xbf16, #tpu.memory_space<vmem_shared>>
          %dma_wait3A_52 = arith.constant 0 : i32
          %dma_wait3A_53 = tpu.memref_slice %arg2[%mul3A_13, %dma_wait3A_52] : memref<10000x128xbf16, #tpu.memory_space<hbm>> -> memref<640x128xbf16, #tpu.memory_space<hbm>>
          tpu.wait_dma2 semaphore(%run_scoped3A : memref<!tpu.dma_semaphore, #tpu.memory_space<semaphore_mem>>) src(%dma_wait3A_53 : memref<640x128xbf16, #tpu.memory_space<hbm>>) dst(%dma_wait3A_51 : memref<640x128xbf16, #tpu.memory_space<vmem_shared>>)
          tpu.yield
        }) : () -> ()
      } else {
      }
      %eq3A_18 = arith.constant 15 : i32
      %eq3A_19 = arith.cmpi eq, %arg1, %eq3A_18 : i32
      %convert_element_type3A_20 = arith.extui %eq3A_19 : i1 to i32
      %cond3A_21 = arith.constant 0 : i32
      %cond3A_22 = arith.cmpi ne, %convert_element_type3A_20, %cond3A_21 : i32
      scf.if %cond3A_22 {
        "tpu.region"() ({
          %run_scoped3A = tpu.sem_alloc : memref<!tpu.dma_semaphore, #tpu.memory_space<semaphore_mem>>
          %dma_start3A = arith.constant 9600 : i32
          %dma_start3A_48 = arith.constant 0 : i32
          %dma_start3A_49 = tpu.memref_slice %arg8[%dma_start3A, %dma_start3A_48] : memref<10240x128xbf16, #tpu.memory_space<vmem_shared>> -> memref<400x128xbf16, #tpu.memory_space<vmem_shared>>
          %dma_start3A_50 = arith.constant 9600 : i32
          %dma_start3A_51 = arith.constant 0 : i32
          %dma_start3A_52 = tpu.memref_slice %arg2[%dma_start3A_50, %dma_start3A_51] : memref<10000x128xbf16, #tpu.memory_space<hbm>> -> memref<400x128xbf16, #tpu.memory_space<hbm>>
          tpu.enqueue_dma source(%dma_start3A_52 : memref<400x128xbf16, #tpu.memory_space<hbm>>) target(%dma_start3A_49 : memref<400x128xbf16, #tpu.memory_space<vmem_shared>>) target_semaphore(%run_scoped3A : memref<!tpu.dma_semaphore, #tpu.memory_space<semaphore_mem>>)
          %dma_wait3A = arith.constant 9600 : i32
          %dma_wait3A_53 = arith.constant 0 : i32
          %dma_wait3A_54 = tpu.memref_slice %arg8[%dma_wait3A, %dma_wait3A_53] : memref<10240x128xbf16, #tpu.memory_space<vmem_shared>> -> memref<400x128xbf16, #tpu.memory_space<vmem_shared>>
          %dma_wait3A_55 = arith.constant 9600 : i32
          %dma_wait3A_56 = arith.constant 0 : i32
          %dma_wait3A_57 = tpu.memref_slice %arg2[%dma_wait3A_55, %dma_wait3A_56] : memref<10000x128xbf16, #tpu.memory_space<hbm>> -> memref<400x128xbf16, #tpu.memory_space<hbm>>
          tpu.wait_dma2 semaphore(%run_scoped3A : memref<!tpu.dma_semaphore, #tpu.memory_space<semaphore_mem>>) src(%dma_wait3A_57 : memref<400x128xbf16, #tpu.memory_space<hbm>>) dst(%dma_wait3A_54 : memref<400x128xbf16, #tpu.memory_space<vmem_shared>>)
          tpu.yield
        }) : () -> ()
      } else {
      }
      %scan3A_23 = arith.constant 0 : i32
      %scan3A_24 = arith.constant 0 : i32
      %scan3A_25 = arith.constant 5 : i32
      %scan3A_26 = arith.addi %scan3A_24, %scan3A_25 : i32
      %scan3A_27 = arith.constant 1 : i32
      %scan3A_28 = scf.for %scan3A_48 = %scan3A_24 to %scan3A_26 step %scan3A_27 iter_args(%scan3A_49 = %scan3A_23) -> (i32)  : i32 {
        %mul3A_50 = arith.constant 128 : i32
        %mul3A_51 = arith.muli %scan3A_48, %mul3A_50 : i32
        %add3A = arith.addi %mul3A_13, %mul3A_51 : i32
        "tpu.region"() ({
          %run_scoped3A = tpu.sem_alloc : memref<!tpu.dma_semaphore, #tpu.memory_space<semaphore_mem>>
          %dma_start3A = arith.constant 0 : i32
          %dma_start3A_53 = tpu.memref_slice %arg9[%add3A, %dma_start3A] : memref<10240x128xbf16, #tpu.memory_space<vmem_shared>> -> memref<128x128xbf16, #tpu.memory_space<vmem_shared>>
          %dma_start3A_54 = arith.constant 0 : i32
          %dma_start3A_55 = tpu.memref_slice %arg9[%add3A, %dma_start3A_54] : memref<10240x128xbf16, #tpu.memory_space<vmem_shared>> -> memref<128x128xbf16, #tpu.memory_space<vmem_shared>>
          tpu.enqueue_dma source(%arg10 : memref<128x128xbf16, #tpu.memory_space<vmem>>) target(%dma_start3A_55 : memref<128x128xbf16, #tpu.memory_space<vmem_shared>>) target_semaphore(%run_scoped3A : memref<!tpu.dma_semaphore, #tpu.memory_space<semaphore_mem>>)
          %dma_wait3A = arith.constant 0 : i32
          %dma_wait3A_56 = tpu.memref_slice %arg9[%add3A, %dma_wait3A] : memref<10240x128xbf16, #tpu.memory_space<vmem_shared>> -> memref<128x128xbf16, #tpu.memory_space<vmem_shared>>
          %dma_wait3A_57 = arith.constant 0 : i32
          %dma_wait3A_58 = tpu.memref_slice %arg9[%add3A, %dma_wait3A_57] : memref<10240x128xbf16, #tpu.memory_space<vmem_shared>> -> memref<128x128xbf16, #tpu.memory_space<vmem_shared>>
          tpu.wait_dma2 semaphore(%run_scoped3A : memref<!tpu.dma_semaphore, #tpu.memory_space<semaphore_mem>>) src(%arg10 : memref<128x128xbf16, #tpu.memory_space<vmem>>) dst(%dma_wait3A_58 : memref<128x128xbf16, #tpu.memory_space<vmem_shared>>)
          tpu.yield
        }) : () -> ()
        %scan3A_52 = arith.constant 0 : i32
        scf.yield %scan3A_52 : i32
      }
      %scan3A_29 = arith.constant 5 : i32
      %barrier3A = arith.constant 0 : index
      tpu.barrier barrier_id(%barrier3A)
      %scan3A_30 = arith.constant 0 : i32
      %scan3A_31 = arith.constant 0 : i32
      %scan3A_32 = arith.constant 2 : i32
      %scan3A_33 = arith.addi %scan3A_31, %scan3A_32 : i32
      %scan3A_34 = arith.constant 1 : i32
      %scan3A_35 = scf.for %scan3A_48 = %scan3A_31 to %scan3A_33 step %scan3A_34 iter_args(%scan3A_49 = %scan3A_30) -> (i32)  : i32 {
        %mul3A_50 = arith.constant 80 : i32
        %mul3A_51 = arith.muli %scan3A_48, %mul3A_50 : i32
        %run_scoped3A = arith.constant 0 : i32
        "tpu.region"() ({
          %run_scoped3A_76 = tpu.sem_alloc : memref<!tpu.dma_semaphore, #tpu.memory_space<semaphore_mem>>
          %dma_start3A_77 = arith.constant 0 : i32
          %dma_start3A_78 = tpu.memref_slice %arg4[%run_scoped3A, %arg1, %mul3A_51, %dma_start3A_77] : memref<2x16x160x128xi32, #tpu.memory_space<hbm>> -> memref<1x1x80x128xi32, #tpu.memory_space<hbm>>
          %dma_start3A_79 = tpu.memref_squeeze %dma_start3A_78 : memref<1x1x80x128xi32, #tpu.memory_space<hbm>> -> memref<80x128xi32, #tpu.memory_space<hbm>>
          %dma_start3A_80 = arith.constant 0 : i32
          %dma_start3A_81 = tpu.memref_slice %arg4[%run_scoped3A, %arg1, %mul3A_51, %dma_start3A_80] : memref<2x16x160x128xi32, #tpu.memory_space<hbm>> -> memref<1x1x80x128xi32, #tpu.memory_space<hbm>>
          %dma_start3A_82 = tpu.memref_squeeze %dma_start3A_81 : memref<1x1x80x128xi32, #tpu.memory_space<hbm>> -> memref<80x128xi32, #tpu.memory_space<hbm>>
          tpu.enqueue_dma source(%dma_start3A_82 : memref<80x128xi32, #tpu.memory_space<hbm>>) target(%arg12 : memref<80x128xi32, #tpu.memory_space<vmem>>) target_semaphore(%run_scoped3A_76 : memref<!tpu.dma_semaphore, #tpu.memory_space<semaphore_mem>>)
          %dma_wait3A = arith.constant 0 : i32
          %dma_wait3A_83 = tpu.memref_slice %arg4[%run_scoped3A, %arg1, %mul3A_51, %dma_wait3A] : memref<2x16x160x128xi32, #tpu.memory_space<hbm>> -> memref<1x1x80x128xi32, #tpu.memory_space<hbm>>
          %dma_wait3A_84 = tpu.memref_squeeze %dma_wait3A_83 : memref<1x1x80x128xi32, #tpu.memory_space<hbm>> -> memref<80x128xi32, #tpu.memory_space<hbm>>
          %dma_wait3A_85 = arith.constant 0 : i32
          %dma_wait3A_86 = tpu.memref_slice %arg4[%run_scoped3A, %arg1, %mul3A_51, %dma_wait3A_85] : memref<2x16x160x128xi32, #tpu.memory_space<hbm>> -> memref<1x1x80x128xi32, #tpu.memory_space<hbm>>
          %dma_wait3A_87 = tpu.memref_squeeze %dma_wait3A_86 : memref<1x1x80x128xi32, #tpu.memory_space<hbm>> -> memref<80x128xi32, #tpu.memory_space<hbm>>
          tpu.wait_dma2 semaphore(%run_scoped3A_76 : memref<!tpu.dma_semaphore, #tpu.memory_space<semaphore_mem>>) src(%dma_wait3A_87 : memref<80x128xi32, #tpu.memory_space<hbm>>) dst(%arg12 : memref<80x128xi32, #tpu.memory_space<vmem>>)
          tpu.yield
        }) : () -> ()
        %mul3A_52 = arith.constant 80 : i32
        %mul3A_53 = arith.muli %scan3A_48, %mul3A_52 : i32
        %run_scoped3A_54 = arith.constant 1 : i32
        "tpu.region"() ({
          %run_scoped3A_76 = tpu.sem_alloc : memref<!tpu.dma_semaphore, #tpu.memory_space<semaphore_mem>>
          %dma_start3A_77 = arith.constant 0 : i32
          %dma_start3A_78 = tpu.memref_slice %arg4[%run_scoped3A_54, %arg1, %mul3A_53, %dma_start3A_77] : memref<2x16x160x128xi32, #tpu.memory_space<hbm>> -> memref<1x1x80x128xi32, #tpu.memory_space<hbm>>
          %dma_start3A_79 = tpu.memref_squeeze %dma_start3A_78 : memref<1x1x80x128xi32, #tpu.memory_space<hbm>> -> memref<80x128xi32, #tpu.memory_space<hbm>>
          %dma_start3A_80 = arith.constant 0 : i32
          %dma_start3A_81 = tpu.memref_slice %arg4[%run_scoped3A_54, %arg1, %mul3A_53, %dma_start3A_80] : memref<2x16x160x128xi32, #tpu.memory_space<hbm>> -> memref<1x1x80x128xi32, #tpu.memory_space<hbm>>
          %dma_start3A_82 = tpu.memref_squeeze %dma_start3A_81 : memref<1x1x80x128xi32, #tpu.memory_space<hbm>> -> memref<80x128xi32, #tpu.memory_space<hbm>>
          tpu.enqueue_dma source(%dma_start3A_82 : memref<80x128xi32, #tpu.memory_space<hbm>>) target(%arg13 : memref<80x128xi32, #tpu.memory_space<vmem>>) target_semaphore(%run_scoped3A_76 : memref<!tpu.dma_semaphore, #tpu.memory_space<semaphore_mem>>)
          %dma_wait3A = arith.constant 0 : i32
          %dma_wait3A_83 = tpu.memref_slice %arg4[%run_scoped3A_54, %arg1, %mul3A_53, %dma_wait3A] : memref<2x16x160x128xi32, #tpu.memory_space<hbm>> -> memref<1x1x80x128xi32, #tpu.memory_space<hbm>>
          %dma_wait3A_84 = tpu.memref_squeeze %dma_wait3A_83 : memref<1x1x80x128xi32, #tpu.memory_space<hbm>> -> memref<80x128xi32, #tpu.memory_space<hbm>>
          %dma_wait3A_85 = arith.constant 0 : i32
          %dma_wait3A_86 = tpu.memref_slice %arg4[%run_scoped3A_54, %arg1, %mul3A_53, %dma_wait3A_85] : memref<2x16x160x128xi32, #tpu.memory_space<hbm>> -> memref<1x1x80x128xi32, #tpu.memory_space<hbm>>
          %dma_wait3A_87 = tpu.memref_squeeze %dma_wait3A_86 : memref<1x1x80x128xi32, #tpu.memory_space<hbm>> -> memref<80x128xi32, #tpu.memory_space<hbm>>
          tpu.wait_dma2 semaphore(%run_scoped3A_76 : memref<!tpu.dma_semaphore, #tpu.memory_space<semaphore_mem>>) src(%dma_wait3A_87 : memref<80x128xi32, #tpu.memory_space<hbm>>) dst(%arg13 : memref<80x128xi32, #tpu.memory_space<vmem>>)
          tpu.yield
        }) : () -> ()
        %dma_start3A = arith.constant 0 : i32
        %dma_start3A_55 = arith.constant 0 : i32
        %dma_start3A_56 = tpu.memref_slice %arg12[%dma_start3A, %dma_start3A_55] : memref<80x128xi32, #tpu.memory_space<vmem>> -> memref<1x128xi32, #tpu.memory_space<vmem>>
        %dma_start3A_57 = tpu.memref_squeeze %dma_start3A_56 : memref<1x128xi32, #tpu.memory_space<vmem>> -> memref<128xi32, #tpu.memory_space<vmem>>
        %dma_start3A_58 = arith.constant 0 : i32
        %dma_start3A_59 = arith.constant 0 : i32
        %dma_start3A_60 = tpu.memref_slice %arg8[%dma_start3A_58, %dma_start3A_59] : memref<10240x128xbf16, #tpu.memory_space<vmem_shared>> -> memref<10240x128xbf16, #tpu.memory_space<vmem_shared>>
        tpu.enqueue_indirect_dma source(%dma_start3A_60 : memref<10240x128xbf16, #tpu.memory_space<vmem_shared>>) target(%arg10 : memref<128x128xbf16, #tpu.memory_space<vmem>>) offsets(%dma_start3A_57 : memref<128xi32, #tpu.memory_space<vmem>>) semaphore(%arg14 : memref<!tpu.dma_semaphore, #tpu.memory_space<semaphore_mem>>)
        %dma_start3A_61 = arith.constant 1 : i32
        %dma_start3A_62 = arith.constant 0 : i32
        %dma_start3A_63 = tpu.memref_slice %arg12[%dma_start3A_61, %dma_start3A_62] : memref<80x128xi32, #tpu.memory_space<vmem>> -> memref<1x128xi32, #tpu.memory_space<vmem>>
        %dma_start3A_64 = tpu.memref_squeeze %dma_start3A_63 : memref<1x128xi32, #tpu.memory_space<vmem>> -> memref<128xi32, #tpu.memory_space<vmem>>
        %dma_start3A_65 = arith.constant 0 : i32
        %dma_start3A_66 = arith.constant 0 : i32
        %dma_start3A_67 = tpu.memref_slice %arg8[%dma_start3A_65, %dma_start3A_66] : memref<10240x128xbf16, #tpu.memory_space<vmem_shared>> -> memref<10240x128xbf16, #tpu.memory_space<vmem_shared>>
        tpu.enqueue_indirect_dma source(%dma_start3A_67 : memref<10240x128xbf16, #tpu.memory_space<vmem_shared>>) target(%arg11 : memref<128x128xbf16, #tpu.memory_space<vmem>>) offsets(%dma_start3A_64 : memref<128xi32, #tpu.memory_space<vmem>>) semaphore(%arg15 : memref<!tpu.dma_semaphore, #tpu.memory_space<semaphore_mem>>)
        %scan3A_68 = arith.constant 0 : i32
        %scan3A_69 = arith.constant 0 : i32
        %scan3A_70 = arith.constant 40 : i32
        %scan3A_71 = arith.addi %scan3A_69, %scan3A_70 : i32
        %scan3A_72 = arith.constant 1 : i32
        %scan3A_73 = scf.for %scan3A_76 = %scan3A_69 to %scan3A_71 step %scan3A_72 iter_args(%scan3A_77 = %scan3A_68) -> (i32)  : i32 {
          %mul3A_78 = arith.constant 2 : i32
          %mul3A_79 = arith.muli %scan3A_76, %mul3A_78 : i32
          %add3A = arith.constant 0 : i32
          %add3A_80 = arith.addi %mul3A_79, %add3A : i32
          %dma_wait3A = arith.constant 0 : i32
          %dma_wait3A_81 = tpu.memref_slice %arg12[%add3A_80, %dma_wait3A] : memref<80x128xi32, #tpu.memory_space<vmem>> -> memref<1x128xi32, #tpu.memory_space<vmem>>
          %dma_wait3A_82 = tpu.memref_squeeze %dma_wait3A_81 : memref<1x128xi32, #tpu.memory_space<vmem>> -> memref<128xi32, #tpu.memory_space<vmem>>
          %dma_wait3A_83 = arith.constant 0 : i32
          %dma_wait3A_84 = arith.constant 0 : i32
          %dma_wait3A_85 = tpu.memref_slice %arg8[%dma_wait3A_83, %dma_wait3A_84] : memref<10240x128xbf16, #tpu.memory_space<vmem_shared>> -> memref<10240x128xbf16, #tpu.memory_space<vmem_shared>>
          tpu.wait_indirect_dma semaphore(%arg14 : memref<!tpu.dma_semaphore, #tpu.memory_space<semaphore_mem>>) src(%dma_wait3A_85 : memref<10240x128xbf16, #tpu.memory_space<vmem_shared>>) dst(%arg10 : memref<128x128xbf16, #tpu.memory_space<vmem>>)
          "tpu.region"() ({
            %run_scoped3A_111 = tpu.sem_alloc : memref<!tpu.dma_semaphore, #tpu.memory_space<semaphore_mem>>
            %dma_start3A_112 = arith.constant 0 : i32
            %dma_start3A_113 = tpu.memref_slice %arg13[%add3A_80, %dma_start3A_112] : memref<80x128xi32, #tpu.memory_space<vmem>> -> memref<1x128xi32, #tpu.memory_space<vmem>>
            %dma_start3A_114 = tpu.memref_squeeze %dma_start3A_113 : memref<1x128xi32, #tpu.memory_space<vmem>> -> memref<128xi32, #tpu.memory_space<vmem>>
            %dma_start3A_115 = arith.constant 0 : i32
            %dma_start3A_116 = arith.constant 0 : i32
            %dma_start3A_117 = tpu.memref_slice %arg9[%dma_start3A_115, %dma_start3A_116] : memref<10240x128xbf16, #tpu.memory_space<vmem_shared>> -> memref<10240x128xbf16, #tpu.memory_space<vmem_shared>>
            tpu.enqueue_indirect_dma source(%arg10 : memref<128x128xbf16, #tpu.memory_space<vmem>>) target(%dma_start3A_117 : memref<10240x128xbf16, #tpu.memory_space<vmem_shared>>) offsets(%dma_start3A_114 : memref<128xi32, #tpu.memory_space<vmem>>) semaphore(%run_scoped3A_111 : memref<!tpu.dma_semaphore, #tpu.memory_space<semaphore_mem>>) {add = true}
            %dma_wait3A_118 = arith.constant 0 : i32
            %dma_wait3A_119 = tpu.memref_slice %arg13[%add3A_80, %dma_wait3A_118] : memref<80x128xi32, #tpu.memory_space<vmem>> -> memref<1x128xi32, #tpu.memory_space<vmem>>
            %dma_wait3A_120 = tpu.memref_squeeze %dma_wait3A_119 : memref<1x128xi32, #tpu.memory_space<vmem>> -> memref<128xi32, #tpu.memory_space<vmem>>
            %dma_wait3A_121 = arith.constant 0 : i32
            %dma_wait3A_122 = arith.constant 0 : i32
            %dma_wait3A_123 = tpu.memref_slice %arg9[%dma_wait3A_121, %dma_wait3A_122] : memref<10240x128xbf16, #tpu.memory_space<vmem_shared>> -> memref<10240x128xbf16, #tpu.memory_space<vmem_shared>>
            tpu.wait_indirect_dma semaphore(%run_scoped3A_111 : memref<!tpu.dma_semaphore, #tpu.memory_space<semaphore_mem>>) src(%arg10 : memref<128x128xbf16, #tpu.memory_space<vmem>>) dst(%dma_wait3A_123 : memref<10240x128xbf16, #tpu.memory_space<vmem_shared>>)
            tpu.yield
          }) : () -> ()
          %add3A_86 = arith.constant 2 : i32
          %add3A_87 = arith.addi %add3A_80, %add3A_86 : i32
          %lt3A_88 = arith.constant 80 : i32
          %lt3A_89 = arith.cmpi slt, %add3A_87, %lt3A_88 : i32
          %convert_element_type3A_90 = arith.extui %lt3A_89 : i1 to i32
          %cond3A_91 = arith.constant 0 : i32
          %cond3A_92 = arith.cmpi ne, %convert_element_type3A_90, %cond3A_91 : i32
          scf.if %cond3A_92 {
            %add3A_111 = arith.constant 2 : i32
            %add3A_112 = arith.addi %add3A_80, %add3A_111 : i32
            %dma_start3A_113 = arith.constant 0 : i32
            %dma_start3A_114 = tpu.memref_slice %arg12[%add3A_112, %dma_start3A_113] : memref<80x128xi32, #tpu.memory_space<vmem>> -> memref<1x128xi32, #tpu.memory_space<vmem>>
            %dma_start3A_115 = tpu.memref_squeeze %dma_start3A_114 : memref<1x128xi32, #tpu.memory_space<vmem>> -> memref<128xi32, #tpu.memory_space<vmem>>
            %dma_start3A_116 = arith.constant 0 : i32
            %dma_start3A_117 = arith.constant 0 : i32
            %dma_start3A_118 = tpu.memref_slice %arg8[%dma_start3A_116, %dma_start3A_117] : memref<10240x128xbf16, #tpu.memory_space<vmem_shared>> -> memref<10240x128xbf16, #tpu.memory_space<vmem_shared>>
            tpu.enqueue_indirect_dma source(%dma_start3A_118 : memref<10240x128xbf16, #tpu.memory_space<vmem_shared>>) target(%arg10 : memref<128x128xbf16, #tpu.memory_space<vmem>>) offsets(%dma_start3A_115 : memref<128xi32, #tpu.memory_space<vmem>>) semaphore(%arg14 : memref<!tpu.dma_semaphore, #tpu.memory_space<semaphore_mem>>)
          } else {
          }
          %mul3A_93 = arith.constant 2 : i32
          %mul3A_94 = arith.muli %scan3A_76, %mul3A_93 : i32
          %add3A_95 = arith.constant 1 : i32
          %add3A_96 = arith.addi %mul3A_94, %add3A_95 : i32
          %dma_wait3A_97 = arith.constant 0 : i32
          %dma_wait3A_98 = tpu.memref_slice %arg12[%add3A_96, %dma_wait3A_97] : memref<80x128xi32, #tpu.memory_space<vmem>> -> memref<1x128xi32, #tpu.memory_space<vmem>>
          %dma_wait3A_99 = tpu.memref_squeeze %dma_wait3A_98 : memref<1x128xi32, #tpu.memory_space<vmem>> -> memref<128xi32, #tpu.memory_space<vmem>>
          %dma_wait3A_100 = arith.constant 0 : i32
          %dma_wait3A_101 = arith.constant 0 : i32
          %dma_wait3A_102 = tpu.memref_slice %arg8[%dma_wait3A_100, %dma_wait3A_101] : memref<10240x128xbf16, #tpu.memory_space<vmem_shared>> -> memref<10240x128xbf16, #tpu.memory_space<vmem_shared>>
          tpu.wait_indirect_dma semaphore(%arg15 : memref<!tpu.dma_semaphore, #tpu.memory_space<semaphore_mem>>) src(%dma_wait3A_102 : memref<10240x128xbf16, #tpu.memory_space<vmem_shared>>) dst(%arg11 : memref<128x128xbf16, #tpu.memory_space<vmem>>)
          "tpu.region"() ({
            %run_scoped3A_111 = tpu.sem_alloc : memref<!tpu.dma_semaphore, #tpu.memory_space<semaphore_mem>>
            %dma_start3A_112 = arith.constant 0 : i32
            %dma_start3A_113 = tpu.memref_slice %arg13[%add3A_96, %dma_start3A_112] : memref<80x128xi32, #tpu.memory_space<vmem>> -> memref<1x128xi32, #tpu.memory_space<vmem>>
            %dma_start3A_114 = tpu.memref_squeeze %dma_start3A_113 : memref<1x128xi32, #tpu.memory_space<vmem>> -> memref<128xi32, #tpu.memory_space<vmem>>
            %dma_start3A_115 = arith.constant 0 : i32
            %dma_start3A_116 = arith.constant 0 : i32
            %dma_start3A_117 = tpu.memref_slice %arg9[%dma_start3A_115, %dma_start3A_116] : memref<10240x128xbf16, #tpu.memory_space<vmem_shared>> -> memref<10240x128xbf16, #tpu.memory_space<vmem_shared>>
            tpu.enqueue_indirect_dma source(%arg11 : memref<128x128xbf16, #tpu.memory_space<vmem>>) target(%dma_start3A_117 : memref<10240x128xbf16, #tpu.memory_space<vmem_shared>>) offsets(%dma_start3A_114 : memref<128xi32, #tpu.memory_space<vmem>>) semaphore(%run_scoped3A_111 : memref<!tpu.dma_semaphore, #tpu.memory_space<semaphore_mem>>) {add = true}
            %dma_wait3A_118 = arith.constant 0 : i32
            %dma_wait3A_119 = tpu.memref_slice %arg13[%add3A_96, %dma_wait3A_118] : memref<80x128xi32, #tpu.memory_space<vmem>> -> memref<1x128xi32, #tpu.memory_space<vmem>>
            %dma_wait3A_120 = tpu.memref_squeeze %dma_wait3A_119 : memref<1x128xi32, #tpu.memory_space<vmem>> -> memref<128xi32, #tpu.memory_space<vmem>>
            %dma_wait3A_121 = arith.constant 0 : i32
            %dma_wait3A_122 = arith.constant 0 : i32
            %dma_wait3A_123 = tpu.memref_slice %arg9[%dma_wait3A_121, %dma_wait3A_122] : memref<10240x128xbf16, #tpu.memory_space<vmem_shared>> -> memref<10240x128xbf16, #tpu.memory_space<vmem_shared>>
            tpu.wait_indirect_dma semaphore(%run_scoped3A_111 : memref<!tpu.dma_semaphore, #tpu.memory_space<semaphore_mem>>) src(%arg11 : memref<128x128xbf16, #tpu.memory_space<vmem>>) dst(%dma_wait3A_123 : memref<10240x128xbf16, #tpu.memory_space<vmem_shared>>)
            tpu.yield
          }) : () -> ()
          %add3A_103 = arith.constant 2 : i32
          %add3A_104 = arith.addi %add3A_96, %add3A_103 : i32
          %lt3A_105 = arith.constant 80 : i32
          %lt3A_106 = arith.cmpi slt, %add3A_104, %lt3A_105 : i32
          %convert_element_type3A_107 = arith.extui %lt3A_106 : i1 to i32
          %cond3A_108 = arith.constant 0 : i32
          %cond3A_109 = arith.cmpi ne, %convert_element_type3A_107, %cond3A_108 : i32
          scf.if %cond3A_109 {
            %add3A_111 = arith.constant 2 : i32
            %add3A_112 = arith.addi %add3A_96, %add3A_111 : i32
            %dma_start3A_113 = arith.constant 0 : i32
            %dma_start3A_114 = tpu.memref_slice %arg12[%add3A_112, %dma_start3A_113] : memref<80x128xi32, #tpu.memory_space<vmem>> -> memref<1x128xi32, #tpu.memory_space<vmem>>
            %dma_start3A_115 = tpu.memref_squeeze %dma_start3A_114 : memref<1x128xi32, #tpu.memory_space<vmem>> -> memref<128xi32, #tpu.memory_space<vmem>>
            %dma_start3A_116 = arith.constant 0 : i32
            %dma_start3A_117 = arith.constant 0 : i32
            %dma_start3A_118 = tpu.memref_slice %arg8[%dma_start3A_116, %dma_start3A_117] : memref<10240x128xbf16, #tpu.memory_space<vmem_shared>> -> memref<10240x128xbf16, #tpu.memory_space<vmem_shared>>
            tpu.enqueue_indirect_dma source(%dma_start3A_118 : memref<10240x128xbf16, #tpu.memory_space<vmem_shared>>) target(%arg11 : memref<128x128xbf16, #tpu.memory_space<vmem>>) offsets(%dma_start3A_115 : memref<128xi32, #tpu.memory_space<vmem>>) semaphore(%arg15 : memref<!tpu.dma_semaphore, #tpu.memory_space<semaphore_mem>>)
          } else {
          }
          %scan3A_110 = arith.constant 0 : i32
          scf.yield %scan3A_110 : i32
        }
        %scan3A_74 = arith.constant 40 : i32
        %scan3A_75 = arith.constant 0 : i32
        scf.yield %scan3A_75 : i32
      }
      %scan3A_36 = arith.constant 2 : i32
      %barrier3A_37 = arith.constant 0 : index
      tpu.barrier barrier_id(%barrier3A_37)
      %lt3A_38 = arith.constant 15 : i32
      %lt3A_39 = arith.cmpi slt, %arg1, %lt3A_38 : i32
      %convert_element_type3A_40 = arith.extui %lt3A_39 : i1 to i32
      %cond3A_41 = arith.constant 0 : i32
      %cond3A_42 = arith.cmpi ne, %convert_element_type3A_40, %cond3A_41 : i32
      scf.if %cond3A_42 {
        "tpu.region"() ({
          %run_scoped3A = tpu.sem_alloc : memref<!tpu.dma_semaphore, #tpu.memory_space<semaphore_mem>>
          %dma_start3A = arith.constant 0 : i32
          %dma_start3A_48 = tpu.memref_slice %arg6[%mul3A_13, %dma_start3A] : memref<10000x128xbf16, #tpu.memory_space<hbm>> -> memref<640x128xbf16, #tpu.memory_space<hbm>>
          %dma_start3A_49 = arith.constant 0 : i32
          %dma_start3A_50 = tpu.memref_slice %arg9[%mul3A_13, %dma_start3A_49] : memref<10240x128xbf16, #tpu.memory_space<vmem_shared>> -> memref<640x128xbf16, #tpu.memory_space<vmem_shared>>
          tpu.enqueue_dma source(%dma_start3A_50 : memref<640x128xbf16, #tpu.memory_space<vmem_shared>>) target(%dma_start3A_48 : memref<640x128xbf16, #tpu.memory_space<hbm>>) target_semaphore(%run_scoped3A : memref<!tpu.dma_semaphore, #tpu.memory_space<semaphore_mem>>)
          %dma_wait3A = arith.constant 0 : i32
          %dma_wait3A_51 = tpu.memref_slice %arg6[%mul3A_13, %dma_wait3A] : memref<10000x128xbf16, #tpu.memory_space<hbm>> -> memref<640x128xbf16, #tpu.memory_space<hbm>>
          %dma_wait3A_52 = arith.constant 0 : i32
          %dma_wait3A_53 = tpu.memref_slice %arg9[%mul3A_13, %dma_wait3A_52] : memref<10240x128xbf16, #tpu.memory_space<vmem_shared>> -> memref<640x128xbf16, #tpu.memory_space<vmem_shared>>
          tpu.wait_dma2 semaphore(%run_scoped3A : memref<!tpu.dma_semaphore, #tpu.memory_space<semaphore_mem>>) src(%dma_wait3A_53 : memref<640x128xbf16, #tpu.memory_space<vmem_shared>>) dst(%dma_wait3A_51 : memref<640x128xbf16, #tpu.memory_space<hbm>>)
          tpu.yield
        }) : () -> ()
      } else {
      }
      %eq3A_43 = arith.constant 15 : i32
      %eq3A_44 = arith.cmpi eq, %arg1, %eq3A_43 : i32
      %convert_element_type3A_45 = arith.extui %eq3A_44 : i1 to i32
      %cond3A_46 = arith.constant 0 : i32
      %cond3A_47 = arith.cmpi ne, %convert_element_type3A_45, %cond3A_46 : i32
      scf.if %cond3A_47 {
        "tpu.region"() ({
          %run_scoped3A = tpu.sem_alloc : memref<!tpu.dma_semaphore, #tpu.memory_space<semaphore_mem>>
          %dma_start3A = arith.constant 9600 : i32
          %dma_start3A_48 = arith.constant 0 : i32
          %dma_start3A_49 = tpu.memref_slice %arg6[%dma_start3A, %dma_start3A_48] : memref<10000x128xbf16, #tpu.memory_space<hbm>> -> memref<400x128xbf16, #tpu.memory_space<hbm>>
          %dma_start3A_50 = arith.constant 9600 : i32
          %dma_start3A_51 = arith.constant 0 : i32
          %dma_start3A_52 = tpu.memref_slice %arg9[%dma_start3A_50, %dma_start3A_51] : memref<10240x128xbf16, #tpu.memory_space<vmem_shared>> -> memref<400x128xbf16, #tpu.memory_space<vmem_shared>>
          tpu.enqueue_dma source(%dma_start3A_52 : memref<400x128xbf16, #tpu.memory_space<vmem_shared>>) target(%dma_start3A_49 : memref<400x128xbf16, #tpu.memory_space<hbm>>) target_semaphore(%run_scoped3A : memref<!tpu.dma_semaphore, #tpu.memory_space<semaphore_mem>>)
          %dma_wait3A = arith.constant 9600 : i32
          %dma_wait3A_53 = arith.constant 0 : i32
          %dma_wait3A_54 = tpu.memref_slice %arg6[%dma_wait3A, %dma_wait3A_53] : memref<10000x128xbf16, #tpu.memory_space<hbm>> -> memref<400x128xbf16, #tpu.memory_space<hbm>>
          %dma_wait3A_55 = arith.constant 9600 : i32
          %dma_wait3A_56 = arith.constant 0 : i32
          %dma_wait3A_57 = tpu.memref_slice %arg9[%dma_wait3A_55, %dma_wait3A_56] : memref<10240x128xbf16, #tpu.memory_space<vmem_shared>> -> memref<400x128xbf16, #tpu.memory_space<vmem_shared>>
          tpu.wait_dma2 semaphore(%run_scoped3A : memref<!tpu.dma_semaphore, #tpu.memory_space<semaphore_mem>>) src(%dma_wait3A_57 : memref<400x128xbf16, #tpu.memory_space<vmem_shared>>) dst(%dma_wait3A_54 : memref<400x128xbf16, #tpu.memory_space<hbm>>)
          tpu.yield
        }) : () -> ()
      } else {
      }
    } else {
    }
    %eq3A_8 = arith.constant 1 : i32
    %eq3A_9 = arith.cmpi eq, %arg0, %eq3A_8 : i32
    %convert_element_type3A_10 = arith.extui %eq3A_9 : i1 to i32
    %cond3A_11 = arith.constant 0 : i32
    %cond3A_12 = arith.cmpi ne, %convert_element_type3A_10, %cond3A_11 : i32
    scf.if %cond3A_12 {
      %mul3A = arith.constant 640 : i32
      %mul3A_13 = arith.muli %arg1, %mul3A : i32
      %lt3A = arith.constant 15 : i32
      %lt3A_14 = arith.cmpi slt, %arg1, %lt3A : i32
      %convert_element_type3A_15 = arith.extui %lt3A_14 : i1 to i32
      %cond3A_16 = arith.constant 0 : i32
      %cond3A_17 = arith.cmpi ne, %convert_element_type3A_15, %cond3A_16 : i32
      scf.if %cond3A_17 {
        "tpu.region"() ({
          %run_scoped3A = tpu.sem_alloc : memref<!tpu.dma_semaphore, #tpu.memory_space<semaphore_mem>>
          %dma_start3A = arith.constant 0 : i32
          %dma_start3A_48 = tpu.memref_slice %arg8[%mul3A_13, %dma_start3A] : memref<10240x128xbf16, #tpu.memory_space<vmem_shared>> -> memref<640x128xbf16, #tpu.memory_space<vmem_shared>>
          %dma_start3A_49 = arith.constant 0 : i32
          %dma_start3A_50 = tpu.memref_slice %arg3[%mul3A_13, %dma_start3A_49] : memref<10000x128xbf16, #tpu.memory_space<hbm>> -> memref<640x128xbf16, #tpu.memory_space<hbm>>
          tpu.enqueue_dma source(%dma_start3A_50 : memref<640x128xbf16, #tpu.memory_space<hbm>>) target(%dma_start3A_48 : memref<640x128xbf16, #tpu.memory_space<vmem_shared>>) target_semaphore(%run_scoped3A : memref<!tpu.dma_semaphore, #tpu.memory_space<semaphore_mem>>)
          %dma_wait3A = arith.constant 0 : i32
          %dma_wait3A_51 = tpu.memref_slice %arg8[%mul3A_13, %dma_wait3A] : memref<10240x128xbf16, #tpu.memory_space<vmem_shared>> -> memref<640x128xbf16, #tpu.memory_space<vmem_shared>>
          %dma_wait3A_52 = arith.constant 0 : i32
          %dma_wait3A_53 = tpu.memref_slice %arg3[%mul3A_13, %dma_wait3A_52] : memref<10000x128xbf16, #tpu.memory_space<hbm>> -> memref<640x128xbf16, #tpu.memory_space<hbm>>
          tpu.wait_dma2 semaphore(%run_scoped3A : memref<!tpu.dma_semaphore, #tpu.memory_space<semaphore_mem>>) src(%dma_wait3A_53 : memref<640x128xbf16, #tpu.memory_space<hbm>>) dst(%dma_wait3A_51 : memref<640x128xbf16, #tpu.memory_space<vmem_shared>>)
          tpu.yield
        }) : () -> ()
      } else {
      }
      %eq3A_18 = arith.constant 15 : i32
      %eq3A_19 = arith.cmpi eq, %arg1, %eq3A_18 : i32
      %convert_element_type3A_20 = arith.extui %eq3A_19 : i1 to i32
      %cond3A_21 = arith.constant 0 : i32
      %cond3A_22 = arith.cmpi ne, %convert_element_type3A_20, %cond3A_21 : i32
      scf.if %cond3A_22 {
        "tpu.region"() ({
          %run_scoped3A = tpu.sem_alloc : memref<!tpu.dma_semaphore, #tpu.memory_space<semaphore_mem>>
          %dma_start3A = arith.constant 9600 : i32
          %dma_start3A_48 = arith.constant 0 : i32
          %dma_start3A_49 = tpu.memref_slice %arg8[%dma_start3A, %dma_start3A_48] : memref<10240x128xbf16, #tpu.memory_space<vmem_shared>> -> memref<400x128xbf16, #tpu.memory_space<vmem_shared>>
          %dma_start3A_50 = arith.constant 9600 : i32
          %dma_start3A_51 = arith.constant 0 : i32
          %dma_start3A_52 = tpu.memref_slice %arg3[%dma_start3A_50, %dma_start3A_51] : memref<10000x128xbf16, #tpu.memory_space<hbm>> -> memref<400x128xbf16, #tpu.memory_space<hbm>>
          tpu.enqueue_dma source(%dma_start3A_52 : memref<400x128xbf16, #tpu.memory_space<hbm>>) target(%dma_start3A_49 : memref<400x128xbf16, #tpu.memory_space<vmem_shared>>) target_semaphore(%run_scoped3A : memref<!tpu.dma_semaphore, #tpu.memory_space<semaphore_mem>>)
          %dma_wait3A = arith.constant 9600 : i32
          %dma_wait3A_53 = arith.constant 0 : i32
          %dma_wait3A_54 = tpu.memref_slice %arg8[%dma_wait3A, %dma_wait3A_53] : memref<10240x128xbf16, #tpu.memory_space<vmem_shared>> -> memref<400x128xbf16, #tpu.memory_space<vmem_shared>>
          %dma_wait3A_55 = arith.constant 9600 : i32
          %dma_wait3A_56 = arith.constant 0 : i32
          %dma_wait3A_57 = tpu.memref_slice %arg3[%dma_wait3A_55, %dma_wait3A_56] : memref<10000x128xbf16, #tpu.memory_space<hbm>> -> memref<400x128xbf16, #tpu.memory_space<hbm>>
          tpu.wait_dma2 semaphore(%run_scoped3A : memref<!tpu.dma_semaphore, #tpu.memory_space<semaphore_mem>>) src(%dma_wait3A_57 : memref<400x128xbf16, #tpu.memory_space<hbm>>) dst(%dma_wait3A_54 : memref<400x128xbf16, #tpu.memory_space<vmem_shared>>)
          tpu.yield
        }) : () -> ()
      } else {
      }
      %scan3A_23 = arith.constant 0 : i32
      %scan3A_24 = arith.constant 0 : i32
      %scan3A_25 = arith.constant 5 : i32
      %scan3A_26 = arith.addi %scan3A_24, %scan3A_25 : i32
      %scan3A_27 = arith.constant 1 : i32
      %scan3A_28 = scf.for %scan3A_48 = %scan3A_24 to %scan3A_26 step %scan3A_27 iter_args(%scan3A_49 = %scan3A_23) -> (i32)  : i32 {
        %mul3A_50 = arith.constant 128 : i32
        %mul3A_51 = arith.muli %scan3A_48, %mul3A_50 : i32
        %add3A = arith.addi %mul3A_13, %mul3A_51 : i32
        "tpu.region"() ({
          %run_scoped3A = tpu.sem_alloc : memref<!tpu.dma_semaphore, #tpu.memory_space<semaphore_mem>>
          %dma_start3A = arith.constant 0 : i32
          %dma_start3A_53 = tpu.memref_slice %arg9[%add3A, %dma_start3A] : memref<10240x128xbf16, #tpu.memory_space<vmem_shared>> -> memref<128x128xbf16, #tpu.memory_space<vmem_shared>>
          %dma_start3A_54 = arith.constant 0 : i32
          %dma_start3A_55 = tpu.memref_slice %arg9[%add3A, %dma_start3A_54] : memref<10240x128xbf16, #tpu.memory_space<vmem_shared>> -> memref<128x128xbf16, #tpu.memory_space<vmem_shared>>
          tpu.enqueue_dma source(%arg10 : memref<128x128xbf16, #tpu.memory_space<vmem>>) target(%dma_start3A_55 : memref<128x128xbf16, #tpu.memory_space<vmem_shared>>) target_semaphore(%run_scoped3A : memref<!tpu.dma_semaphore, #tpu.memory_space<semaphore_mem>>)
          %dma_wait3A = arith.constant 0 : i32
          %dma_wait3A_56 = tpu.memref_slice %arg9[%add3A, %dma_wait3A] : memref<10240x128xbf16, #tpu.memory_space<vmem_shared>> -> memref<128x128xbf16, #tpu.memory_space<vmem_shared>>
          %dma_wait3A_57 = arith.constant 0 : i32
          %dma_wait3A_58 = tpu.memref_slice %arg9[%add3A, %dma_wait3A_57] : memref<10240x128xbf16, #tpu.memory_space<vmem_shared>> -> memref<128x128xbf16, #tpu.memory_space<vmem_shared>>
          tpu.wait_dma2 semaphore(%run_scoped3A : memref<!tpu.dma_semaphore, #tpu.memory_space<semaphore_mem>>) src(%arg10 : memref<128x128xbf16, #tpu.memory_space<vmem>>) dst(%dma_wait3A_58 : memref<128x128xbf16, #tpu.memory_space<vmem_shared>>)
          tpu.yield
        }) : () -> ()
        %scan3A_52 = arith.constant 0 : i32
        scf.yield %scan3A_52 : i32
      }
      %scan3A_29 = arith.constant 5 : i32
      %barrier3A = arith.constant 0 : index
      tpu.barrier barrier_id(%barrier3A)
      %scan3A_30 = arith.constant 0 : i32
      %scan3A_31 = arith.constant 0 : i32
      %scan3A_32 = arith.constant 2 : i32
      %scan3A_33 = arith.addi %scan3A_31, %scan3A_32 : i32
      %scan3A_34 = arith.constant 1 : i32
      %scan3A_35 = scf.for %scan3A_48 = %scan3A_31 to %scan3A_33 step %scan3A_34 iter_args(%scan3A_49 = %scan3A_30) -> (i32)  : i32 {
        %mul3A_50 = arith.constant 80 : i32
        %mul3A_51 = arith.muli %scan3A_48, %mul3A_50 : i32
        %run_scoped3A = arith.constant 0 : i32
        "tpu.region"() ({
          %run_scoped3A_76 = tpu.sem_alloc : memref<!tpu.dma_semaphore, #tpu.memory_space<semaphore_mem>>
          %dma_start3A_77 = arith.constant 0 : i32
          %dma_start3A_78 = tpu.memref_slice %arg5[%run_scoped3A, %arg1, %mul3A_51, %dma_start3A_77] : memref<2x16x160x128xi32, #tpu.memory_space<hbm>> -> memref<1x1x80x128xi32, #tpu.memory_space<hbm>>
          %dma_start3A_79 = tpu.memref_squeeze %dma_start3A_78 : memref<1x1x80x128xi32, #tpu.memory_space<hbm>> -> memref<80x128xi32, #tpu.memory_space<hbm>>
          %dma_start3A_80 = arith.constant 0 : i32
          %dma_start3A_81 = tpu.memref_slice %arg5[%run_scoped3A, %arg1, %mul3A_51, %dma_start3A_80] : memref<2x16x160x128xi32, #tpu.memory_space<hbm>> -> memref<1x1x80x128xi32, #tpu.memory_space<hbm>>
          %dma_start3A_82 = tpu.memref_squeeze %dma_start3A_81 : memref<1x1x80x128xi32, #tpu.memory_space<hbm>> -> memref<80x128xi32, #tpu.memory_space<hbm>>
          tpu.enqueue_dma source(%dma_start3A_82 : memref<80x128xi32, #tpu.memory_space<hbm>>) target(%arg12 : memref<80x128xi32, #tpu.memory_space<vmem>>) target_semaphore(%run_scoped3A_76 : memref<!tpu.dma_semaphore, #tpu.memory_space<semaphore_mem>>)
          %dma_wait3A = arith.constant 0 : i32
          %dma_wait3A_83 = tpu.memref_slice %arg5[%run_scoped3A, %arg1, %mul3A_51, %dma_wait3A] : memref<2x16x160x128xi32, #tpu.memory_space<hbm>> -> memref<1x1x80x128xi32, #tpu.memory_space<hbm>>
          %dma_wait3A_84 = tpu.memref_squeeze %dma_wait3A_83 : memref<1x1x80x128xi32, #tpu.memory_space<hbm>> -> memref<80x128xi32, #tpu.memory_space<hbm>>
          %dma_wait3A_85 = arith.constant 0 : i32
          %dma_wait3A_86 = tpu.memref_slice %arg5[%run_scoped3A, %arg1, %mul3A_51, %dma_wait3A_85] : memref<2x16x160x128xi32, #tpu.memory_space<hbm>> -> memref<1x1x80x128xi32, #tpu.memory_space<hbm>>
          %dma_wait3A_87 = tpu.memref_squeeze %dma_wait3A_86 : memref<1x1x80x128xi32, #tpu.memory_space<hbm>> -> memref<80x128xi32, #tpu.memory_space<hbm>>
          tpu.wait_dma2 semaphore(%run_scoped3A_76 : memref<!tpu.dma_semaphore, #tpu.memory_space<semaphore_mem>>) src(%dma_wait3A_87 : memref<80x128xi32, #tpu.memory_space<hbm>>) dst(%arg12 : memref<80x128xi32, #tpu.memory_space<vmem>>)
          tpu.yield
        }) : () -> ()
        %mul3A_52 = arith.constant 80 : i32
        %mul3A_53 = arith.muli %scan3A_48, %mul3A_52 : i32
        %run_scoped3A_54 = arith.constant 1 : i32
        "tpu.region"() ({
          %run_scoped3A_76 = tpu.sem_alloc : memref<!tpu.dma_semaphore, #tpu.memory_space<semaphore_mem>>
          %dma_start3A_77 = arith.constant 0 : i32
          %dma_start3A_78 = tpu.memref_slice %arg5[%run_scoped3A_54, %arg1, %mul3A_53, %dma_start3A_77] : memref<2x16x160x128xi32, #tpu.memory_space<hbm>> -> memref<1x1x80x128xi32, #tpu.memory_space<hbm>>
          %dma_start3A_79 = tpu.memref_squeeze %dma_start3A_78 : memref<1x1x80x128xi32, #tpu.memory_space<hbm>> -> memref<80x128xi32, #tpu.memory_space<hbm>>
          %dma_start3A_80 = arith.constant 0 : i32
          %dma_start3A_81 = tpu.memref_slice %arg5[%run_scoped3A_54, %arg1, %mul3A_53, %dma_start3A_80] : memref<2x16x160x128xi32, #tpu.memory_space<hbm>> -> memref<1x1x80x128xi32, #tpu.memory_space<hbm>>
          %dma_start3A_82 = tpu.memref_squeeze %dma_start3A_81 : memref<1x1x80x128xi32, #tpu.memory_space<hbm>> -> memref<80x128xi32, #tpu.memory_space<hbm>>
          tpu.enqueue_dma source(%dma_start3A_82 : memref<80x128xi32, #tpu.memory_space<hbm>>) target(%arg13 : memref<80x128xi32, #tpu.memory_space<vmem>>) target_semaphore(%run_scoped3A_76 : memref<!tpu.dma_semaphore, #tpu.memory_space<semaphore_mem>>)
          %dma_wait3A = arith.constant 0 : i32
          %dma_wait3A_83 = tpu.memref_slice %arg5[%run_scoped3A_54, %arg1, %mul3A_53, %dma_wait3A] : memref<2x16x160x128xi32, #tpu.memory_space<hbm>> -> memref<1x1x80x128xi32, #tpu.memory_space<hbm>>
          %dma_wait3A_84 = tpu.memref_squeeze %dma_wait3A_83 : memref<1x1x80x128xi32, #tpu.memory_space<hbm>> -> memref<80x128xi32, #tpu.memory_space<hbm>>
          %dma_wait3A_85 = arith.constant 0 : i32
          %dma_wait3A_86 = tpu.memref_slice %arg5[%run_scoped3A_54, %arg1, %mul3A_53, %dma_wait3A_85] : memref<2x16x160x128xi32, #tpu.memory_space<hbm>> -> memref<1x1x80x128xi32, #tpu.memory_space<hbm>>
          %dma_wait3A_87 = tpu.memref_squeeze %dma_wait3A_86 : memref<1x1x80x128xi32, #tpu.memory_space<hbm>> -> memref<80x128xi32, #tpu.memory_space<hbm>>
          tpu.wait_dma2 semaphore(%run_scoped3A_76 : memref<!tpu.dma_semaphore, #tpu.memory_space<semaphore_mem>>) src(%dma_wait3A_87 : memref<80x128xi32, #tpu.memory_space<hbm>>) dst(%arg13 : memref<80x128xi32, #tpu.memory_space<vmem>>)
          tpu.yield
        }) : () -> ()
        %dma_start3A = arith.constant 0 : i32
        %dma_start3A_55 = arith.constant 0 : i32
        %dma_start3A_56 = tpu.memref_slice %arg12[%dma_start3A, %dma_start3A_55] : memref<80x128xi32, #tpu.memory_space<vmem>> -> memref<1x128xi32, #tpu.memory_space<vmem>>
        %dma_start3A_57 = tpu.memref_squeeze %dma_start3A_56 : memref<1x128xi32, #tpu.memory_space<vmem>> -> memref<128xi32, #tpu.memory_space<vmem>>
        %dma_start3A_58 = arith.constant 0 : i32
        %dma_start3A_59 = arith.constant 0 : i32
        %dma_start3A_60 = tpu.memref_slice %arg8[%dma_start3A_58, %dma_start3A_59] : memref<10240x128xbf16, #tpu.memory_space<vmem_shared>> -> memref<10240x128xbf16, #tpu.memory_space<vmem_shared>>
        tpu.enqueue_indirect_dma source(%dma_start3A_60 : memref<10240x128xbf16, #tpu.memory_space<vmem_shared>>) target(%arg10 : memref<128x128xbf16, #tpu.memory_space<vmem>>) offsets(%dma_start3A_57 : memref<128xi32, #tpu.memory_space<vmem>>) semaphore(%arg14 : memref<!tpu.dma_semaphore, #tpu.memory_space<semaphore_mem>>)
        %dma_start3A_61 = arith.constant 1 : i32
        %dma_start3A_62 = arith.constant 0 : i32
        %dma_start3A_63 = tpu.memref_slice %arg12[%dma_start3A_61, %dma_start3A_62] : memref<80x128xi32, #tpu.memory_space<vmem>> -> memref<1x128xi32, #tpu.memory_space<vmem>>
        %dma_start3A_64 = tpu.memref_squeeze %dma_start3A_63 : memref<1x128xi32, #tpu.memory_space<vmem>> -> memref<128xi32, #tpu.memory_space<vmem>>
        %dma_start3A_65 = arith.constant 0 : i32
        %dma_start3A_66 = arith.constant 0 : i32
        %dma_start3A_67 = tpu.memref_slice %arg8[%dma_start3A_65, %dma_start3A_66] : memref<10240x128xbf16, #tpu.memory_space<vmem_shared>> -> memref<10240x128xbf16, #tpu.memory_space<vmem_shared>>
        tpu.enqueue_indirect_dma source(%dma_start3A_67 : memref<10240x128xbf16, #tpu.memory_space<vmem_shared>>) target(%arg11 : memref<128x128xbf16, #tpu.memory_space<vmem>>) offsets(%dma_start3A_64 : memref<128xi32, #tpu.memory_space<vmem>>) semaphore(%arg15 : memref<!tpu.dma_semaphore, #tpu.memory_space<semaphore_mem>>)
        %scan3A_68 = arith.constant 0 : i32
        %scan3A_69 = arith.constant 0 : i32
        %scan3A_70 = arith.constant 40 : i32
        %scan3A_71 = arith.addi %scan3A_69, %scan3A_70 : i32
        %scan3A_72 = arith.constant 1 : i32
        %scan3A_73 = scf.for %scan3A_76 = %scan3A_69 to %scan3A_71 step %scan3A_72 iter_args(%scan3A_77 = %scan3A_68) -> (i32)  : i32 {
          %mul3A_78 = arith.constant 2 : i32
          %mul3A_79 = arith.muli %scan3A_76, %mul3A_78 : i32
          %add3A = arith.constant 0 : i32
          %add3A_80 = arith.addi %mul3A_79, %add3A : i32
          %dma_wait3A = arith.constant 0 : i32
          %dma_wait3A_81 = tpu.memref_slice %arg12[%add3A_80, %dma_wait3A] : memref<80x128xi32, #tpu.memory_space<vmem>> -> memref<1x128xi32, #tpu.memory_space<vmem>>
          %dma_wait3A_82 = tpu.memref_squeeze %dma_wait3A_81 : memref<1x128xi32, #tpu.memory_space<vmem>> -> memref<128xi32, #tpu.memory_space<vmem>>
          %dma_wait3A_83 = arith.constant 0 : i32
          %dma_wait3A_84 = arith.constant 0 : i32
          %dma_wait3A_85 = tpu.memref_slice %arg8[%dma_wait3A_83, %dma_wait3A_84] : memref<10240x128xbf16, #tpu.memory_space<vmem_shared>> -> memref<10240x128xbf16, #tpu.memory_space<vmem_shared>>
          tpu.wait_indirect_dma semaphore(%arg14 : memref<!tpu.dma_semaphore, #tpu.memory_space<semaphore_mem>>) src(%dma_wait3A_85 : memref<10240x128xbf16, #tpu.memory_space<vmem_shared>>) dst(%arg10 : memref<128x128xbf16, #tpu.memory_space<vmem>>)
          "tpu.region"() ({
            %run_scoped3A_111 = tpu.sem_alloc : memref<!tpu.dma_semaphore, #tpu.memory_space<semaphore_mem>>
            %dma_start3A_112 = arith.constant 0 : i32
            %dma_start3A_113 = tpu.memref_slice %arg13[%add3A_80, %dma_start3A_112] : memref<80x128xi32, #tpu.memory_space<vmem>> -> memref<1x128xi32, #tpu.memory_space<vmem>>
            %dma_start3A_114 = tpu.memref_squeeze %dma_start3A_113 : memref<1x128xi32, #tpu.memory_space<vmem>> -> memref<128xi32, #tpu.memory_space<vmem>>
            %dma_start3A_115 = arith.constant 0 : i32
            %dma_start3A_116 = arith.constant 0 : i32
            %dma_start3A_117 = tpu.memref_slice %arg9[%dma_start3A_115, %dma_start3A_116] : memref<10240x128xbf16, #tpu.memory_space<vmem_shared>> -> memref<10240x128xbf16, #tpu.memory_space<vmem_shared>>
            tpu.enqueue_indirect_dma source(%arg10 : memref<128x128xbf16, #tpu.memory_space<vmem>>) target(%dma_start3A_117 : memref<10240x128xbf16, #tpu.memory_space<vmem_shared>>) offsets(%dma_start3A_114 : memref<128xi32, #tpu.memory_space<vmem>>) semaphore(%run_scoped3A_111 : memref<!tpu.dma_semaphore, #tpu.memory_space<semaphore_mem>>) {add = true}
            %dma_wait3A_118 = arith.constant 0 : i32
            %dma_wait3A_119 = tpu.memref_slice %arg13[%add3A_80, %dma_wait3A_118] : memref<80x128xi32, #tpu.memory_space<vmem>> -> memref<1x128xi32, #tpu.memory_space<vmem>>
            %dma_wait3A_120 = tpu.memref_squeeze %dma_wait3A_119 : memref<1x128xi32, #tpu.memory_space<vmem>> -> memref<128xi32, #tpu.memory_space<vmem>>
            %dma_wait3A_121 = arith.constant 0 : i32
            %dma_wait3A_122 = arith.constant 0 : i32
            %dma_wait3A_123 = tpu.memref_slice %arg9[%dma_wait3A_121, %dma_wait3A_122] : memref<10240x128xbf16, #tpu.memory_space<vmem_shared>> -> memref<10240x128xbf16, #tpu.memory_space<vmem_shared>>
            tpu.wait_indirect_dma semaphore(%run_scoped3A_111 : memref<!tpu.dma_semaphore, #tpu.memory_space<semaphore_mem>>) src(%arg10 : memref<128x128xbf16, #tpu.memory_space<vmem>>) dst(%dma_wait3A_123 : memref<10240x128xbf16, #tpu.memory_space<vmem_shared>>)
            tpu.yield
          }) : () -> ()
          %add3A_86 = arith.constant 2 : i32
          %add3A_87 = arith.addi %add3A_80, %add3A_86 : i32
          %lt3A_88 = arith.constant 80 : i32
          %lt3A_89 = arith.cmpi slt, %add3A_87, %lt3A_88 : i32
          %convert_element_type3A_90 = arith.extui %lt3A_89 : i1 to i32
          %cond3A_91 = arith.constant 0 : i32
          %cond3A_92 = arith.cmpi ne, %convert_element_type3A_90, %cond3A_91 : i32
          scf.if %cond3A_92 {
            %add3A_111 = arith.constant 2 : i32
            %add3A_112 = arith.addi %add3A_80, %add3A_111 : i32
            %dma_start3A_113 = arith.constant 0 : i32
            %dma_start3A_114 = tpu.memref_slice %arg12[%add3A_112, %dma_start3A_113] : memref<80x128xi32, #tpu.memory_space<vmem>> -> memref<1x128xi32, #tpu.memory_space<vmem>>
            %dma_start3A_115 = tpu.memref_squeeze %dma_start3A_114 : memref<1x128xi32, #tpu.memory_space<vmem>> -> memref<128xi32, #tpu.memory_space<vmem>>
            %dma_start3A_116 = arith.constant 0 : i32
            %dma_start3A_117 = arith.constant 0 : i32
            %dma_start3A_118 = tpu.memref_slice %arg8[%dma_start3A_116, %dma_start3A_117] : memref<10240x128xbf16, #tpu.memory_space<vmem_shared>> -> memref<10240x128xbf16, #tpu.memory_space<vmem_shared>>
            tpu.enqueue_indirect_dma source(%dma_start3A_118 : memref<10240x128xbf16, #tpu.memory_space<vmem_shared>>) target(%arg10 : memref<128x128xbf16, #tpu.memory_space<vmem>>) offsets(%dma_start3A_115 : memref<128xi32, #tpu.memory_space<vmem>>) semaphore(%arg14 : memref<!tpu.dma_semaphore, #tpu.memory_space<semaphore_mem>>)
          } else {
          }
          %mul3A_93 = arith.constant 2 : i32
          %mul3A_94 = arith.muli %scan3A_76, %mul3A_93 : i32
          %add3A_95 = arith.constant 1 : i32
          %add3A_96 = arith.addi %mul3A_94, %add3A_95 : i32
          %dma_wait3A_97 = arith.constant 0 : i32
          %dma_wait3A_98 = tpu.memref_slice %arg12[%add3A_96, %dma_wait3A_97] : memref<80x128xi32, #tpu.memory_space<vmem>> -> memref<1x128xi32, #tpu.memory_space<vmem>>
          %dma_wait3A_99 = tpu.memref_squeeze %dma_wait3A_98 : memref<1x128xi32, #tpu.memory_space<vmem>> -> memref<128xi32, #tpu.memory_space<vmem>>
          %dma_wait3A_100 = arith.constant 0 : i32
          %dma_wait3A_101 = arith.constant 0 : i32
          %dma_wait3A_102 = tpu.memref_slice %arg8[%dma_wait3A_100, %dma_wait3A_101] : memref<10240x128xbf16, #tpu.memory_space<vmem_shared>> -> memref<10240x128xbf16, #tpu.memory_space<vmem_shared>>
          tpu.wait_indirect_dma semaphore(%arg15 : memref<!tpu.dma_semaphore, #tpu.memory_space<semaphore_mem>>) src(%dma_wait3A_102 : memref<10240x128xbf16, #tpu.memory_space<vmem_shared>>) dst(%arg11 : memref<128x128xbf16, #tpu.memory_space<vmem>>)
          "tpu.region"() ({
            %run_scoped3A_111 = tpu.sem_alloc : memref<!tpu.dma_semaphore, #tpu.memory_space<semaphore_mem>>
            %dma_start3A_112 = arith.constant 0 : i32
            %dma_start3A_113 = tpu.memref_slice %arg13[%add3A_96, %dma_start3A_112] : memref<80x128xi32, #tpu.memory_space<vmem>> -> memref<1x128xi32, #tpu.memory_space<vmem>>
            %dma_start3A_114 = tpu.memref_squeeze %dma_start3A_113 : memref<1x128xi32, #tpu.memory_space<vmem>> -> memref<128xi32, #tpu.memory_space<vmem>>
            %dma_start3A_115 = arith.constant 0 : i32
            %dma_start3A_116 = arith.constant 0 : i32
            %dma_start3A_117 = tpu.memref_slice %arg9[%dma_start3A_115, %dma_start3A_116] : memref<10240x128xbf16, #tpu.memory_space<vmem_shared>> -> memref<10240x128xbf16, #tpu.memory_space<vmem_shared>>
            tpu.enqueue_indirect_dma source(%arg11 : memref<128x128xbf16, #tpu.memory_space<vmem>>) target(%dma_start3A_117 : memref<10240x128xbf16, #tpu.memory_space<vmem_shared>>) offsets(%dma_start3A_114 : memref<128xi32, #tpu.memory_space<vmem>>) semaphore(%run_scoped3A_111 : memref<!tpu.dma_semaphore, #tpu.memory_space<semaphore_mem>>) {add = true}
            %dma_wait3A_118 = arith.constant 0 : i32
            %dma_wait3A_119 = tpu.memref_slice %arg13[%add3A_96, %dma_wait3A_118] : memref<80x128xi32, #tpu.memory_space<vmem>> -> memref<1x128xi32, #tpu.memory_space<vmem>>
            %dma_wait3A_120 = tpu.memref_squeeze %dma_wait3A_119 : memref<1x128xi32, #tpu.memory_space<vmem>> -> memref<128xi32, #tpu.memory_space<vmem>>
            %dma_wait3A_121 = arith.constant 0 : i32
            %dma_wait3A_122 = arith.constant 0 : i32
            %dma_wait3A_123 = tpu.memref_slice %arg9[%dma_wait3A_121, %dma_wait3A_122] : memref<10240x128xbf16, #tpu.memory_space<vmem_shared>> -> memref<10240x128xbf16, #tpu.memory_space<vmem_shared>>
            tpu.wait_indirect_dma semaphore(%run_scoped3A_111 : memref<!tpu.dma_semaphore, #tpu.memory_space<semaphore_mem>>) src(%arg11 : memref<128x128xbf16, #tpu.memory_space<vmem>>) dst(%dma_wait3A_123 : memref<10240x128xbf16, #tpu.memory_space<vmem_shared>>)
            tpu.yield
          }) : () -> ()
          %add3A_103 = arith.constant 2 : i32
          %add3A_104 = arith.addi %add3A_96, %add3A_103 : i32
          %lt3A_105 = arith.constant 80 : i32
          %lt3A_106 = arith.cmpi slt, %add3A_104, %lt3A_105 : i32
          %convert_element_type3A_107 = arith.extui %lt3A_106 : i1 to i32
          %cond3A_108 = arith.constant 0 : i32
          %cond3A_109 = arith.cmpi ne, %convert_element_type3A_107, %cond3A_108 : i32
          scf.if %cond3A_109 {
            %add3A_111 = arith.constant 2 : i32
            %add3A_112 = arith.addi %add3A_96, %add3A_111 : i32
            %dma_start3A_113 = arith.constant 0 : i32
            %dma_start3A_114 = tpu.memref_slice %arg12[%add3A_112, %dma_start3A_113] : memref<80x128xi32, #tpu.memory_space<vmem>> -> memref<1x128xi32, #tpu.memory_space<vmem>>
            %dma_start3A_115 = tpu.memref_squeeze %dma_start3A_114 : memref<1x128xi32, #tpu.memory_space<vmem>> -> memref<128xi32, #tpu.memory_space<vmem>>
            %dma_start3A_116 = arith.constant 0 : i32
            %dma_start3A_117 = arith.constant 0 : i32
            %dma_start3A_118 = tpu.memref_slice %arg8[%dma_start3A_116, %dma_start3A_117] : memref<10240x128xbf16, #tpu.memory_space<vmem_shared>> -> memref<10240x128xbf16, #tpu.memory_space<vmem_shared>>
            tpu.enqueue_indirect_dma source(%dma_start3A_118 : memref<10240x128xbf16, #tpu.memory_space<vmem_shared>>) target(%arg11 : memref<128x128xbf16, #tpu.memory_space<vmem>>) offsets(%dma_start3A_115 : memref<128xi32, #tpu.memory_space<vmem>>) semaphore(%arg15 : memref<!tpu.dma_semaphore, #tpu.memory_space<semaphore_mem>>)
          } else {
          }
          %scan3A_110 = arith.constant 0 : i32
          scf.yield %scan3A_110 : i32
        }
        %scan3A_74 = arith.constant 40 : i32
        %scan3A_75 = arith.constant 0 : i32
        scf.yield %scan3A_75 : i32
      }
      %scan3A_36 = arith.constant 2 : i32
      %barrier3A_37 = arith.constant 0 : index
      tpu.barrier barrier_id(%barrier3A_37)
      %lt3A_38 = arith.constant 15 : i32
      %lt3A_39 = arith.cmpi slt, %arg1, %lt3A_38 : i32
      %convert_element_type3A_40 = arith.extui %lt3A_39 : i1 to i32
      %cond3A_41 = arith.constant 0 : i32
      %cond3A_42 = arith.cmpi ne, %convert_element_type3A_40, %cond3A_41 : i32
      scf.if %cond3A_42 {
        "tpu.region"() ({
          %run_scoped3A = tpu.sem_alloc : memref<!tpu.dma_semaphore, #tpu.memory_space<semaphore_mem>>
          %dma_start3A = arith.constant 0 : i32
          %dma_start3A_48 = tpu.memref_slice %arg7[%mul3A_13, %dma_start3A] : memref<10000x128xbf16, #tpu.memory_space<hbm>> -> memref<640x128xbf16, #tpu.memory_space<hbm>>
          %dma_start3A_49 = arith.constant 0 : i32
          %dma_start3A_50 = tpu.memref_slice %arg9[%mul3A_13, %dma_start3A_49] : memref<10240x128xbf16, #tpu.memory_space<vmem_shared>> -> memref<640x128xbf16, #tpu.memory_space<vmem_shared>>
          tpu.enqueue_dma source(%dma_start3A_50 : memref<640x128xbf16, #tpu.memory_space<vmem_shared>>) target(%dma_start3A_48 : memref<640x128xbf16, #tpu.memory_space<hbm>>) target_semaphore(%run_scoped3A : memref<!tpu.dma_semaphore, #tpu.memory_space<semaphore_mem>>)
          %dma_wait3A = arith.constant 0 : i32
          %dma_wait3A_51 = tpu.memref_slice %arg7[%mul3A_13, %dma_wait3A] : memref<10000x128xbf16, #tpu.memory_space<hbm>> -> memref<640x128xbf16, #tpu.memory_space<hbm>>
          %dma_wait3A_52 = arith.constant 0 : i32
          %dma_wait3A_53 = tpu.memref_slice %arg9[%mul3A_13, %dma_wait3A_52] : memref<10240x128xbf16, #tpu.memory_space<vmem_shared>> -> memref<640x128xbf16, #tpu.memory_space<vmem_shared>>
          tpu.wait_dma2 semaphore(%run_scoped3A : memref<!tpu.dma_semaphore, #tpu.memory_space<semaphore_mem>>) src(%dma_wait3A_53 : memref<640x128xbf16, #tpu.memory_space<vmem_shared>>) dst(%dma_wait3A_51 : memref<640x128xbf16, #tpu.memory_space<hbm>>)
          tpu.yield
        }) : () -> ()
      } else {
      }
      %eq3A_43 = arith.constant 15 : i32
      %eq3A_44 = arith.cmpi eq, %arg1, %eq3A_43 : i32
      %convert_element_type3A_45 = arith.extui %eq3A_44 : i1 to i32
      %cond3A_46 = arith.constant 0 : i32
      %cond3A_47 = arith.cmpi ne, %convert_element_type3A_45, %cond3A_46 : i32
      scf.if %cond3A_47 {
        "tpu.region"() ({
          %run_scoped3A = tpu.sem_alloc : memref<!tpu.dma_semaphore, #tpu.memory_space<semaphore_mem>>
          %dma_start3A = arith.constant 9600 : i32
          %dma_start3A_48 = arith.constant 0 : i32
          %dma_start3A_49 = tpu.memref_slice %arg7[%dma_start3A, %dma_start3A_48] : memref<10000x128xbf16, #tpu.memory_space<hbm>> -> memref<400x128xbf16, #tpu.memory_space<hbm>>
          %dma_start3A_50 = arith.constant 9600 : i32
          %dma_start3A_51 = arith.constant 0 : i32
          %dma_start3A_52 = tpu.memref_slice %arg9[%dma_start3A_50, %dma_start3A_51] : memref<10240x128xbf16, #tpu.memory_space<vmem_shared>> -> memref<400x128xbf16, #tpu.memory_space<vmem_shared>>
          tpu.enqueue_dma source(%dma_start3A_52 : memref<400x128xbf16, #tpu.memory_space<vmem_shared>>) target(%dma_start3A_49 : memref<400x128xbf16, #tpu.memory_space<hbm>>) target_semaphore(%run_scoped3A : memref<!tpu.dma_semaphore, #tpu.memory_space<semaphore_mem>>)
          %dma_wait3A = arith.constant 9600 : i32
          %dma_wait3A_53 = arith.constant 0 : i32
          %dma_wait3A_54 = tpu.memref_slice %arg7[%dma_wait3A, %dma_wait3A_53] : memref<10000x128xbf16, #tpu.memory_space<hbm>> -> memref<400x128xbf16, #tpu.memory_space<hbm>>
          %dma_wait3A_55 = arith.constant 9600 : i32
          %dma_wait3A_56 = arith.constant 0 : i32
          %dma_wait3A_57 = tpu.memref_slice %arg9[%dma_wait3A_55, %dma_wait3A_56] : memref<10240x128xbf16, #tpu.memory_space<vmem_shared>> -> memref<400x128xbf16, #tpu.memory_space<vmem_shared>>
          tpu.wait_dma2 semaphore(%run_scoped3A : memref<!tpu.dma_semaphore, #tpu.memory_space<semaphore_mem>>) src(%dma_wait3A_57 : memref<400x128xbf16, #tpu.memory_space<vmem_shared>>) dst(%dma_wait3A_54 : memref<400x128xbf16, #tpu.memory_space<hbm>>)
          tpu.yield
        }) : () -> ()
      } else {
      }
    } else {
    }
    return
  }
}

#map = affine_map<(d0, d1) -> (0, 0)>
#map1 = affine_map<(d0, d1) -> (0, 0, 0, 0)>
module attributes {stable_mosaic.version = 14 : i64} {
  func.func @conv_kernel(%arg0: i32, %arg1: i32, %arg2: memref<10000x128xbf16, #tpu.memory_space<hbm>>, %arg3: memref<10000x128xbf16, #tpu.memory_space<hbm>>, %arg4: memref<2x16x160x128xi32, #tpu.memory_space<hbm>>, %arg5: memref<2x16x160x128xi32, #tpu.memory_space<hbm>>, %arg6: memref<10000x128xbf16, #tpu.memory_space<hbm>>, %arg7: memref<10000x128xbf16, #tpu.memory_space<hbm>>, %arg8: memref<10240x128xbf16, #tpu.memory_space<vmem_shared>>, %arg9: memref<10240x128xbf16, #tpu.memory_space<vmem_shared>>, %arg10: memref<128x128xbf16, #tpu.memory_space<vmem>>, %arg11: memref<128x128xbf16, #tpu.memory_space<vmem>>, %arg12: memref<80x128xi32, #tpu.memory_space<vmem>>, %arg13: memref<80x128xi32, #tpu.memory_space<vmem>>, %arg14: memref<!tpu.dma_semaphore, #tpu.memory_space<semaphore_mem>>, %arg15: memref<!tpu.dma_semaphore, #tpu.memory_space<semaphore_mem>>) attributes {dimension_semantics = [#tpu.dimension_semantics<core_parallel>, #tpu.dimension_semantics<subcore_parallel>], iteration_bounds = array<i64: 2, 16>, scalar_prefetch = 0 : i64, scratch_operands = 8 : i64, tpu.core_type = #tpu.core_type<sc_vector_subcore>, window_params = [{transform_indices = #map}, {transform_indices = #map}, {transform_indices = #map1}, {transform_indices = #map1}, {transform_indices = #map}, {transform_indices = #map}]} {
    %scan3A = arith.constant 0 : i32
    %scan3A_0 = arith.constant 0 : i32
    %scan3A_1 = arith.constant 128 : i32
    %scan3A_2 = arith.addi %scan3A_0, %scan3A_1 : i32
    %scan3A_3 = arith.constant 1 : i32
    %scan3A_4 = scf.for %scan3A_13 = %scan3A_0 to %scan3A_2 step %scan3A_3 iter_args(%scan3A_14 = %scan3A) -> (i32)  : i32 {
      %scan3A_15 = arith.constant 0 : i32
      %scan3A_16 = arith.constant 0 : i32
      %scan3A_17 = arith.constant 4 : i32
      %scan3A_18 = arith.addi %scan3A_16, %scan3A_17 : i32
      %scan3A_19 = arith.constant 1 : i32
      %scan3A_20 = scf.for %scan3A_22 = %scan3A_16 to %scan3A_18 step %scan3A_19 iter_args(%scan3A_23 = %scan3A_15) -> (i32)  : i32 {
        %broadcast_in_dim3A = arith.constant 0.000000e+00 : bf16
        %broadcast_in_dim3A_24 = vector.broadcast %broadcast_in_dim3A : bf16 to vector<32xbf16>
        %mul3A = arith.constant 32 : i32
        %mul3A_25 = arith.muli %scan3A_22, %mul3A : i32
        %swap3A = arith.index_cast %scan3A_13 : i32 to index
        %swap3A_26 = arith.index_cast %mul3A_25 : i32 to index
        %swap3A_27 = tpu.vector_load %arg10[%swap3A, %swap3A_26] {strides = array<i32>} : memref<128x128xbf16, #tpu.memory_space<vmem>>, vector<1x32xbf16>,
        %swap3A_28 = vector.shape_cast %swap3A_27 : vector<1x32xbf16> to vector<32xbf16>
        %swap3A_29 = vector.shape_cast %broadcast_in_dim3A_24 : vector<32xbf16> to vector<1x32xbf16>
        tpu.vector_store %arg10[%swap3A, %swap3A_26], %swap3A_29 {strides = array<i32>} : memref<128x128xbf16, #tpu.memory_space<vmem>>, vector<1x32xbf16>,
        %scan3A_30 = arith.constant 0 : i32
        scf.yield %scan3A_30 : i32
      }
      %scan3A_21 = arith.constant 4 : i32
      scf.yield %scan3A_20 : i32
    }
    %scan3A_5 = arith.constant 128 : i32
    %eq3A = arith.constant 0 : i32
    %eq3A_6 = arith.cmpi eq, %arg0, %eq3A : i32
    %convert_element_type3A = arith.extui %eq3A_6 : i1 to i32
    %cond3A = arith.constant 0 : i32
    %cond3A_7 = arith.cmpi ne, %convert_element_type3A, %cond3A : i32
    scf.if %cond3A_7 {
      %mul3A = arith.constant 640 : i32
      %mul3A_13 = arith.muli %arg1, %mul3A : i32
      %lt3A = arith.constant 15 : i32
      %lt3A_14 = arith.cmpi slt, %arg1, %lt3A : i32
      %convert_element_type3A_15 = arith.extui %lt3A_14 : i1 to i32
      %cond3A_16 = arith.constant 0 : i32
      %cond3A_17 = arith.cmpi ne, %convert_element_type3A_15, %cond3A_16 : i32
      scf.if %cond3A_17 {
        "tpu.region"() ({
          %run_scoped3A = tpu.sem_alloc : memref<!tpu.dma_semaphore, #tpu.memory_space<semaphore_mem>>
          %dma_start3A = arith.constant 0 : i32
          %dma_start3A_48 = tpu.memref_slice %arg8[%mul3A_13, %dma_start3A] : memref<10240x128xbf16, #tpu.memory_space<vmem_shared>> -> memref<640x128xbf16, #tpu.memory_space<vmem_shared>>
          %dma_start3A_49 = arith.constant 0 : i32
          %dma_start3A_50 = tpu.memref_slice %arg2[%mul3A_13, %dma_start3A_49] : memref<10000x128xbf16, #tpu.memory_space<hbm>> -> memref<640x128xbf16, #tpu.memory_space<hbm>>
          tpu.enqueue_dma source(%dma_start3A_50 : memref<640x128xbf16, #tpu.memory_space<hbm>>) target(%dma_start3A_48 : memref<640x128xbf16, #tpu.memory_space<vmem_shared>>) target_semaphore(%run_scoped3A : memref<!tpu.dma_semaphore, #tpu.memory_space<semaphore_mem>>)
          %dma_wait3A = arith.constant 0 : i32
          %dma_wait3A_51 = tpu.memref_slice %arg8[%mul3A_13, %dma_wait3A] : memref<10240x128xbf16, #tpu.memory_space<vmem_shared>> -> memref<640x128xbf16, #tpu.memory_space<vmem_shared>>
          %dma_wait3A_52 = arith.constant 0 : i32
          %dma_wait3A_53 = tpu.memref_slice %arg2[%mul3A_13, %dma_wait3A_52] : memref<10000x128xbf16, #tpu.memory_space<hbm>> -> memref<640x128xbf16, #tpu.memory_space<hbm>>
          tpu.wait_dma2 semaphore(%run_scoped3A : memref<!tpu.dma_semaphore, #tpu.memory_space<semaphore_mem>>) src(%dma_wait3A_53 : memref<640x128xbf16, #tpu.memory_space<hbm>>) dst(%dma_wait3A_51 : memref<640x128xbf16, #tpu.memory_space<vmem_shared>>)
          tpu.yield
        }) : () -> ()
      } else {
      }
      %eq3A_18 = arith.constant 15 : i32
      %eq3A_19 = arith.cmpi eq, %arg1, %eq3A_18 : i32
      %convert_element_type3A_20 = arith.extui %eq3A_19 : i1 to i32
      %cond3A_21 = arith.constant 0 : i32
      %cond3A_22 = arith.cmpi ne, %convert_element_type3A_20, %cond3A_21 : i32
      scf.if %cond3A_22 {
        "tpu.region"() ({
          %run_scoped3A = tpu.sem_alloc : memref<!tpu.dma_semaphore, #tpu.memory_space<semaphore_mem>>
          %dma_start3A = arith.constant 9600 : i32
          %dma_start3A_48 = arith.constant 0 : i32
          %dma_start3A_49 = tpu.memref_slice %arg8[%dma_start3A, %dma_start3A_48] : memref<10240x128xbf16, #tpu.memory_space<vmem_shared>> -> memref<400x128xbf16, #tpu.memory_space<vmem_shared>>
          %dma_start3A_50 = arith.constant 9600 : i32
          %dma_start3A_51 = arith.constant 0 : i32
          %dma_start3A_52 = tpu.memref_slice %arg2[%dma_start3A_50, %dma_start3A_51] : memref<10000x128xbf16, #tpu.memory_space<hbm>> -> memref<400x128xbf16, #tpu.memory_space<hbm>>
          tpu.enqueue_dma source(%dma_start3A_52 : memref<400x128xbf16, #tpu.memory_space<hbm>>) target(%dma_start3A_49 : memref<400x128xbf16, #tpu.memory_space<vmem_shared>>) target_semaphore(%run_scoped3A : memref<!tpu.dma_semaphore, #tpu.memory_space<semaphore_mem>>)
          %dma_wait3A = arith.constant 9600 : i32
          %dma_wait3A_53 = arith.constant 0 : i32
          %dma_wait3A_54 = tpu.memref_slice %arg8[%dma_wait3A, %dma_wait3A_53] : memref<10240x128xbf16, #tpu.memory_space<vmem_shared>> -> memref<400x128xbf16, #tpu.memory_space<vmem_shared>>
          %dma_wait3A_55 = arith.constant 9600 : i32
          %dma_wait3A_56 = arith.constant 0 : i32
          %dma_wait3A_57 = tpu.memref_slice %arg2[%dma_wait3A_55, %dma_wait3A_56] : memref<10000x128xbf16, #tpu.memory_space<hbm>> -> memref<400x128xbf16, #tpu.memory_space<hbm>>
          tpu.wait_dma2 semaphore(%run_scoped3A : memref<!tpu.dma_semaphore, #tpu.memory_space<semaphore_mem>>) src(%dma_wait3A_57 : memref<400x128xbf16, #tpu.memory_space<hbm>>) dst(%dma_wait3A_54 : memref<400x128xbf16, #tpu.memory_space<vmem_shared>>)
          tpu.yield
        }) : () -> ()
      } else {
      }
      %scan3A_23 = arith.constant 0 : i32
      %scan3A_24 = arith.constant 0 : i32
      %scan3A_25 = arith.constant 5 : i32
      %scan3A_26 = arith.addi %scan3A_24, %scan3A_25 : i32
      %scan3A_27 = arith.constant 1 : i32
      %scan3A_28 = scf.for %scan3A_48 = %scan3A_24 to %scan3A_26 step %scan3A_27 iter_args(%scan3A_49 = %scan3A_23) -> (i32)  : i32 {
        %mul3A_50 = arith.constant 128 : i32
        %mul3A_51 = arith.muli %scan3A_48, %mul3A_50 : i32
        %add3A = arith.addi %mul3A_13, %mul3A_51 : i32
        "tpu.region"() ({
          %run_scoped3A = tpu.sem_alloc : memref<!tpu.dma_semaphore, #tpu.memory_space<semaphore_mem>>
          %dma_start3A = arith.constant 0 : i32
          %dma_start3A_53 = tpu.memref_slice %arg9[%add3A, %dma_start3A] : memref<10240x128xbf16, #tpu.memory_space<vmem_shared>> -> memref<128x128xbf16, #tpu.memory_space<vmem_shared>>
          %dma_start3A_54 = arith.constant 0 : i32
          %dma_start3A_55 = tpu.memref_slice %arg9[%add3A, %dma_start3A_54] : memref<10240x128xbf16, #tpu.memory_space<vmem_shared>> -> memref<128x128xbf16, #tpu.memory_space<vmem_shared>>
          tpu.enqueue_dma source(%arg10 : memref<128x128xbf16, #tpu.memory_space<vmem>>) target(%dma_start3A_55 : memref<128x128xbf16, #tpu.memory_space<vmem_shared>>) target_semaphore(%run_scoped3A : memref<!tpu.dma_semaphore, #tpu.memory_space<semaphore_mem>>)
          %dma_wait3A = arith.constant 0 : i32
          %dma_wait3A_56 = tpu.memref_slice %arg9[%add3A, %dma_wait3A] : memref<10240x128xbf16, #tpu.memory_space<vmem_shared>> -> memref<128x128xbf16, #tpu.memory_space<vmem_shared>>
          %dma_wait3A_57 = arith.constant 0 : i32
          %dma_wait3A_58 = tpu.memref_slice %arg9[%add3A, %dma_wait3A_57] : memref<10240x128xbf16, #tpu.memory_space<vmem_shared>> -> memref<128x128xbf16, #tpu.memory_space<vmem_shared>>
          tpu.wait_dma2 semaphore(%run_scoped3A : memref<!tpu.dma_semaphore, #tpu.memory_space<semaphore_mem>>) src(%arg10 : memref<128x128xbf16, #tpu.memory_space<vmem>>) dst(%dma_wait3A_58 : memref<128x128xbf16, #tpu.memory_space<vmem_shared>>)
          tpu.yield
        }) : () -> ()
        %scan3A_52 = arith.constant 0 : i32
        scf.yield %scan3A_52 : i32
      }
      %scan3A_29 = arith.constant 5 : i32
      %barrier3A = arith.constant 0 : index
      tpu.barrier barrier_id(%barrier3A)
      %scan3A_30 = arith.constant 0 : i32
      %scan3A_31 = arith.constant 0 : i32
      %scan3A_32 = arith.constant 2 : i32
      %scan3A_33 = arith.addi %scan3A_31, %scan3A_32 : i32
      %scan3A_34 = arith.constant 1 : i32
      %scan3A_35 = scf.for %scan3A_48 = %scan3A_31 to %scan3A_33 step %scan3A_34 iter_args(%scan3A_49 = %scan3A_30) -> (i32)  : i32 {
        %mul3A_50 = arith.constant 80 : i32
        %mul3A_51 = arith.muli %scan3A_48, %mul3A_50 : i32
        %run_scoped3A = arith.constant 0 : i32
        "tpu.region"() ({
          %run_scoped3A_76 = tpu.sem_alloc : memref<!tpu.dma_semaphore, #tpu.memory_space<semaphore_mem>>
          %dma_start3A_77 = arith.constant 0 : i32
          %dma_start3A_78 = tpu.memref_slice %arg4[%run_scoped3A, %arg1, %mul3A_51, %dma_start3A_77] : memref<2x16x160x128xi32, #tpu.memory_space<hbm>> -> memref<1x1x80x128xi32, #tpu.memory_space<hbm>>
          %dma_start3A_79 = tpu.memref_squeeze %dma_start3A_78 : memref<1x1x80x128xi32, #tpu.memory_space<hbm>> -> memref<80x128xi32, #tpu.memory_space<hbm>>
          %dma_start3A_80 = arith.constant 0 : i32
          %dma_start3A_81 = tpu.memref_slice %arg4[%run_scoped3A, %arg1, %mul3A_51, %dma_start3A_80] : memref<2x16x160x128xi32, #tpu.memory_space<hbm>> -> memref<1x1x80x128xi32, #tpu.memory_space<hbm>>
          %dma_start3A_82 = tpu.memref_squeeze %dma_start3A_81 : memref<1x1x80x128xi32, #tpu.memory_space<hbm>> -> memref<80x128xi32, #tpu.memory_space<hbm>>
          tpu.enqueue_dma source(%dma_start3A_82 : memref<80x128xi32, #tpu.memory_space<hbm>>) target(%arg12 : memref<80x128xi32, #tpu.memory_space<vmem>>) target_semaphore(%run_scoped3A_76 : memref<!tpu.dma_semaphore, #tpu.memory_space<semaphore_mem>>)
          %dma_wait3A = arith.constant 0 : i32
          %dma_wait3A_83 = tpu.memref_slice %arg4[%run_scoped3A, %arg1, %mul3A_51, %dma_wait3A] : memref<2x16x160x128xi32, #tpu.memory_space<hbm>> -> memref<1x1x80x128xi32, #tpu.memory_space<hbm>>
          %dma_wait3A_84 = tpu.memref_squeeze %dma_wait3A_83 : memref<1x1x80x128xi32, #tpu.memory_space<hbm>> -> memref<80x128xi32, #tpu.memory_space<hbm>>
          %dma_wait3A_85 = arith.constant 0 : i32
          %dma_wait3A_86 = tpu.memref_slice %arg4[%run_scoped3A, %arg1, %mul3A_51, %dma_wait3A_85] : memref<2x16x160x128xi32, #tpu.memory_space<hbm>> -> memref<1x1x80x128xi32, #tpu.memory_space<hbm>>
          %dma_wait3A_87 = tpu.memref_squeeze %dma_wait3A_86 : memref<1x1x80x128xi32, #tpu.memory_space<hbm>> -> memref<80x128xi32, #tpu.memory_space<hbm>>
          tpu.wait_dma2 semaphore(%run_scoped3A_76 : memref<!tpu.dma_semaphore, #tpu.memory_space<semaphore_mem>>) src(%dma_wait3A_87 : memref<80x128xi32, #tpu.memory_space<hbm>>) dst(%arg12 : memref<80x128xi32, #tpu.memory_space<vmem>>)
          tpu.yield
        }) : () -> ()
        %mul3A_52 = arith.constant 80 : i32
        %mul3A_53 = arith.muli %scan3A_48, %mul3A_52 : i32
        %run_scoped3A_54 = arith.constant 1 : i32
        "tpu.region"() ({
          %run_scoped3A_76 = tpu.sem_alloc : memref<!tpu.dma_semaphore, #tpu.memory_space<semaphore_mem>>
          %dma_start3A_77 = arith.constant 0 : i32
          %dma_start3A_78 = tpu.memref_slice %arg4[%run_scoped3A_54, %arg1, %mul3A_53, %dma_start3A_77] : memref<2x16x160x128xi32, #tpu.memory_space<hbm>> -> memref<1x1x80x128xi32, #tpu.memory_space<hbm>>
          %dma_start3A_79 = tpu.memref_squeeze %dma_start3A_78 : memref<1x1x80x128xi32, #tpu.memory_space<hbm>> -> memref<80x128xi32, #tpu.memory_space<hbm>>
          %dma_start3A_80 = arith.constant 0 : i32
          %dma_start3A_81 = tpu.memref_slice %arg4[%run_scoped3A_54, %arg1, %mul3A_53, %dma_start3A_80] : memref<2x16x160x128xi32, #tpu.memory_space<hbm>> -> memref<1x1x80x128xi32, #tpu.memory_space<hbm>>
          %dma_start3A_82 = tpu.memref_squeeze %dma_start3A_81 : memref<1x1x80x128xi32, #tpu.memory_space<hbm>> -> memref<80x128xi32, #tpu.memory_space<hbm>>
          tpu.enqueue_dma source(%dma_start3A_82 : memref<80x128xi32, #tpu.memory_space<hbm>>) target(%arg13 : memref<80x128xi32, #tpu.memory_space<vmem>>) target_semaphore(%run_scoped3A_76 : memref<!tpu.dma_semaphore, #tpu.memory_space<semaphore_mem>>)
          %dma_wait3A = arith.constant 0 : i32
          %dma_wait3A_83 = tpu.memref_slice %arg4[%run_scoped3A_54, %arg1, %mul3A_53, %dma_wait3A] : memref<2x16x160x128xi32, #tpu.memory_space<hbm>> -> memref<1x1x80x128xi32, #tpu.memory_space<hbm>>
          %dma_wait3A_84 = tpu.memref_squeeze %dma_wait3A_83 : memref<1x1x80x128xi32, #tpu.memory_space<hbm>> -> memref<80x128xi32, #tpu.memory_space<hbm>>
          %dma_wait3A_85 = arith.constant 0 : i32
          %dma_wait3A_86 = tpu.memref_slice %arg4[%run_scoped3A_54, %arg1, %mul3A_53, %dma_wait3A_85] : memref<2x16x160x128xi32, #tpu.memory_space<hbm>> -> memref<1x1x80x128xi32, #tpu.memory_space<hbm>>
          %dma_wait3A_87 = tpu.memref_squeeze %dma_wait3A_86 : memref<1x1x80x128xi32, #tpu.memory_space<hbm>> -> memref<80x128xi32, #tpu.memory_space<hbm>>
          tpu.wait_dma2 semaphore(%run_scoped3A_76 : memref<!tpu.dma_semaphore, #tpu.memory_space<semaphore_mem>>) src(%dma_wait3A_87 : memref<80x128xi32, #tpu.memory_space<hbm>>) dst(%arg13 : memref<80x128xi32, #tpu.memory_space<vmem>>)
          tpu.yield
        }) : () -> ()
        %dma_start3A = arith.constant 0 : i32
        %dma_start3A_55 = arith.constant 0 : i32
        %dma_start3A_56 = tpu.memref_slice %arg12[%dma_start3A, %dma_start3A_55] : memref<80x128xi32, #tpu.memory_space<vmem>> -> memref<1x128xi32, #tpu.memory_space<vmem>>
        %dma_start3A_57 = tpu.memref_squeeze %dma_start3A_56 : memref<1x128xi32, #tpu.memory_space<vmem>> -> memref<128xi32, #tpu.memory_space<vmem>>
        %dma_start3A_58 = arith.constant 0 : i32
        %dma_start3A_59 = arith.constant 0 : i32
        %dma_start3A_60 = tpu.memref_slice %arg8[%dma_start3A_58, %dma_start3A_59] : memref<10240x128xbf16, #tpu.memory_space<vmem_shared>> -> memref<10240x128xbf16, #tpu.memory_space<vmem_shared>>
        tpu.enqueue_indirect_dma source(%dma_start3A_60 : memref<10240x128xbf16, #tpu.memory_space<vmem_shared>>) target(%arg10 : memref<128x128xbf16, #tpu.memory_space<vmem>>) offsets(%dma_start3A_57 : memref<128xi32, #tpu.memory_space<vmem>>) semaphore(%arg14 : memref<!tpu.dma_semaphore, #tpu.memory_space<semaphore_mem>>)
        %dma_start3A_61 = arith.constant 1 : i32
        %dma_start3A_62 = arith.constant 0 : i32
        %dma_start3A_63 = tpu.memref_slice %arg12[%dma_start3A_61, %dma_start3A_62] : memref<80x128xi32, #tpu.memory_space<vmem>> -> memref<1x128xi32, #tpu.memory_space<vmem>>
        %dma_start3A_64 = tpu.memref_squeeze %dma_start3A_63 : memref<1x128xi32, #tpu.memory_space<vmem>> -> memref<128xi32, #tpu.memory_space<vmem>>
        %dma_start3A_65 = arith.constant 0 : i32
        %dma_start3A_66 = arith.constant 0 : i32
        %dma_start3A_67 = tpu.memref_slice %arg8[%dma_start3A_65, %dma_start3A_66] : memref<10240x128xbf16, #tpu.memory_space<vmem_shared>> -> memref<10240x128xbf16, #tpu.memory_space<vmem_shared>>
        tpu.enqueue_indirect_dma source(%dma_start3A_67 : memref<10240x128xbf16, #tpu.memory_space<vmem_shared>>) target(%arg11 : memref<128x128xbf16, #tpu.memory_space<vmem>>) offsets(%dma_start3A_64 : memref<128xi32, #tpu.memory_space<vmem>>) semaphore(%arg15 : memref<!tpu.dma_semaphore, #tpu.memory_space<semaphore_mem>>)
        %scan3A_68 = arith.constant 0 : i32
        %scan3A_69 = arith.constant 0 : i32
        %scan3A_70 = arith.constant 40 : i32
        %scan3A_71 = arith.addi %scan3A_69, %scan3A_70 : i32
        %scan3A_72 = arith.constant 1 : i32
        %scan3A_73 = scf.for %scan3A_76 = %scan3A_69 to %scan3A_71 step %scan3A_72 iter_args(%scan3A_77 = %scan3A_68) -> (i32)  : i32 {
          %mul3A_78 = arith.constant 2 : i32
          %mul3A_79 = arith.muli %scan3A_76, %mul3A_78 : i32
          %add3A = arith.constant 0 : i32
          %add3A_80 = arith.addi %mul3A_79, %add3A : i32
          %dma_wait3A = arith.constant 0 : i32
          %dma_wait3A_81 = tpu.memref_slice %arg12[%add3A_80, %dma_wait3A] : memref<80x128xi32, #tpu.memory_space<vmem>> -> memref<1x128xi32, #tpu.memory_space<vmem>>
          %dma_wait3A_82 = tpu.memref_squeeze %dma_wait3A_81 : memref<1x128xi32, #tpu.memory_space<vmem>> -> memref<128xi32, #tpu.memory_space<vmem>>
          %dma_wait3A_83 = arith.constant 0 : i32
          %dma_wait3A_84 = arith.constant 0 : i32
          %dma_wait3A_85 = tpu.memref_slice %arg8[%dma_wait3A_83, %dma_wait3A_84] : memref<10240x128xbf16, #tpu.memory_space<vmem_shared>> -> memref<10240x128xbf16, #tpu.memory_space<vmem_shared>>
          tpu.wait_indirect_dma semaphore(%arg14 : memref<!tpu.dma_semaphore, #tpu.memory_space<semaphore_mem>>) src(%dma_wait3A_85 : memref<10240x128xbf16, #tpu.memory_space<vmem_shared>>) dst(%arg10 : memref<128x128xbf16, #tpu.memory_space<vmem>>)
          "tpu.region"() ({
            %run_scoped3A_111 = tpu.sem_alloc : memref<!tpu.dma_semaphore, #tpu.memory_space<semaphore_mem>>
            %dma_start3A_112 = arith.constant 0 : i32
            %dma_start3A_113 = tpu.memref_slice %arg13[%add3A_80, %dma_start3A_112] : memref<80x128xi32, #tpu.memory_space<vmem>> -> memref<1x128xi32, #tpu.memory_space<vmem>>
            %dma_start3A_114 = tpu.memref_squeeze %dma_start3A_113 : memref<1x128xi32, #tpu.memory_space<vmem>> -> memref<128xi32, #tpu.memory_space<vmem>>
            %dma_start3A_115 = arith.constant 0 : i32
            %dma_start3A_116 = arith.constant 0 : i32
            %dma_start3A_117 = tpu.memref_slice %arg9[%dma_start3A_115, %dma_start3A_116] : memref<10240x128xbf16, #tpu.memory_space<vmem_shared>> -> memref<10240x128xbf16, #tpu.memory_space<vmem_shared>>
            tpu.enqueue_indirect_dma source(%arg10 : memref<128x128xbf16, #tpu.memory_space<vmem>>) target(%dma_start3A_117 : memref<10240x128xbf16, #tpu.memory_space<vmem_shared>>) offsets(%dma_start3A_114 : memref<128xi32, #tpu.memory_space<vmem>>) semaphore(%run_scoped3A_111 : memref<!tpu.dma_semaphore, #tpu.memory_space<semaphore_mem>>) {add = true}
            %dma_wait3A_118 = arith.constant 0 : i32
            %dma_wait3A_119 = tpu.memref_slice %arg13[%add3A_80, %dma_wait3A_118] : memref<80x128xi32, #tpu.memory_space<vmem>> -> memref<1x128xi32, #tpu.memory_space<vmem>>
            %dma_wait3A_120 = tpu.memref_squeeze %dma_wait3A_119 : memref<1x128xi32, #tpu.memory_space<vmem>> -> memref<128xi32, #tpu.memory_space<vmem>>
            %dma_wait3A_121 = arith.constant 0 : i32
            %dma_wait3A_122 = arith.constant 0 : i32
            %dma_wait3A_123 = tpu.memref_slice %arg9[%dma_wait3A_121, %dma_wait3A_122] : memref<10240x128xbf16, #tpu.memory_space<vmem_shared>> -> memref<10240x128xbf16, #tpu.memory_space<vmem_shared>>
            tpu.wait_indirect_dma semaphore(%run_scoped3A_111 : memref<!tpu.dma_semaphore, #tpu.memory_space<semaphore_mem>>) src(%arg10 : memref<128x128xbf16, #tpu.memory_space<vmem>>) dst(%dma_wait3A_123 : memref<10240x128xbf16, #tpu.memory_space<vmem_shared>>)
            tpu.yield
          }) : () -> ()
          %add3A_86 = arith.constant 2 : i32
          %add3A_87 = arith.addi %add3A_80, %add3A_86 : i32
          %lt3A_88 = arith.constant 80 : i32
          %lt3A_89 = arith.cmpi slt, %add3A_87, %lt3A_88 : i32
          %convert_element_type3A_90 = arith.extui %lt3A_89 : i1 to i32
          %cond3A_91 = arith.constant 0 : i32
          %cond3A_92 = arith.cmpi ne, %convert_element_type3A_90, %cond3A_91 : i32
          scf.if %cond3A_92 {
            %add3A_111 = arith.constant 2 : i32
            %add3A_112 = arith.addi %add3A_80, %add3A_111 : i32
            %dma_start3A_113 = arith.constant 0 : i32
            %dma_start3A_114 = tpu.memref_slice %arg12[%add3A_112, %dma_start3A_113] : memref<80x128xi32, #tpu.memory_space<vmem>> -> memref<1x128xi32, #tpu.memory_space<vmem>>
            %dma_start3A_115 = tpu.memref_squeeze %dma_start3A_114 : memref<1x128xi32, #tpu.memory_space<vmem>> -> memref<128xi32, #tpu.memory_space<vmem>>
            %dma_start3A_116 = arith.constant 0 : i32
            %dma_start3A_117 = arith.constant 0 : i32
            %dma_start3A_118 = tpu.memref_slice %arg8[%dma_start3A_116, %dma_start3A_117] : memref<10240x128xbf16, #tpu.memory_space<vmem_shared>> -> memref<10240x128xbf16, #tpu.memory_space<vmem_shared>>
            tpu.enqueue_indirect_dma source(%dma_start3A_118 : memref<10240x128xbf16, #tpu.memory_space<vmem_shared>>) target(%arg10 : memref<128x128xbf16, #tpu.memory_space<vmem>>) offsets(%dma_start3A_115 : memref<128xi32, #tpu.memory_space<vmem>>) semaphore(%arg14 : memref<!tpu.dma_semaphore, #tpu.memory_space<semaphore_mem>>)
          } else {
          }
          %mul3A_93 = arith.constant 2 : i32
          %mul3A_94 = arith.muli %scan3A_76, %mul3A_93 : i32
          %add3A_95 = arith.constant 1 : i32
          %add3A_96 = arith.addi %mul3A_94, %add3A_95 : i32
          %dma_wait3A_97 = arith.constant 0 : i32
          %dma_wait3A_98 = tpu.memref_slice %arg12[%add3A_96, %dma_wait3A_97] : memref<80x128xi32, #tpu.memory_space<vmem>> -> memref<1x128xi32, #tpu.memory_space<vmem>>
          %dma_wait3A_99 = tpu.memref_squeeze %dma_wait3A_98 : memref<1x128xi32, #tpu.memory_space<vmem>> -> memref<128xi32, #tpu.memory_space<vmem>>
          %dma_wait3A_100 = arith.constant 0 : i32
          %dma_wait3A_101 = arith.constant 0 : i32
          %dma_wait3A_102 = tpu.memref_slice %arg8[%dma_wait3A_100, %dma_wait3A_101] : memref<10240x128xbf16, #tpu.memory_space<vmem_shared>> -> memref<10240x128xbf16, #tpu.memory_space<vmem_shared>>
          tpu.wait_indirect_dma semaphore(%arg15 : memref<!tpu.dma_semaphore, #tpu.memory_space<semaphore_mem>>) src(%dma_wait3A_102 : memref<10240x128xbf16, #tpu.memory_space<vmem_shared>>) dst(%arg11 : memref<128x128xbf16, #tpu.memory_space<vmem>>)
          "tpu.region"() ({
            %run_scoped3A_111 = tpu.sem_alloc : memref<!tpu.dma_semaphore, #tpu.memory_space<semaphore_mem>>
            %dma_start3A_112 = arith.constant 0 : i32
            %dma_start3A_113 = tpu.memref_slice %arg13[%add3A_96, %dma_start3A_112] : memref<80x128xi32, #tpu.memory_space<vmem>> -> memref<1x128xi32, #tpu.memory_space<vmem>>
            %dma_start3A_114 = tpu.memref_squeeze %dma_start3A_113 : memref<1x128xi32, #tpu.memory_space<vmem>> -> memref<128xi32, #tpu.memory_space<vmem>>
            %dma_start3A_115 = arith.constant 0 : i32
            %dma_start3A_116 = arith.constant 0 : i32
            %dma_start3A_117 = tpu.memref_slice %arg9[%dma_start3A_115, %dma_start3A_116] : memref<10240x128xbf16, #tpu.memory_space<vmem_shared>> -> memref<10240x128xbf16, #tpu.memory_space<vmem_shared>>
            tpu.enqueue_indirect_dma source(%arg11 : memref<128x128xbf16, #tpu.memory_space<vmem>>) target(%dma_start3A_117 : memref<10240x128xbf16, #tpu.memory_space<vmem_shared>>) offsets(%dma_start3A_114 : memref<128xi32, #tpu.memory_space<vmem>>) semaphore(%run_scoped3A_111 : memref<!tpu.dma_semaphore, #tpu.memory_space<semaphore_mem>>) {add = true}
            %dma_wait3A_118 = arith.constant 0 : i32
            %dma_wait3A_119 = tpu.memref_slice %arg13[%add3A_96, %dma_wait3A_118] : memref<80x128xi32, #tpu.memory_space<vmem>> -> memref<1x128xi32, #tpu.memory_space<vmem>>
            %dma_wait3A_120 = tpu.memref_squeeze %dma_wait3A_119 : memref<1x128xi32, #tpu.memory_space<vmem>> -> memref<128xi32, #tpu.memory_space<vmem>>
            %dma_wait3A_121 = arith.constant 0 : i32
            %dma_wait3A_122 = arith.constant 0 : i32
            %dma_wait3A_123 = tpu.memref_slice %arg9[%dma_wait3A_121, %dma_wait3A_122] : memref<10240x128xbf16, #tpu.memory_space<vmem_shared>> -> memref<10240x128xbf16, #tpu.memory_space<vmem_shared>>
            tpu.wait_indirect_dma semaphore(%run_scoped3A_111 : memref<!tpu.dma_semaphore, #tpu.memory_space<semaphore_mem>>) src(%arg11 : memref<128x128xbf16, #tpu.memory_space<vmem>>) dst(%dma_wait3A_123 : memref<10240x128xbf16, #tpu.memory_space<vmem_shared>>)
            tpu.yield
          }) : () -> ()
          %add3A_103 = arith.constant 2 : i32
          %add3A_104 = arith.addi %add3A_96, %add3A_103 : i32
          %lt3A_105 = arith.constant 80 : i32
          %lt3A_106 = arith.cmpi slt, %add3A_104, %lt3A_105 : i32
          %convert_element_type3A_107 = arith.extui %lt3A_106 : i1 to i32
          %cond3A_108 = arith.constant 0 : i32
          %cond3A_109 = arith.cmpi ne, %convert_element_type3A_107, %cond3A_108 : i32
          scf.if %cond3A_109 {
            %add3A_111 = arith.constant 2 : i32
            %add3A_112 = arith.addi %add3A_96, %add3A_111 : i32
            %dma_start3A_113 = arith.constant 0 : i32
            %dma_start3A_114 = tpu.memref_slice %arg12[%add3A_112, %dma_start3A_113] : memref<80x128xi32, #tpu.memory_space<vmem>> -> memref<1x128xi32, #tpu.memory_space<vmem>>
            %dma_start3A_115 = tpu.memref_squeeze %dma_start3A_114 : memref<1x128xi32, #tpu.memory_space<vmem>> -> memref<128xi32, #tpu.memory_space<vmem>>
            %dma_start3A_116 = arith.constant 0 : i32
            %dma_start3A_117 = arith.constant 0 : i32
            %dma_start3A_118 = tpu.memref_slice %arg8[%dma_start3A_116, %dma_start3A_117] : memref<10240x128xbf16, #tpu.memory_space<vmem_shared>> -> memref<10240x128xbf16, #tpu.memory_space<vmem_shared>>
            tpu.enqueue_indirect_dma source(%dma_start3A_118 : memref<10240x128xbf16, #tpu.memory_space<vmem_shared>>) target(%arg11 : memref<128x128xbf16, #tpu.memory_space<vmem>>) offsets(%dma_start3A_115 : memref<128xi32, #tpu.memory_space<vmem>>) semaphore(%arg15 : memref<!tpu.dma_semaphore, #tpu.memory_space<semaphore_mem>>)
          } else {
          }
          %scan3A_110 = arith.constant 0 : i32
          scf.yield %scan3A_110 : i32
        }
        %scan3A_74 = arith.constant 40 : i32
        %scan3A_75 = arith.constant 0 : i32
        scf.yield %scan3A_75 : i32
      }
      %scan3A_36 = arith.constant 2 : i32
      %barrier3A_37 = arith.constant 0 : index
      tpu.barrier barrier_id(%barrier3A_37)
      %lt3A_38 = arith.constant 15 : i32
      %lt3A_39 = arith.cmpi slt, %arg1, %lt3A_38 : i32
      %convert_element_type3A_40 = arith.extui %lt3A_39 : i1 to i32
      %cond3A_41 = arith.constant 0 : i32
      %cond3A_42 = arith.cmpi ne, %convert_element_type3A_40, %cond3A_41 : i32
      scf.if %cond3A_42 {
        "tpu.region"() ({
          %run_scoped3A = tpu.sem_alloc : memref<!tpu.dma_semaphore, #tpu.memory_space<semaphore_mem>>
          %dma_start3A = arith.constant 0 : i32
          %dma_start3A_48 = tpu.memref_slice %arg6[%mul3A_13, %dma_start3A] : memref<10000x128xbf16, #tpu.memory_space<hbm>> -> memref<640x128xbf16, #tpu.memory_space<hbm>>
          %dma_start3A_49 = arith.constant 0 : i32
          %dma_start3A_50 = tpu.memref_slice %arg9[%mul3A_13, %dma_start3A_49] : memref<10240x128xbf16, #tpu.memory_space<vmem_shared>> -> memref<640x128xbf16, #tpu.memory_space<vmem_shared>>
          tpu.enqueue_dma source(%dma_start3A_50 : memref<640x128xbf16, #tpu.memory_space<vmem_shared>>) target(%dma_start3A_48 : memref<640x128xbf16, #tpu.memory_space<hbm>>) target_semaphore(%run_scoped3A : memref<!tpu.dma_semaphore, #tpu.memory_space<semaphore_mem>>)
          %dma_wait3A = arith.constant 0 : i32
          %dma_wait3A_51 = tpu.memref_slice %arg6[%mul3A_13, %dma_wait3A] : memref<10000x128xbf16, #tpu.memory_space<hbm>> -> memref<640x128xbf16, #tpu.memory_space<hbm>>
          %dma_wait3A_52 = arith.constant 0 : i32
          %dma_wait3A_53 = tpu.memref_slice %arg9[%mul3A_13, %dma_wait3A_52] : memref<10240x128xbf16, #tpu.memory_space<vmem_shared>> -> memref<640x128xbf16, #tpu.memory_space<vmem_shared>>
          tpu.wait_dma2 semaphore(%run_scoped3A : memref<!tpu.dma_semaphore, #tpu.memory_space<semaphore_mem>>) src(%dma_wait3A_53 : memref<640x128xbf16, #tpu.memory_space<vmem_shared>>) dst(%dma_wait3A_51 : memref<640x128xbf16, #tpu.memory_space<hbm>>)
          tpu.yield
        }) : () -> ()
      } else {
      }
      %eq3A_43 = arith.constant 15 : i32
      %eq3A_44 = arith.cmpi eq, %arg1, %eq3A_43 : i32
      %convert_element_type3A_45 = arith.extui %eq3A_44 : i1 to i32
      %cond3A_46 = arith.constant 0 : i32
      %cond3A_47 = arith.cmpi ne, %convert_element_type3A_45, %cond3A_46 : i32
      scf.if %cond3A_47 {
        "tpu.region"() ({
          %run_scoped3A = tpu.sem_alloc : memref<!tpu.dma_semaphore, #tpu.memory_space<semaphore_mem>>
          %dma_start3A = arith.constant 9600 : i32
          %dma_start3A_48 = arith.constant 0 : i32
          %dma_start3A_49 = tpu.memref_slice %arg6[%dma_start3A, %dma_start3A_48] : memref<10000x128xbf16, #tpu.memory_space<hbm>> -> memref<400x128xbf16, #tpu.memory_space<hbm>>
          %dma_start3A_50 = arith.constant 9600 : i32
          %dma_start3A_51 = arith.constant 0 : i32
          %dma_start3A_52 = tpu.memref_slice %arg9[%dma_start3A_50, %dma_start3A_51] : memref<10240x128xbf16, #tpu.memory_space<vmem_shared>> -> memref<400x128xbf16, #tpu.memory_space<vmem_shared>>
          tpu.enqueue_dma source(%dma_start3A_52 : memref<400x128xbf16, #tpu.memory_space<vmem_shared>>) target(%dma_start3A_49 : memref<400x128xbf16, #tpu.memory_space<hbm>>) target_semaphore(%run_scoped3A : memref<!tpu.dma_semaphore, #tpu.memory_space<semaphore_mem>>)
          %dma_wait3A = arith.constant 9600 : i32
          %dma_wait3A_53 = arith.constant 0 : i32
          %dma_wait3A_54 = tpu.memref_slice %arg6[%dma_wait3A, %dma_wait3A_53] : memref<10000x128xbf16, #tpu.memory_space<hbm>> -> memref<400x128xbf16, #tpu.memory_space<hbm>>
          %dma_wait3A_55 = arith.constant 9600 : i32
          %dma_wait3A_56 = arith.constant 0 : i32
          %dma_wait3A_57 = tpu.memref_slice %arg9[%dma_wait3A_55, %dma_wait3A_56] : memref<10240x128xbf16, #tpu.memory_space<vmem_shared>> -> memref<400x128xbf16, #tpu.memory_space<vmem_shared>>
          tpu.wait_dma2 semaphore(%run_scoped3A : memref<!tpu.dma_semaphore, #tpu.memory_space<semaphore_mem>>) src(%dma_wait3A_57 : memref<400x128xbf16, #tpu.memory_space<vmem_shared>>) dst(%dma_wait3A_54 : memref<400x128xbf16, #tpu.memory_space<hbm>>)
          tpu.yield
        }) : () -> ()
      } else {
      }
    } else {
    }
    %eq3A_8 = arith.constant 1 : i32
    %eq3A_9 = arith.cmpi eq, %arg0, %eq3A_8 : i32
    %convert_element_type3A_10 = arith.extui %eq3A_9 : i1 to i32
    %cond3A_11 = arith.constant 0 : i32
    %cond3A_12 = arith.cmpi ne, %convert_element_type3A_10, %cond3A_11 : i32
    scf.if %cond3A_12 {
      %mul3A = arith.constant 640 : i32
      %mul3A_13 = arith.muli %arg1, %mul3A : i32
      %lt3A = arith.constant 15 : i32
      %lt3A_14 = arith.cmpi slt, %arg1, %lt3A : i32
      %convert_element_type3A_15 = arith.extui %lt3A_14 : i1 to i32
      %cond3A_16 = arith.constant 0 : i32
      %cond3A_17 = arith.cmpi ne, %convert_element_type3A_15, %cond3A_16 : i32
      scf.if %cond3A_17 {
        "tpu.region"() ({
          %run_scoped3A = tpu.sem_alloc : memref<!tpu.dma_semaphore, #tpu.memory_space<semaphore_mem>>
          %dma_start3A = arith.constant 0 : i32
          %dma_start3A_48 = tpu.memref_slice %arg8[%mul3A_13, %dma_start3A] : memref<10240x128xbf16, #tpu.memory_space<vmem_shared>> -> memref<640x128xbf16, #tpu.memory_space<vmem_shared>>
          %dma_start3A_49 = arith.constant 0 : i32
          %dma_start3A_50 = tpu.memref_slice %arg3[%mul3A_13, %dma_start3A_49] : memref<10000x128xbf16, #tpu.memory_space<hbm>> -> memref<640x128xbf16, #tpu.memory_space<hbm>>
          tpu.enqueue_dma source(%dma_start3A_50 : memref<640x128xbf16, #tpu.memory_space<hbm>>) target(%dma_start3A_48 : memref<640x128xbf16, #tpu.memory_space<vmem_shared>>) target_semaphore(%run_scoped3A : memref<!tpu.dma_semaphore, #tpu.memory_space<semaphore_mem>>)
          %dma_wait3A = arith.constant 0 : i32
          %dma_wait3A_51 = tpu.memref_slice %arg8[%mul3A_13, %dma_wait3A] : memref<10240x128xbf16, #tpu.memory_space<vmem_shared>> -> memref<640x128xbf16, #tpu.memory_space<vmem_shared>>
          %dma_wait3A_52 = arith.constant 0 : i32
          %dma_wait3A_53 = tpu.memref_slice %arg3[%mul3A_13, %dma_wait3A_52] : memref<10000x128xbf16, #tpu.memory_space<hbm>> -> memref<640x128xbf16, #tpu.memory_space<hbm>>
          tpu.wait_dma2 semaphore(%run_scoped3A : memref<!tpu.dma_semaphore, #tpu.memory_space<semaphore_mem>>) src(%dma_wait3A_53 : memref<640x128xbf16, #tpu.memory_space<hbm>>) dst(%dma_wait3A_51 : memref<640x128xbf16, #tpu.memory_space<vmem_shared>>)
          tpu.yield
        }) : () -> ()
      } else {
      }
      %eq3A_18 = arith.constant 15 : i32
      %eq3A_19 = arith.cmpi eq, %arg1, %eq3A_18 : i32
      %convert_element_type3A_20 = arith.extui %eq3A_19 : i1 to i32
      %cond3A_21 = arith.constant 0 : i32
      %cond3A_22 = arith.cmpi ne, %convert_element_type3A_20, %cond3A_21 : i32
      scf.if %cond3A_22 {
        "tpu.region"() ({
          %run_scoped3A = tpu.sem_alloc : memref<!tpu.dma_semaphore, #tpu.memory_space<semaphore_mem>>
          %dma_start3A = arith.constant 9600 : i32
          %dma_start3A_48 = arith.constant 0 : i32
          %dma_start3A_49 = tpu.memref_slice %arg8[%dma_start3A, %dma_start3A_48] : memref<10240x128xbf16, #tpu.memory_space<vmem_shared>> -> memref<400x128xbf16, #tpu.memory_space<vmem_shared>>
          %dma_start3A_50 = arith.constant 9600 : i32
          %dma_start3A_51 = arith.constant 0 : i32
          %dma_start3A_52 = tpu.memref_slice %arg3[%dma_start3A_50, %dma_start3A_51] : memref<10000x128xbf16, #tpu.memory_space<hbm>> -> memref<400x128xbf16, #tpu.memory_space<hbm>>
          tpu.enqueue_dma source(%dma_start3A_52 : memref<400x128xbf16, #tpu.memory_space<hbm>>) target(%dma_start3A_49 : memref<400x128xbf16, #tpu.memory_space<vmem_shared>>) target_semaphore(%run_scoped3A : memref<!tpu.dma_semaphore, #tpu.memory_space<semaphore_mem>>)
          %dma_wait3A = arith.constant 9600 : i32
          %dma_wait3A_53 = arith.constant 0 : i32
          %dma_wait3A_54 = tpu.memref_slice %arg8[%dma_wait3A, %dma_wait3A_53] : memref<10240x128xbf16, #tpu.memory_space<vmem_shared>> -> memref<400x128xbf16, #tpu.memory_space<vmem_shared>>
          %dma_wait3A_55 = arith.constant 9600 : i32
          %dma_wait3A_56 = arith.constant 0 : i32
          %dma_wait3A_57 = tpu.memref_slice %arg3[%dma_wait3A_55, %dma_wait3A_56] : memref<10000x128xbf16, #tpu.memory_space<hbm>> -> memref<400x128xbf16, #tpu.memory_space<hbm>>
          tpu.wait_dma2 semaphore(%run_scoped3A : memref<!tpu.dma_semaphore, #tpu.memory_space<semaphore_mem>>) src(%dma_wait3A_57 : memref<400x128xbf16, #tpu.memory_space<hbm>>) dst(%dma_wait3A_54 : memref<400x128xbf16, #tpu.memory_space<vmem_shared>>)
          tpu.yield
        }) : () -> ()
      } else {
      }
      %scan3A_23 = arith.constant 0 : i32
      %scan3A_24 = arith.constant 0 : i32
      %scan3A_25 = arith.constant 5 : i32
      %scan3A_26 = arith.addi %scan3A_24, %scan3A_25 : i32
      %scan3A_27 = arith.constant 1 : i32
      %scan3A_28 = scf.for %scan3A_48 = %scan3A_24 to %scan3A_26 step %scan3A_27 iter_args(%scan3A_49 = %scan3A_23) -> (i32)  : i32 {
        %mul3A_50 = arith.constant 128 : i32
        %mul3A_51 = arith.muli %scan3A_48, %mul3A_50 : i32
        %add3A = arith.addi %mul3A_13, %mul3A_51 : i32
        "tpu.region"() ({
          %run_scoped3A = tpu.sem_alloc : memref<!tpu.dma_semaphore, #tpu.memory_space<semaphore_mem>>
          %dma_start3A = arith.constant 0 : i32
          %dma_start3A_53 = tpu.memref_slice %arg9[%add3A, %dma_start3A] : memref<10240x128xbf16, #tpu.memory_space<vmem_shared>> -> memref<128x128xbf16, #tpu.memory_space<vmem_shared>>
          %dma_start3A_54 = arith.constant 0 : i32
          %dma_start3A_55 = tpu.memref_slice %arg9[%add3A, %dma_start3A_54] : memref<10240x128xbf16, #tpu.memory_space<vmem_shared>> -> memref<128x128xbf16, #tpu.memory_space<vmem_shared>>
          tpu.enqueue_dma source(%arg10 : memref<128x128xbf16, #tpu.memory_space<vmem>>) target(%dma_start3A_55 : memref<128x128xbf16, #tpu.memory_space<vmem_shared>>) target_semaphore(%run_scoped3A : memref<!tpu.dma_semaphore, #tpu.memory_space<semaphore_mem>>)
          %dma_wait3A = arith.constant 0 : i32
          %dma_wait3A_56 = tpu.memref_slice %arg9[%add3A, %dma_wait3A] : memref<10240x128xbf16, #tpu.memory_space<vmem_shared>> -> memref<128x128xbf16, #tpu.memory_space<vmem_shared>>
          %dma_wait3A_57 = arith.constant 0 : i32
          %dma_wait3A_58 = tpu.memref_slice %arg9[%add3A, %dma_wait3A_57] : memref<10240x128xbf16, #tpu.memory_space<vmem_shared>> -> memref<128x128xbf16, #tpu.memory_space<vmem_shared>>
          tpu.wait_dma2 semaphore(%run_scoped3A : memref<!tpu.dma_semaphore, #tpu.memory_space<semaphore_mem>>) src(%arg10 : memref<128x128xbf16, #tpu.memory_space<vmem>>) dst(%dma_wait3A_58 : memref<128x128xbf16, #tpu.memory_space<vmem_shared>>)
          tpu.yield
        }) : () -> ()
        %scan3A_52 = arith.constant 0 : i32
        scf.yield %scan3A_52 : i32
      }
      %scan3A_29 = arith.constant 5 : i32
      %barrier3A = arith.constant 0 : index
      tpu.barrier barrier_id(%barrier3A)
      %scan3A_30 = arith.constant 0 : i32
      %scan3A_31 = arith.constant 0 : i32
      %scan3A_32 = arith.constant 2 : i32
      %scan3A_33 = arith.addi %scan3A_31, %scan3A_32 : i32
      %scan3A_34 = arith.constant 1 : i32
      %scan3A_35 = scf.for %scan3A_48 = %scan3A_31 to %scan3A_33 step %scan3A_34 iter_args(%scan3A_49 = %scan3A_30) -> (i32)  : i32 {
        %mul3A_50 = arith.constant 80 : i32
        %mul3A_51 = arith.muli %scan3A_48, %mul3A_50 : i32
        %run_scoped3A = arith.constant 0 : i32
        "tpu.region"() ({
          %run_scoped3A_76 = tpu.sem_alloc : memref<!tpu.dma_semaphore, #tpu.memory_space<semaphore_mem>>
          %dma_start3A_77 = arith.constant 0 : i32
          %dma_start3A_78 = tpu.memref_slice %arg5[%run_scoped3A, %arg1, %mul3A_51, %dma_start3A_77] : memref<2x16x160x128xi32, #tpu.memory_space<hbm>> -> memref<1x1x80x128xi32, #tpu.memory_space<hbm>>
          %dma_start3A_79 = tpu.memref_squeeze %dma_start3A_78 : memref<1x1x80x128xi32, #tpu.memory_space<hbm>> -> memref<80x128xi32, #tpu.memory_space<hbm>>
          %dma_start3A_80 = arith.constant 0 : i32
          %dma_start3A_81 = tpu.memref_slice %arg5[%run_scoped3A, %arg1, %mul3A_51, %dma_start3A_80] : memref<2x16x160x128xi32, #tpu.memory_space<hbm>> -> memref<1x1x80x128xi32, #tpu.memory_space<hbm>>
          %dma_start3A_82 = tpu.memref_squeeze %dma_start3A_81 : memref<1x1x80x128xi32, #tpu.memory_space<hbm>> -> memref<80x128xi32, #tpu.memory_space<hbm>>
          tpu.enqueue_dma source(%dma_start3A_82 : memref<80x128xi32, #tpu.memory_space<hbm>>) target(%arg12 : memref<80x128xi32, #tpu.memory_space<vmem>>) target_semaphore(%run_scoped3A_76 : memref<!tpu.dma_semaphore, #tpu.memory_space<semaphore_mem>>)
          %dma_wait3A = arith.constant 0 : i32
          %dma_wait3A_83 = tpu.memref_slice %arg5[%run_scoped3A, %arg1, %mul3A_51, %dma_wait3A] : memref<2x16x160x128xi32, #tpu.memory_space<hbm>> -> memref<1x1x80x128xi32, #tpu.memory_space<hbm>>
          %dma_wait3A_84 = tpu.memref_squeeze %dma_wait3A_83 : memref<1x1x80x128xi32, #tpu.memory_space<hbm>> -> memref<80x128xi32, #tpu.memory_space<hbm>>
          %dma_wait3A_85 = arith.constant 0 : i32
          %dma_wait3A_86 = tpu.memref_slice %arg5[%run_scoped3A, %arg1, %mul3A_51, %dma_wait3A_85] : memref<2x16x160x128xi32, #tpu.memory_space<hbm>> -> memref<1x1x80x128xi32, #tpu.memory_space<hbm>>
          %dma_wait3A_87 = tpu.memref_squeeze %dma_wait3A_86 : memref<1x1x80x128xi32, #tpu.memory_space<hbm>> -> memref<80x128xi32, #tpu.memory_space<hbm>>
          tpu.wait_dma2 semaphore(%run_scoped3A_76 : memref<!tpu.dma_semaphore, #tpu.memory_space<semaphore_mem>>) src(%dma_wait3A_87 : memref<80x128xi32, #tpu.memory_space<hbm>>) dst(%arg12 : memref<80x128xi32, #tpu.memory_space<vmem>>)
          tpu.yield
        }) : () -> ()
        %mul3A_52 = arith.constant 80 : i32
        %mul3A_53 = arith.muli %scan3A_48, %mul3A_52 : i32
        %run_scoped3A_54 = arith.constant 1 : i32
        "tpu.region"() ({
          %run_scoped3A_76 = tpu.sem_alloc : memref<!tpu.dma_semaphore, #tpu.memory_space<semaphore_mem>>
          %dma_start3A_77 = arith.constant 0 : i32
          %dma_start3A_78 = tpu.memref_slice %arg5[%run_scoped3A_54, %arg1, %mul3A_53, %dma_start3A_77] : memref<2x16x160x128xi32, #tpu.memory_space<hbm>> -> memref<1x1x80x128xi32, #tpu.memory_space<hbm>>
          %dma_start3A_79 = tpu.memref_squeeze %dma_start3A_78 : memref<1x1x80x128xi32, #tpu.memory_space<hbm>> -> memref<80x128xi32, #tpu.memory_space<hbm>>
          %dma_start3A_80 = arith.constant 0 : i32
          %dma_start3A_81 = tpu.memref_slice %arg5[%run_scoped3A_54, %arg1, %mul3A_53, %dma_start3A_80] : memref<2x16x160x128xi32, #tpu.memory_space<hbm>> -> memref<1x1x80x128xi32, #tpu.memory_space<hbm>>
          %dma_start3A_82 = tpu.memref_squeeze %dma_start3A_81 : memref<1x1x80x128xi32, #tpu.memory_space<hbm>> -> memref<80x128xi32, #tpu.memory_space<hbm>>
          tpu.enqueue_dma source(%dma_start3A_82 : memref<80x128xi32, #tpu.memory_space<hbm>>) target(%arg13 : memref<80x128xi32, #tpu.memory_space<vmem>>) target_semaphore(%run_scoped3A_76 : memref<!tpu.dma_semaphore, #tpu.memory_space<semaphore_mem>>)
          %dma_wait3A = arith.constant 0 : i32
          %dma_wait3A_83 = tpu.memref_slice %arg5[%run_scoped3A_54, %arg1, %mul3A_53, %dma_wait3A] : memref<2x16x160x128xi32, #tpu.memory_space<hbm>> -> memref<1x1x80x128xi32, #tpu.memory_space<hbm>>
          %dma_wait3A_84 = tpu.memref_squeeze %dma_wait3A_83 : memref<1x1x80x128xi32, #tpu.memory_space<hbm>> -> memref<80x128xi32, #tpu.memory_space<hbm>>
          %dma_wait3A_85 = arith.constant 0 : i32
          %dma_wait3A_86 = tpu.memref_slice %arg5[%run_scoped3A_54, %arg1, %mul3A_53, %dma_wait3A_85] : memref<2x16x160x128xi32, #tpu.memory_space<hbm>> -> memref<1x1x80x128xi32, #tpu.memory_space<hbm>>
          %dma_wait3A_87 = tpu.memref_squeeze %dma_wait3A_86 : memref<1x1x80x128xi32, #tpu.memory_space<hbm>> -> memref<80x128xi32, #tpu.memory_space<hbm>>
          tpu.wait_dma2 semaphore(%run_scoped3A_76 : memref<!tpu.dma_semaphore, #tpu.memory_space<semaphore_mem>>) src(%dma_wait3A_87 : memref<80x128xi32, #tpu.memory_space<hbm>>) dst(%arg13 : memref<80x128xi32, #tpu.memory_space<vmem>>)
          tpu.yield
        }) : () -> ()
        %dma_start3A = arith.constant 0 : i32
        %dma_start3A_55 = arith.constant 0 : i32
        %dma_start3A_56 = tpu.memref_slice %arg12[%dma_start3A, %dma_start3A_55] : memref<80x128xi32, #tpu.memory_space<vmem>> -> memref<1x128xi32, #tpu.memory_space<vmem>>
        %dma_start3A_57 = tpu.memref_squeeze %dma_start3A_56 : memref<1x128xi32, #tpu.memory_space<vmem>> -> memref<128xi32, #tpu.memory_space<vmem>>
        %dma_start3A_58 = arith.constant 0 : i32
        %dma_start3A_59 = arith.constant 0 : i32
        %dma_start3A_60 = tpu.memref_slice %arg8[%dma_start3A_58, %dma_start3A_59] : memref<10240x128xbf16, #tpu.memory_space<vmem_shared>> -> memref<10240x128xbf16, #tpu.memory_space<vmem_shared>>
        tpu.enqueue_indirect_dma source(%dma_start3A_60 : memref<10240x128xbf16, #tpu.memory_space<vmem_shared>>) target(%arg10 : memref<128x128xbf16, #tpu.memory_space<vmem>>) offsets(%dma_start3A_57 : memref<128xi32, #tpu.memory_space<vmem>>) semaphore(%arg14 : memref<!tpu.dma_semaphore, #tpu.memory_space<semaphore_mem>>)
        %dma_start3A_61 = arith.constant 1 : i32
        %dma_start3A_62 = arith.constant 0 : i32
        %dma_start3A_63 = tpu.memref_slice %arg12[%dma_start3A_61, %dma_start3A_62] : memref<80x128xi32, #tpu.memory_space<vmem>> -> memref<1x128xi32, #tpu.memory_space<vmem>>
        %dma_start3A_64 = tpu.memref_squeeze %dma_start3A_63 : memref<1x128xi32, #tpu.memory_space<vmem>> -> memref<128xi32, #tpu.memory_space<vmem>>
        %dma_start3A_65 = arith.constant 0 : i32
        %dma_start3A_66 = arith.constant 0 : i32
        %dma_start3A_67 = tpu.memref_slice %arg8[%dma_start3A_65, %dma_start3A_66] : memref<10240x128xbf16, #tpu.memory_space<vmem_shared>> -> memref<10240x128xbf16, #tpu.memory_space<vmem_shared>>
        tpu.enqueue_indirect_dma source(%dma_start3A_67 : memref<10240x128xbf16, #tpu.memory_space<vmem_shared>>) target(%arg11 : memref<128x128xbf16, #tpu.memory_space<vmem>>) offsets(%dma_start3A_64 : memref<128xi32, #tpu.memory_space<vmem>>) semaphore(%arg15 : memref<!tpu.dma_semaphore, #tpu.memory_space<semaphore_mem>>)
        %scan3A_68 = arith.constant 0 : i32
        %scan3A_69 = arith.constant 0 : i32
        %scan3A_70 = arith.constant 40 : i32
        %scan3A_71 = arith.addi %scan3A_69, %scan3A_70 : i32
        %scan3A_72 = arith.constant 1 : i32
        %scan3A_73 = scf.for %scan3A_76 = %scan3A_69 to %scan3A_71 step %scan3A_72 iter_args(%scan3A_77 = %scan3A_68) -> (i32)  : i32 {
          %mul3A_78 = arith.constant 2 : i32
          %mul3A_79 = arith.muli %scan3A_76, %mul3A_78 : i32
          %add3A = arith.constant 0 : i32
          %add3A_80 = arith.addi %mul3A_79, %add3A : i32
          %dma_wait3A = arith.constant 0 : i32
          %dma_wait3A_81 = tpu.memref_slice %arg12[%add3A_80, %dma_wait3A] : memref<80x128xi32, #tpu.memory_space<vmem>> -> memref<1x128xi32, #tpu.memory_space<vmem>>
          %dma_wait3A_82 = tpu.memref_squeeze %dma_wait3A_81 : memref<1x128xi32, #tpu.memory_space<vmem>> -> memref<128xi32, #tpu.memory_space<vmem>>
          %dma_wait3A_83 = arith.constant 0 : i32
          %dma_wait3A_84 = arith.constant 0 : i32
          %dma_wait3A_85 = tpu.memref_slice %arg8[%dma_wait3A_83, %dma_wait3A_84] : memref<10240x128xbf16, #tpu.memory_space<vmem_shared>> -> memref<10240x128xbf16, #tpu.memory_space<vmem_shared>>
          tpu.wait_indirect_dma semaphore(%arg14 : memref<!tpu.dma_semaphore, #tpu.memory_space<semaphore_mem>>) src(%dma_wait3A_85 : memref<10240x128xbf16, #tpu.memory_space<vmem_shared>>) dst(%arg10 : memref<128x128xbf16, #tpu.memory_space<vmem>>)
          "tpu.region"() ({
            %run_scoped3A_111 = tpu.sem_alloc : memref<!tpu.dma_semaphore, #tpu.memory_space<semaphore_mem>>
            %dma_start3A_112 = arith.constant 0 : i32
            %dma_start3A_113 = tpu.memref_slice %arg13[%add3A_80, %dma_start3A_112] : memref<80x128xi32, #tpu.memory_space<vmem>> -> memref<1x128xi32, #tpu.memory_space<vmem>>
            %dma_start3A_114 = tpu.memref_squeeze %dma_start3A_113 : memref<1x128xi32, #tpu.memory_space<vmem>> -> memref<128xi32, #tpu.memory_space<vmem>>
            %dma_start3A_115 = arith.constant 0 : i32
            %dma_start3A_116 = arith.constant 0 : i32
            %dma_start3A_117 = tpu.memref_slice %arg9[%dma_start3A_115, %dma_start3A_116] : memref<10240x128xbf16, #tpu.memory_space<vmem_shared>> -> memref<10240x128xbf16, #tpu.memory_space<vmem_shared>>
            tpu.enqueue_indirect_dma source(%arg10 : memref<128x128xbf16, #tpu.memory_space<vmem>>) target(%dma_start3A_117 : memref<10240x128xbf16, #tpu.memory_space<vmem_shared>>) offsets(%dma_start3A_114 : memref<128xi32, #tpu.memory_space<vmem>>) semaphore(%run_scoped3A_111 : memref<!tpu.dma_semaphore, #tpu.memory_space<semaphore_mem>>) {add = true}
            %dma_wait3A_118 = arith.constant 0 : i32
            %dma_wait3A_119 = tpu.memref_slice %arg13[%add3A_80, %dma_wait3A_118] : memref<80x128xi32, #tpu.memory_space<vmem>> -> memref<1x128xi32, #tpu.memory_space<vmem>>
            %dma_wait3A_120 = tpu.memref_squeeze %dma_wait3A_119 : memref<1x128xi32, #tpu.memory_space<vmem>> -> memref<128xi32, #tpu.memory_space<vmem>>
            %dma_wait3A_121 = arith.constant 0 : i32
            %dma_wait3A_122 = arith.constant 0 : i32
            %dma_wait3A_123 = tpu.memref_slice %arg9[%dma_wait3A_121, %dma_wait3A_122] : memref<10240x128xbf16, #tpu.memory_space<vmem_shared>> -> memref<10240x128xbf16, #tpu.memory_space<vmem_shared>>
            tpu.wait_indirect_dma semaphore(%run_scoped3A_111 : memref<!tpu.dma_semaphore, #tpu.memory_space<semaphore_mem>>) src(%arg10 : memref<128x128xbf16, #tpu.memory_space<vmem>>) dst(%dma_wait3A_123 : memref<10240x128xbf16, #tpu.memory_space<vmem_shared>>)
            tpu.yield
          }) : () -> ()
          %add3A_86 = arith.constant 2 : i32
          %add3A_87 = arith.addi %add3A_80, %add3A_86 : i32
          %lt3A_88 = arith.constant 80 : i32
          %lt3A_89 = arith.cmpi slt, %add3A_87, %lt3A_88 : i32
          %convert_element_type3A_90 = arith.extui %lt3A_89 : i1 to i32
          %cond3A_91 = arith.constant 0 : i32
          %cond3A_92 = arith.cmpi ne, %convert_element_type3A_90, %cond3A_91 : i32
          scf.if %cond3A_92 {
            %add3A_111 = arith.constant 2 : i32
            %add3A_112 = arith.addi %add3A_80, %add3A_111 : i32
            %dma_start3A_113 = arith.constant 0 : i32
            %dma_start3A_114 = tpu.memref_slice %arg12[%add3A_112, %dma_start3A_113] : memref<80x128xi32, #tpu.memory_space<vmem>> -> memref<1x128xi32, #tpu.memory_space<vmem>>
            %dma_start3A_115 = tpu.memref_squeeze %dma_start3A_114 : memref<1x128xi32, #tpu.memory_space<vmem>> -> memref<128xi32, #tpu.memory_space<vmem>>
            %dma_start3A_116 = arith.constant 0 : i32
            %dma_start3A_117 = arith.constant 0 : i32
            %dma_start3A_118 = tpu.memref_slice %arg8[%dma_start3A_116, %dma_start3A_117] : memref<10240x128xbf16, #tpu.memory_space<vmem_shared>> -> memref<10240x128xbf16, #tpu.memory_space<vmem_shared>>
            tpu.enqueue_indirect_dma source(%dma_start3A_118 : memref<10240x128xbf16, #tpu.memory_space<vmem_shared>>) target(%arg10 : memref<128x128xbf16, #tpu.memory_space<vmem>>) offsets(%dma_start3A_115 : memref<128xi32, #tpu.memory_space<vmem>>) semaphore(%arg14 : memref<!tpu.dma_semaphore, #tpu.memory_space<semaphore_mem>>)
          } else {
          }
          %mul3A_93 = arith.constant 2 : i32
          %mul3A_94 = arith.muli %scan3A_76, %mul3A_93 : i32
          %add3A_95 = arith.constant 1 : i32
          %add3A_96 = arith.addi %mul3A_94, %add3A_95 : i32
          %dma_wait3A_97 = arith.constant 0 : i32
          %dma_wait3A_98 = tpu.memref_slice %arg12[%add3A_96, %dma_wait3A_97] : memref<80x128xi32, #tpu.memory_space<vmem>> -> memref<1x128xi32, #tpu.memory_space<vmem>>
          %dma_wait3A_99 = tpu.memref_squeeze %dma_wait3A_98 : memref<1x128xi32, #tpu.memory_space<vmem>> -> memref<128xi32, #tpu.memory_space<vmem>>
          %dma_wait3A_100 = arith.constant 0 : i32
          %dma_wait3A_101 = arith.constant 0 : i32
          %dma_wait3A_102 = tpu.memref_slice %arg8[%dma_wait3A_100, %dma_wait3A_101] : memref<10240x128xbf16, #tpu.memory_space<vmem_shared>> -> memref<10240x128xbf16, #tpu.memory_space<vmem_shared>>
          tpu.wait_indirect_dma semaphore(%arg15 : memref<!tpu.dma_semaphore, #tpu.memory_space<semaphore_mem>>) src(%dma_wait3A_102 : memref<10240x128xbf16, #tpu.memory_space<vmem_shared>>) dst(%arg11 : memref<128x128xbf16, #tpu.memory_space<vmem>>)
          "tpu.region"() ({
            %run_scoped3A_111 = tpu.sem_alloc : memref<!tpu.dma_semaphore, #tpu.memory_space<semaphore_mem>>
            %dma_start3A_112 = arith.constant 0 : i32
            %dma_start3A_113 = tpu.memref_slice %arg13[%add3A_96, %dma_start3A_112] : memref<80x128xi32, #tpu.memory_space<vmem>> -> memref<1x128xi32, #tpu.memory_space<vmem>>
            %dma_start3A_114 = tpu.memref_squeeze %dma_start3A_113 : memref<1x128xi32, #tpu.memory_space<vmem>> -> memref<128xi32, #tpu.memory_space<vmem>>
            %dma_start3A_115 = arith.constant 0 : i32
            %dma_start3A_116 = arith.constant 0 : i32
            %dma_start3A_117 = tpu.memref_slice %arg9[%dma_start3A_115, %dma_start3A_116] : memref<10240x128xbf16, #tpu.memory_space<vmem_shared>> -> memref<10240x128xbf16, #tpu.memory_space<vmem_shared>>
            tpu.enqueue_indirect_dma source(%arg11 : memref<128x128xbf16, #tpu.memory_space<vmem>>) target(%dma_start3A_117 : memref<10240x128xbf16, #tpu.memory_space<vmem_shared>>) offsets(%dma_start3A_114 : memref<128xi32, #tpu.memory_space<vmem>>) semaphore(%run_scoped3A_111 : memref<!tpu.dma_semaphore, #tpu.memory_space<semaphore_mem>>) {add = true}
            %dma_wait3A_118 = arith.constant 0 : i32
            %dma_wait3A_119 = tpu.memref_slice %arg13[%add3A_96, %dma_wait3A_118] : memref<80x128xi32, #tpu.memory_space<vmem>> -> memref<1x128xi32, #tpu.memory_space<vmem>>
            %dma_wait3A_120 = tpu.memref_squeeze %dma_wait3A_119 : memref<1x128xi32, #tpu.memory_space<vmem>> -> memref<128xi32, #tpu.memory_space<vmem>>
            %dma_wait3A_121 = arith.constant 0 : i32
            %dma_wait3A_122 = arith.constant 0 : i32
            %dma_wait3A_123 = tpu.memref_slice %arg9[%dma_wait3A_121, %dma_wait3A_122] : memref<10240x128xbf16, #tpu.memory_space<vmem_shared>> -> memref<10240x128xbf16, #tpu.memory_space<vmem_shared>>
            tpu.wait_indirect_dma semaphore(%run_scoped3A_111 : memref<!tpu.dma_semaphore, #tpu.memory_space<semaphore_mem>>) src(%arg11 : memref<128x128xbf16, #tpu.memory_space<vmem>>) dst(%dma_wait3A_123 : memref<10240x128xbf16, #tpu.memory_space<vmem_shared>>)
            tpu.yield
          }) : () -> ()
          %add3A_103 = arith.constant 2 : i32
          %add3A_104 = arith.addi %add3A_96, %add3A_103 : i32
          %lt3A_105 = arith.constant 80 : i32
          %lt3A_106 = arith.cmpi slt, %add3A_104, %lt3A_105 : i32
          %convert_element_type3A_107 = arith.extui %lt3A_106 : i1 to i32
          %cond3A_108 = arith.constant 0 : i32
          %cond3A_109 = arith.cmpi ne, %convert_element_type3A_107, %cond3A_108 : i32
          scf.if %cond3A_109 {
            %add3A_111 = arith.constant 2 : i32
            %add3A_112 = arith.addi %add3A_96, %add3A_111 : i32
            %dma_start3A_113 = arith.constant 0 : i32
            %dma_start3A_114 = tpu.memref_slice %arg12[%add3A_112, %dma_start3A_113] : memref<80x128xi32, #tpu.memory_space<vmem>> -> memref<1x128xi32, #tpu.memory_space<vmem>>
            %dma_start3A_115 = tpu.memref_squeeze %dma_start3A_114 : memref<1x128xi32, #tpu.memory_space<vmem>> -> memref<128xi32, #tpu.memory_space<vmem>>
            %dma_start3A_116 = arith.constant 0 : i32
            %dma_start3A_117 = arith.constant 0 : i32
            %dma_start3A_118 = tpu.memref_slice %arg8[%dma_start3A_116, %dma_start3A_117] : memref<10240x128xbf16, #tpu.memory_space<vmem_shared>> -> memref<10240x128xbf16, #tpu.memory_space<vmem_shared>>
            tpu.enqueue_indirect_dma source(%dma_start3A_118 : memref<10240x128xbf16, #tpu.memory_space<vmem_shared>>) target(%arg11 : memref<128x128xbf16, #tpu.memory_space<vmem>>) offsets(%dma_start3A_115 : memref<128xi32, #tpu.memory_space<vmem>>) semaphore(%arg15 : memref<!tpu.dma_semaphore, #tpu.memory_space<semaphore_mem>>)
          } else {
          }
          %scan3A_110 = arith.constant 0 : i32
          scf.yield %scan3A_110 : i32
        }
        %scan3A_74 = arith.constant 40 : i32
        %scan3A_75 = arith.constant 0 : i32
        scf.yield %scan3A_75 : i32
      }
      %scan3A_36 = arith.constant 2 : i32
      %barrier3A_37 = arith.constant 0 : index
      tpu.barrier barrier_id(%barrier3A_37)
      %lt3A_38 = arith.constant 15 : i32
      %lt3A_39 = arith.cmpi slt, %arg1, %lt3A_38 : i32
      %convert_element_type3A_40 = arith.extui %lt3A_39 : i1 to i32
      %cond3A_41 = arith.constant 0 : i32
      %cond3A_42 = arith.cmpi ne, %convert_element_type3A_40, %cond3A_41 : i32
      scf.if %cond3A_42 {
        "tpu.region"() ({
          %run_scoped3A = tpu.sem_alloc : memref<!tpu.dma_semaphore, #tpu.memory_space<semaphore_mem>>
          %dma_start3A = arith.constant 0 : i32
          %dma_start3A_48 = tpu.memref_slice %arg7[%mul3A_13, %dma_start3A] : memref<10000x128xbf16, #tpu.memory_space<hbm>> -> memref<640x128xbf16, #tpu.memory_space<hbm>>
          %dma_start3A_49 = arith.constant 0 : i32
          %dma_start3A_50 = tpu.memref_slice %arg9[%mul3A_13, %dma_start3A_49] : memref<10240x128xbf16, #tpu.memory_space<vmem_shared>> -> memref<640x128xbf16, #tpu.memory_space<vmem_shared>>
          tpu.enqueue_dma source(%dma_start3A_50 : memref<640x128xbf16, #tpu.memory_space<vmem_shared>>) target(%dma_start3A_48 : memref<640x128xbf16, #tpu.memory_space<hbm>>) target_semaphore(%run_scoped3A : memref<!tpu.dma_semaphore, #tpu.memory_space<semaphore_mem>>)
          %dma_wait3A = arith.constant 0 : i32
          %dma_wait3A_51 = tpu.memref_slice %arg7[%mul3A_13, %dma_wait3A] : memref<10000x128xbf16, #tpu.memory_space<hbm>> -> memref<640x128xbf16, #tpu.memory_space<hbm>>
          %dma_wait3A_52 = arith.constant 0 : i32
          %dma_wait3A_53 = tpu.memref_slice %arg9[%mul3A_13, %dma_wait3A_52] : memref<10240x128xbf16, #tpu.memory_space<vmem_shared>> -> memref<640x128xbf16, #tpu.memory_space<vmem_shared>>
          tpu.wait_dma2 semaphore(%run_scoped3A : memref<!tpu.dma_semaphore, #tpu.memory_space<semaphore_mem>>) src(%dma_wait3A_53 : memref<640x128xbf16, #tpu.memory_space<vmem_shared>>) dst(%dma_wait3A_51 : memref<640x128xbf16, #tpu.memory_space<hbm>>)
          tpu.yield
        }) : () -> ()
      } else {
      }
      %eq3A_43 = arith.constant 15 : i32
      %eq3A_44 = arith.cmpi eq, %arg1, %eq3A_43 : i32
      %convert_element_type3A_45 = arith.extui %eq3A_44 : i1 to i32
      %cond3A_46 = arith.constant 0 : i32
      %cond3A_47 = arith.cmpi ne, %convert_element_type3A_45, %cond3A_46 : i32
      scf.if %cond3A_47 {
        "tpu.region"() ({
          %run_scoped3A = tpu.sem_alloc : memref<!tpu.dma_semaphore, #tpu.memory_space<semaphore_mem>>
          %dma_start3A = arith.constant 9600 : i32
          %dma_start3A_48 = arith.constant 0 : i32
          %dma_start3A_49 = tpu.memref_slice %arg7[%dma_start3A, %dma_start3A_48] : memref<10000x128xbf16, #tpu.memory_space<hbm>> -> memref<400x128xbf16, #tpu.memory_space<hbm>>
          %dma_start3A_50 = arith.constant 9600 : i32
          %dma_start3A_51 = arith.constant 0 : i32
          %dma_start3A_52 = tpu.memref_slice %arg9[%dma_start3A_50, %dma_start3A_51] : memref<10240x128xbf16, #tpu.memory_space<vmem_shared>> -> memref<400x128xbf16, #tpu.memory_space<vmem_shared>>
          tpu.enqueue_dma source(%dma_start3A_52 : memref<400x128xbf16, #tpu.memory_space<vmem_shared>>) target(%dma_start3A_49 : memref<400x128xbf16, #tpu.memory_space<hbm>>) target_semaphore(%run_scoped3A : memref<!tpu.dma_semaphore, #tpu.memory_space<semaphore_mem>>)
          %dma_wait3A = arith.constant 9600 : i32
          %dma_wait3A_53 = arith.constant 0 : i32
          %dma_wait3A_54 = tpu.memref_slice %arg7[%dma_wait3A, %dma_wait3A_53] : memref<10000x128xbf16, #tpu.memory_space<hbm>> -> memref<400x128xbf16, #tpu.memory_space<hbm>>
          %dma_wait3A_55 = arith.constant 9600 : i32
          %dma_wait3A_56 = arith.constant 0 : i32
          %dma_wait3A_57 = tpu.memref_slice %arg9[%dma_wait3A_55, %dma_wait3A_56] : memref<10240x128xbf16, #tpu.memory_space<vmem_shared>> -> memref<400x128xbf16, #tpu.memory_space<vmem_shared>>
          tpu.wait_dma2 semaphore(%run_scoped3A : memref<!tpu.dma_semaphore, #tpu.memory_space<semaphore_mem>>) src(%dma_wait3A_57 : memref<400x128xbf16, #tpu.memory_space<vmem_shared>>) dst(%dma_wait3A_54 : memref<400x128xbf16, #tpu.memory_space<hbm>>)
          tpu.yield
        }) : () -> ()
      } else {
      }
    } else {
    }
    return
  }
}

module attributes {stable_mosaic.version = 14 : i64} {
  func.func @body(%arg0: i32, %arg1: memref<2000x128xf32, #tpu.memory_space<vmem>>, %arg2: memref<2000x128xf32, #tpu.memory_space<vmem>>, %arg3: memref<128x128xf32, #tpu.memory_space<vmem>>, %arg4: memref<128x128xf32, #tpu.memory_space<vmem>>, %arg5: memref<2000x128xbf16, #tpu.memory_space<vmem>>, %arg6: memref<2000x128xbf16, #tpu.memory_space<vmem>>) attributes {dimension_semantics = [#tpu.dimension_semantics<arbitrary>], iteration_bounds = array<i64: 5>, scalar_prefetch = 0 : i64, scratch_operands = 0 : i64, tpu.core_type = #tpu.core_type<tc>, window_params = [{transform_indices = @transform_0, window_bounds = array<i64: 2000, 128>}, {transform_indices = @transform_1, window_bounds = array<i64: 2000, 128>}, {pipeline_mode = #tpu.pipeline_mode<synchronous>, transform_indices = @transform_2, window_bounds = array<i64: 128, 128>}, {pipeline_mode = #tpu.pipeline_mode<synchronous>, transform_indices = @transform_3, window_bounds = array<i64: 128, 128>}, {transform_indices = @transform_4, window_bounds = array<i64: 2000, 128>}, {transform_indices = @transform_5, window_bounds = array<i64: 2000, 128>}]} {
    %get3A = arith.constant 0 : index
    %get3A_0 = arith.constant 0 : index
    %get3A_1 = vector.load %arg1[%get3A, %get3A_0] : memref<2000x128xf32, #tpu.memory_space<vmem>>, vector<2000x128xf32>
    %get3A_2 = arith.constant 0 : index
    %get3A_3 = arith.constant 0 : index
    %get3A_4 = vector.load %arg3[%get3A_2, %get3A_3] : memref<128x128xf32, #tpu.memory_space<vmem>>, vector<128x128xf32>
    %dot_general3A = arith.constant dense<0.000000e+00> : vector<2000x128xf32>
    %dot_general3A_5 = tpu.matmul %get3A_1, %get3A_4, %dot_general3A {dimension_numbers = #tpu.dot_dimension_numbers<[1], [0], [0], [1], [0, 0, 1, 1], [], []>, transpose_lhs_hint = false} : vector<2000x128xf32>, vector<128x128xf32>, vector<2000x128xf32> -> vector<2000x128xf32>
    %convert_element_type3A = arith.truncf %dot_general3A_5 : vector<2000x128xf32> to vector<2000x128xbf16>
    %swap3A = arith.constant 0 : index
    %swap3A_6 = arith.constant 0 : index
    %swap3A_7 = vector.load %arg5[%swap3A, %swap3A_6] : memref<2000x128xbf16, #tpu.memory_space<vmem>>, vector<2000x128xbf16>
    tpu.vector_store %arg5[%swap3A, %swap3A_6], %convert_element_type3A {strides = array<i32>} : memref<2000x128xbf16, #tpu.memory_space<vmem>>, vector<2000x128xbf16>,
    %get3A_8 = arith.constant 0 : index
    %get3A_9 = arith.constant 0 : index
    %get3A_10 = vector.load %arg2[%get3A_8, %get3A_9] : memref<2000x128xf32, #tpu.memory_space<vmem>>, vector<2000x128xf32>
    %get3A_11 = arith.constant 0 : index
    %get3A_12 = arith.constant 0 : index
    %get3A_13 = vector.load %arg4[%get3A_11, %get3A_12] : memref<128x128xf32, #tpu.memory_space<vmem>>, vector<128x128xf32>
    %dot_general3A_14 = arith.constant dense<0.000000e+00> : vector<2000x128xf32>
    %dot_general3A_15 = tpu.matmul %get3A_10, %get3A_13, %dot_general3A_14 {dimension_numbers = #tpu.dot_dimension_numbers<[1], [0], [0], [1], [0, 0, 1, 1], [], []>, transpose_lhs_hint = false} : vector<2000x128xf32>, vector<128x128xf32>, vector<2000x128xf32> -> vector<2000x128xf32>
    %convert_element_type3A_16 = arith.truncf %dot_general3A_15 : vector<2000x128xf32> to vector<2000x128xbf16>
    %swap3A_17 = arith.constant 0 : index
    %swap3A_18 = arith.constant 0 : index
    %swap3A_19 = vector.load %arg6[%swap3A_17, %swap3A_18] : memref<2000x128xbf16, #tpu.memory_space<vmem>>, vector<2000x128xbf16>
    tpu.vector_store %arg6[%swap3A_17, %swap3A_18], %convert_element_type3A_16 {strides = array<i32>} : memref<2000x128xbf16, #tpu.memory_space<vmem>>, vector<2000x128xbf16>,
    return
  }
  func.func @transform_0(%arg0: i32) -> (i32, i32) {
    %c0_i32 = arith.constant 0 : i32
    %c0_i32_0 = arith.constant 0 : i32
    return %arg0, %c0_i32 : i32, i32
  }
  func.func @transform_1(%arg0: i32) -> (i32, i32) {
    %c0_i32 = arith.constant 0 : i32
    %c0_i32_0 = arith.constant 0 : i32
    return %arg0, %c0_i32 : i32, i32
  }
  func.func @transform_2(%arg0: i32) -> (i32, i32) {
    %c0_i32 = arith.constant 0 : i32
    %c0_i32_0 = arith.constant 0 : i32
    %c0_i32_1 = arith.constant 0 : i32
    return %c0_i32, %c0_i32_0 : i32, i32
  }
  func.func @transform_3(%arg0: i32) -> (i32, i32) {
    %c0_i32 = arith.constant 0 : i32
    %c0_i32_0 = arith.constant 0 : i32
    %c0_i32_1 = arith.constant 0 : i32
    return %c0_i32, %c0_i32_0 : i32, i32
  }
  func.func @transform_4(%arg0: i32) -> (i32, i32) {
    %c0_i32 = arith.constant 0 : i32
    %c0_i32_0 = arith.constant 0 : i32
    return %arg0, %c0_i32 : i32, i32
  }
  func.func @transform_5(%arg0: i32) -> (i32, i32) {
    %c0_i32 = arith.constant 0 : i32
    %c0_i32_0 = arith.constant 0 : i32
    return %arg0, %c0_i32 : i32, i32
  }
}

module attributes {stable_mosaic.version = 14 : i64} {
  func.func @body(%arg0: i32, %arg1: memref<2000x128xbf16, #tpu.memory_space<vmem>>, %arg2: memref<2000x128xbf16, #tpu.memory_space<vmem>>, %arg3: memref<1x128xf32, #tpu.memory_space<vmem>>, %arg4: memref<1x128xf32, #tpu.memory_space<vmem>>, %arg5: memref<128x128xf32, #tpu.memory_space<vmem>>, %arg6: memref<128x128xf32, #tpu.memory_space<vmem>>, %arg7: memref<2000x128xbf16, #tpu.memory_space<vmem>>, %arg8: memref<2000x128xbf16, #tpu.memory_space<vmem>>) attributes {dimension_semantics = [#tpu.dimension_semantics<arbitrary>], iteration_bounds = array<i64: 5>, scalar_prefetch = 0 : i64, scratch_operands = 0 : i64, tpu.core_type = #tpu.core_type<tc>, window_params = [{transform_indices = @transform_0, window_bounds = array<i64: 2000, 128>}, {transform_indices = @transform_1, window_bounds = array<i64: 2000, 128>}, {pipeline_mode = #tpu.pipeline_mode<synchronous>, transform_indices = @transform_2, window_bounds = array<i64: 1, 128>}, {pipeline_mode = #tpu.pipeline_mode<synchronous>, transform_indices = @transform_3, window_bounds = array<i64: 1, 128>}, {pipeline_mode = #tpu.pipeline_mode<synchronous>, transform_indices = @transform_4, window_bounds = array<i64: 128, 128>}, {pipeline_mode = #tpu.pipeline_mode<synchronous>, transform_indices = @transform_5, window_bounds = array<i64: 128, 128>}, {transform_indices = @transform_6, window_bounds = array<i64: 2000, 128>}, {transform_indices = @transform_7, window_bounds = array<i64: 2000, 128>}]} {
    %get3A = arith.constant 0 : index
    %get3A_0 = arith.constant 0 : index
    %get3A_1 = vector.load %arg1[%get3A, %get3A_0] : memref<2000x128xbf16, #tpu.memory_space<vmem>>, vector<2000x128xbf16>
    %convert_element_type3A = arith.extf %get3A_1 : vector<2000x128xbf16> to vector<2000x128xf32>
    %get3A_2 = arith.constant 0 : index
    %get3A_3 = arith.constant 0 : index
    %get3A_4 = vector.load %arg3[%get3A_2, %get3A_3] : memref<1x128xf32, #tpu.memory_space<vmem>>, vector<1x128xf32>
    %add3A = vector.broadcast %get3A_4 : vector<1x128xf32> to vector<2000x128xf32>
    %add3A_5 = arith.addf %convert_element_type3A, %add3A : vector<2000x128xf32>
    %max3A = arith.constant 0.000000e+00 : f32
    %max3A_6 = vector.broadcast %max3A : f32 to vector<2000x128xf32>
    %max3A_7 = arith.maximumf %add3A_5, %max3A_6 : vector<2000x128xf32>
    %get3A_8 = arith.constant 0 : index
    %get3A_9 = arith.constant 0 : index
    %get3A_10 = vector.load %arg5[%get3A_8, %get3A_9] : memref<128x128xf32, #tpu.memory_space<vmem>>, vector<128x128xf32>
    %dot_general3A = arith.constant dense<0.000000e+00> : vector<2000x128xf32>
    %dot_general3A_11 = tpu.matmul %max3A_7, %get3A_10, %dot_general3A {dimension_numbers = #tpu.dot_dimension_numbers<[1], [0], [0], [1], [0, 0, 1, 1], [], []>, transpose_lhs_hint = false} : vector<2000x128xf32>, vector<128x128xf32>, vector<2000x128xf32> -> vector<2000x128xf32>
    %convert_element_type3A_12 = arith.truncf %dot_general3A_11 : vector<2000x128xf32> to vector<2000x128xbf16>
    %swap3A = arith.constant 0 : index
    %swap3A_13 = arith.constant 0 : index
    %swap3A_14 = vector.load %arg7[%swap3A, %swap3A_13] : memref<2000x128xbf16, #tpu.memory_space<vmem>>, vector<2000x128xbf16>
    tpu.vector_store %arg7[%swap3A, %swap3A_13], %convert_element_type3A_12 {strides = array<i32>} : memref<2000x128xbf16, #tpu.memory_space<vmem>>, vector<2000x128xbf16>,
    %get3A_15 = arith.constant 0 : index
    %get3A_16 = arith.constant 0 : index
    %get3A_17 = vector.load %arg2[%get3A_15, %get3A_16] : memref<2000x128xbf16, #tpu.memory_space<vmem>>, vector<2000x128xbf16>
    %convert_element_type3A_18 = arith.extf %get3A_17 : vector<2000x128xbf16> to vector<2000x128xf32>
    %get3A_19 = arith.constant 0 : index
    %get3A_20 = arith.constant 0 : index
    %get3A_21 = vector.load %arg4[%get3A_19, %get3A_20] : memref<1x128xf32, #tpu.memory_space<vmem>>, vector<1x128xf32>
    %add3A_22 = vector.broadcast %get3A_21 : vector<1x128xf32> to vector<2000x128xf32>
    %add3A_23 = arith.addf %convert_element_type3A_18, %add3A_22 : vector<2000x128xf32>
    %max3A_24 = arith.constant 0.000000e+00 : f32
    %max3A_25 = vector.broadcast %max3A_24 : f32 to vector<2000x128xf32>
    %max3A_26 = arith.maximumf %add3A_23, %max3A_25 : vector<2000x128xf32>
    %get3A_27 = arith.constant 0 : index
    %get3A_28 = arith.constant 0 : index
    %get3A_29 = vector.load %arg6[%get3A_27, %get3A_28] : memref<128x128xf32, #tpu.memory_space<vmem>>, vector<128x128xf32>
    %dot_general3A_30 = arith.constant dense<0.000000e+00> : vector<2000x128xf32>
    %dot_general3A_31 = tpu.matmul %max3A_26, %get3A_29, %dot_general3A_30 {dimension_numbers = #tpu.dot_dimension_numbers<[1], [0], [0], [1], [0, 0, 1, 1], [], []>, transpose_lhs_hint = false} : vector<2000x128xf32>, vector<128x128xf32>, vector<2000x128xf32> -> vector<2000x128xf32>
    %convert_element_type3A_32 = arith.truncf %dot_general3A_31 : vector<2000x128xf32> to vector<2000x128xbf16>
    %swap3A_33 = arith.constant 0 : index
    %swap3A_34 = arith.constant 0 : index
    %swap3A_35 = vector.load %arg8[%swap3A_33, %swap3A_34] : memref<2000x128xbf16, #tpu.memory_space<vmem>>, vector<2000x128xbf16>
    tpu.vector_store %arg8[%swap3A_33, %swap3A_34], %convert_element_type3A_32 {strides = array<i32>} : memref<2000x128xbf16, #tpu.memory_space<vmem>>, vector<2000x128xbf16>,
    return
  }
  func.func @transform_0(%arg0: i32) -> (i32, i32) {
    %c0_i32 = arith.constant 0 : i32
    %c0_i32_0 = arith.constant 0 : i32
    return %arg0, %c0_i32 : i32, i32
  }
  func.func @transform_1(%arg0: i32) -> (i32, i32) {
    %c0_i32 = arith.constant 0 : i32
    %c0_i32_0 = arith.constant 0 : i32
    return %arg0, %c0_i32 : i32, i32
  }
  func.func @transform_2(%arg0: i32) -> (i32, i32) {
    %c0_i32 = arith.constant 0 : i32
    %c0_i32_0 = arith.constant 0 : i32
    %c0_i32_1 = arith.constant 0 : i32
    return %c0_i32, %c0_i32_0 : i32, i32
  }
  func.func @transform_3(%arg0: i32) -> (i32, i32) {
    %c0_i32 = arith.constant 0 : i32
    %c0_i32_0 = arith.constant 0 : i32
    %c0_i32_1 = arith.constant 0 : i32
    return %c0_i32, %c0_i32_0 : i32, i32
  }
  func.func @transform_4(%arg0: i32) -> (i32, i32) {
    %c0_i32 = arith.constant 0 : i32
    %c0_i32_0 = arith.constant 0 : i32
    %c0_i32_1 = arith.constant 0 : i32
    return %c0_i32, %c0_i32_0 : i32, i32
  }
  func.func @transform_5(%arg0: i32) -> (i32, i32) {
    %c0_i32 = arith.constant 0 : i32
    %c0_i32_0 = arith.constant 0 : i32
    %c0_i32_1 = arith.constant 0 : i32
    return %c0_i32, %c0_i32_0 : i32, i32
  }
  func.func @transform_6(%arg0: i32) -> (i32, i32) {
    %c0_i32 = arith.constant 0 : i32
    %c0_i32_0 = arith.constant 0 : i32
    return %arg0, %c0_i32 : i32, i32
  }
  func.func @transform_7(%arg0: i32) -> (i32, i32) {
    %c0_i32 = arith.constant 0 : i32
    %c0_i32_0 = arith.constant 0 : i32
    return %arg0, %c0_i32 : i32, i32
  }
}

module attributes {stable_mosaic.version = 14 : i64} {
  func.func @body(%arg0: i32, %arg1: memref<2000x128xbf16, #tpu.memory_space<vmem>>, %arg2: memref<2000x128xbf16, #tpu.memory_space<vmem>>, %arg3: memref<1x128xf32, #tpu.memory_space<vmem>>, %arg4: memref<1x128xf32, #tpu.memory_space<vmem>>, %arg5: memref<2000x128xf32, #tpu.memory_space<vmem>>, %arg6: memref<2000x128xf32, #tpu.memory_space<vmem>>) attributes {dimension_semantics = [#tpu.dimension_semantics<arbitrary>], iteration_bounds = array<i64: 5>, scalar_prefetch = 0 : i64, scratch_operands = 0 : i64, tpu.core_type = #tpu.core_type<tc>, window_params = [{transform_indices = @transform_0, window_bounds = array<i64: 2000, 128>}, {transform_indices = @transform_1, window_bounds = array<i64: 2000, 128>}, {pipeline_mode = #tpu.pipeline_mode<synchronous>, transform_indices = @transform_2, window_bounds = array<i64: 1, 128>}, {pipeline_mode = #tpu.pipeline_mode<synchronous>, transform_indices = @transform_3, window_bounds = array<i64: 1, 128>}, {transform_indices = @transform_4, window_bounds = array<i64: 2000, 128>}, {transform_indices = @transform_5, window_bounds = array<i64: 2000, 128>}]} {
    %get3A = arith.constant 0 : index
    %get3A_0 = arith.constant 0 : index
    %get3A_1 = vector.load %arg1[%get3A, %get3A_0] : memref<2000x128xbf16, #tpu.memory_space<vmem>>, vector<2000x128xbf16>
    %convert_element_type3A = arith.extf %get3A_1 : vector<2000x128xbf16> to vector<2000x128xf32>
    %get3A_2 = arith.constant 0 : index
    %get3A_3 = arith.constant 0 : index
    %get3A_4 = vector.load %arg3[%get3A_2, %get3A_3] : memref<1x128xf32, #tpu.memory_space<vmem>>, vector<1x128xf32>
    %add3A = vector.broadcast %get3A_4 : vector<1x128xf32> to vector<2000x128xf32>
    %add3A_5 = arith.addf %convert_element_type3A, %add3A : vector<2000x128xf32>
    %swap3A = arith.constant 0 : index
    %swap3A_6 = arith.constant 0 : index
    %swap3A_7 = vector.load %arg5[%swap3A, %swap3A_6] : memref<2000x128xf32, #tpu.memory_space<vmem>>, vector<2000x128xf32>
    tpu.vector_store %arg5[%swap3A, %swap3A_6], %add3A_5 {strides = array<i32>} : memref<2000x128xf32, #tpu.memory_space<vmem>>, vector<2000x128xf32>,
    %get3A_8 = arith.constant 0 : index
    %get3A_9 = arith.constant 0 : index
    %get3A_10 = vector.load %arg2[%get3A_8, %get3A_9] : memref<2000x128xbf16, #tpu.memory_space<vmem>>, vector<2000x128xbf16>
    %convert_element_type3A_11 = arith.extf %get3A_10 : vector<2000x128xbf16> to vector<2000x128xf32>
    %get3A_12 = arith.constant 0 : index
    %get3A_13 = arith.constant 0 : index
    %get3A_14 = vector.load %arg4[%get3A_12, %get3A_13] : memref<1x128xf32, #tpu.memory_space<vmem>>, vector<1x128xf32>
    %add3A_15 = vector.broadcast %get3A_14 : vector<1x128xf32> to vector<2000x128xf32>
    %add3A_16 = arith.addf %convert_element_type3A_11, %add3A_15 : vector<2000x128xf32>
    %swap3A_17 = arith.constant 0 : index
    %swap3A_18 = arith.constant 0 : index
    %swap3A_19 = vector.load %arg6[%swap3A_17, %swap3A_18] : memref<2000x128xf32, #tpu.memory_space<vmem>>, vector<2000x128xf32>
    tpu.vector_store %arg6[%swap3A_17, %swap3A_18], %add3A_16 {strides = array<i32>} : memref<2000x128xf32, #tpu.memory_space<vmem>>, vector<2000x128xf32>,
    return
  }
  func.func @transform_0(%arg0: i32) -> (i32, i32) {
    %c0_i32 = arith.constant 0 : i32
    %c0_i32_0 = arith.constant 0 : i32
    return %arg0, %c0_i32 : i32, i32
  }
  func.func @transform_1(%arg0: i32) -> (i32, i32) {
    %c0_i32 = arith.constant 0 : i32
    %c0_i32_0 = arith.constant 0 : i32
    return %arg0, %c0_i32 : i32, i32
  }
  func.func @transform_2(%arg0: i32) -> (i32, i32) {
    %c0_i32 = arith.constant 0 : i32
    %c0_i32_0 = arith.constant 0 : i32
    %c0_i32_1 = arith.constant 0 : i32
    return %c0_i32, %c0_i32_0 : i32, i32
  }
  func.func @transform_3(%arg0: i32) -> (i32, i32) {
    %c0_i32 = arith.constant 0 : i32
    %c0_i32_0 = arith.constant 0 : i32
    %c0_i32_1 = arith.constant 0 : i32
    return %c0_i32, %c0_i32_0 : i32, i32
  }
  func.func @transform_4(%arg0: i32) -> (i32, i32) {
    %c0_i32 = arith.constant 0 : i32
    %c0_i32_0 = arith.constant 0 : i32
    return %arg0, %c0_i32 : i32, i32
  }
  func.func @transform_5(%arg0: i32) -> (i32, i32) {
    %c0_i32 = arith.constant 0 : i32
    %c0_i32_0 = arith.constant 0 : i32
    return %arg0, %c0_i32 : i32, i32
  }
}

</mosaic_0001>

<sc_bundles>
// kernel: kernel.10.cloned.1.call-start
scs
__scs_entry_jumppad:
0x0: {  	(pc) =	sbr.rel $0x88, $3  }
0x1: {  	(tag) =	ssettag $0x0;
	lr =	simm.s32 $0x1  }
0x2: {  	[smem:$0x3F95] =	sst lr;
	_ =	strace $0xD0000000  }
0x3: {  	_ = 	snop  }
0x4: {  	_ = 	snop  }
0x5: {  	_ = 	snop  }
0x6: {  	_ = 	snop  }
0x7: {  	_ = 	snop  }
__scs_overlays_trampoline_lowered:
0x8: {  	[smem:$0x3FA4] =	sst s0  }
0x9: {  	[smem:$0x3FA5] =	sst s1  }
0xa: {  	[smem:$0x3FA6] =	sst s2  }
0xb: {  	[smem:$0x3FA7] =	sst s3  }
0xc: {  	[smem:$0x3FA8] =	sst s4  }
0xd: {  	[smem:$0x3FA9] =	sst s5  }
0xe: {  	[smem:$0x3FAA] =	sst s6  }
0xf: {  	[smem:$0x3FAB] =	sst s7  }
0x10: {  	[smem:$0x3FAC] =	sst s8  }
0x11: {  	[smem:$0x3FAD] =	sst s9;
	s0 =	simm.s32 @!p0 $0x0  }
0x12: {  	s1 =	sld [smem:$0x3F93];
	s0 =	simm.s32 @p0 $0x1  }
0x13: {  	[smem:$0x3FAE] =	sst s0;
	s0 =	simm.s32 @!p1 $0x0  }
0x14: {  	s2 =	sld [smem:$0x3F92];
	s0 =	simm.s32 @p1 $0x1  }
0x15: {  	[smem:$0x3FAF] =	sst s0;
	s0 =	simm.s32 @!p2 $0x0  }
0x16: {  	s3 =	sld [smem:$0x3FDB];
	s0 =	simm.s32 @p2 $0x1  }
0x17: {  	s4 =	simm.s32 $0x1BF5;
	[smem:$0x3FB1] =	sst s0  }
0x18: {  	s0 =	sld [smem:$0x3F94];
	_ =	swait.ge [sflag:s4], $0x0  }
0x19: {  	s7 =	sld [smem:$0x3F95]  }
0x1a: {  	s8 =	sadd.s32 $0xFFFFE003, lr  }
0x1b: {  	s9 =	sadd.s32 $0xFFFFFEF7, lr;
	s5 =	simm.s32 $0xFFFFFFFF;
	p2 =	slt.u32 s8, $0xFFFFF086  }
0x1c: {  	p1 =	slt.u32 s9, $0xF7A;
	s5 =	simm.s32 @!p2 $0x0  }
0x1d: {  	s5 =	simm.s32 @p1 $0x1;
	p0 =	seq.s32 s7, s2  }
0x1e: {  	s7 =	smul.u32 @!p0 $0xF7A, s2;
	p2 =	seq.s32 @!p0 s5, $0x0  }
0x1f: {  	s9 =	smul.u32 $0xF7A, s1;
	s8 =	simm.s32 @!p0 $0x1BF5;
	p2 =	por !p2, p0  }
0x20: {  	[sflag:s8] =	ssyncset.s32 @!p0 $0xFFFFF086;
	s6 =	sadd.s32 @!p0 s3, s7;
	s7 =	simm.s32 @!p0 $0x108  }
0x21: {  	s3 =	sadd.s32 s3, s9;
	s6 =	sadd.s32 @!p0 $0x88, s6;
	s7 =	simm.s32 @p2 $0x1082  }
0x22: {  	[simem:s7], [sflag:s8] =	dma.local @!p0 [hbm:s6], $0xF7A  }
0x23: {  	s9 =	sor.u32 $0xD0000000, s2;
	s6 =	simm.s32 $0x108;
	_ =	swait.ge @!p0 [sflag:s8], $0x0  }
0x24: {  	s3 =	sadd.s32 $0x88, s3;
	s6 =	simm.s32 @!p1 $0x1082;
	[sflag:s4] =	ssyncset.s32 $0xFFFFF086  }
0x25: {  	[simem:s6], [sflag:s4] =	dma.local [hbm:s3], $0xF7A  }
0x26: {  	[smem:$0x3F95] =	sst s1;
	(tag) =	ssettag s2;
	_ =	strace s9  }
0x27: {  	s1 =	sld [smem:$0x3FA5]  }
0x28: {  	s2 =	sld [smem:$0x3FA6]  }
0x29: {  	s4 =	sld [smem:$0x3FA8]  }
0x2a: {  	p0 =	seq.s32 s5, $0x0;
	s5 =	sld [smem:$0x3FA9]  }
0x2b: {  	s6 =	sld [smem:$0x3FAA]  }
0x2c: {  	s7 =	sld [smem:$0x3FAB]  }
0x2d: {  	s3 =	simm.s32 $0x108;
	s8 =	sld [smem:$0x3FAC]  }
0x2e: {  	s3 =	simm.s32 @!p0 $0x1082;
	s9 =	sld [smem:$0x3FAD]  }
0x2f: {  	lr =	sadd.s32 s0, s3;
	s0 =	sld [smem:$0x3FA4]  }
0x30: {  	s3 =	sld [smem:$0x3FA7]  }
0x31: {  	[smem:$0x3FB0] =	sst s10  }
0x32: {  	s10 =	sld [smem:$0x3FAE];
	_ =	sdelay $0x3  }
0x33: {  	p0 =	seq.s32 s10, $0x1;
	s10 =	sld [smem:$0x3FB0];
	_ =	sdelay $0x3  }
0x34: {  	[smem:$0x3FB0] =	sst s10  }
0x35: {  	s10 =	sld [smem:$0x3FAF];
	_ =	sdelay $0x3  }
0x36: {  	p1 =	seq.s32 s10, $0x1;
	s10 =	sld [smem:$0x3FB0];
	_ =	sdelay $0x3  }
0x37: {  	[smem:$0x3FB0] =	sst s10  }
0x38: {  	s10 =	sld [smem:$0x3FB1]  }
0x39: {  	_ = 	snop;
	(pc) =	sbr.ind lr, $3  }
0x3a: {  	_ = 	snop  }
0x3b: {  	_ = 	snop  }
0x3c: {  	p2 =	seq.s32 s10, $0x1;
	s10 =	sld [smem:$0x3FB0]  }
0x3d: {  	_ =	shalt  }
0x3e: {  	_ =	shalt  }
0x3f: {  	_ =	shalt  }
0x40: {  	_ =	shalt  }
0x41: {  	_ =	shalt  }
0x42: {  	_ =	shalt  }
0x43: {  	_ =	shalt  }
0x44: {  	_ =	shalt  }
0x45: {  	_ =	shalt  }
0x46: {  	_ =	shalt  }
0x47: {  	_ =	shalt  }
0x48: {  	_ =	shalt  }
0x49: {  	_ =	shalt  }
0x4a: {  	_ =	shalt  }
0x4b: {  	_ =	shalt  }
0x4c: {  	_ =	shalt  }
0x4d: {  	_ =	shalt  }
0x4e: {  	_ =	shalt  }
0x4f: {  	_ =	shalt  }
0x50: {  	_ =	shalt  }
0x51: {  	_ =	shalt  }
0x52: {  	_ =	shalt  }
0x53: {  	_ =	shalt  }
0x54: {  	_ =	shalt  }
0x55: {  	_ =	shalt  }
0x56: {  	_ =	shalt  }
0x57: {  	_ =	shalt  }
0x58: {  	_ =	shalt  }
0x59: {  	_ =	shalt  }
0x5a: {  	_ =	shalt  }
0x5b: {  	_ =	shalt  }
0x5c: {  	_ =	shalt  }
0x5d: {  	_ =	shalt  }
0x5e: {  	_ =	shalt  }
0x5f: {  	_ =	shalt  }
0x60: {  	_ =	shalt  }
0x61: {  	_ =	shalt  }
0x62: {  	_ =	shalt  }
0x63: {  	_ =	shalt  }
0x64: {  	_ =	shalt  }
0x65: {  	_ =	shalt  }
0x66: {  	_ =	shalt  }
0x67: {  	_ =	shalt  }
0x68: {  	_ =	shalt  }
0x69: {  	_ =	shalt  }
0x6a: {  	_ =	shalt  }
0x6b: {  	_ =	shalt  }
0x6c: {  	_ =	shalt  }
0x6d: {  	_ =	shalt  }
0x6e: {  	_ =	shalt  }
0x6f: {  	_ =	shalt  }
0x70: {  	_ =	shalt  }
0x71: {  	_ =	shalt  }
0x72: {  	_ =	shalt  }
0x73: {  	_ =	shalt  }
0x74: {  	_ =	shalt  }
0x75: {  	_ =	shalt  }
0x76: {  	_ =	shalt  }
0x77: {  	_ =	shalt  }
0x78: {  	_ =	shalt  }
0x79: {  	_ =	shalt  }
0x7a: {  	_ =	shalt  }
0x7b: {  	_ =	shalt  }
0x7c: {  	_ =	shalt  }
0x7d: {  	_ =	shalt  }
0x7e: {  	_ =	shalt  }
0x7f: {  	_ =	shalt  }
0x80: {  	_ =	shalt  }
0x81: {  	_ =	shalt  }
0x82: {  	_ =	shalt  }
0x83: {  	_ =	shalt  }
0x84: {  	_ =	shalt  }
0x85: {  	_ =	shalt  }
0x86: {  	_ =	shalt  }
0x87: {  	_ =	shalt  }
.Lfunc_end0:
.L_simem_size_0:
called_computation.1_lowered:
.L_overlay_start_0:
0x88: {  	s2 =	sld [smem:$0x3FD9]  }
0x89: {  	s3 =	sld [smem:$0x3FFE];
	_ =	sdelay $0x1  }
0x8a: {  	s1 =	srdreg.scid  }
0x8b: {  	s0 =	sand.u32 $0x1, s1  }
0x8c: {  	s14 =	sshll.u32 s0, $0xA;
	s2 =	sadd.s32 s3, s2  }
0x8d: {  	s2 =	sadd.s32 s2, s14  }
0x8e: {  	[smem:$0x3FBC] =	sst s2  }
0x8f: {  	_ = 	snop  }
0x90: {  	s2 =	sld [smem:$0x3FD0];
	_ =	sdelay $0x2  }
0x91: {  	s15 =	simm.s32 $0xA;
	s4 =	simm.s32 $0x10  }
0x92: {  	[smem:s4], [sflag:s15] =	dma.local [hbm:s2], $0x1  }
0x93: {  	_ =	swait.eq [sflag:s15], $0x1  }
0x94: {  	[sflag:s15] =	ssyncset.done $0x0  }
0x95: {  	s16 =	sld [smem:$0x10];
	[sflag:s15] =	ssyncadd.s32 $0xFFFFFFFF  }
0x96: {  	s17 =	sld [smem:$0x11];
	(tm) =	ssettm $0x1  }
0x97: {  	s18 =	sld [smem:$0x3FFB];
	_ =	sdelay $0x3  }
0x98: {  	_ =	strace s18  }
0x99: {  	s4 =	sld [smem:$0x3FFC];
	_ =	sdelay $0x3  }
0x9a: {  	_ =	strace s4  }
0x9b: {  	s4 =	sld [smem:$0x3FFD];
	_ =	sdelay $0x3  }
0x9c: {  	_ =	strace s4  }
0x9d: {  	_ =	strace $0x8FFFFFFF  }
0x9e: {  	s19 =	sld [smem:$0x3FDB];
	_ =	sdelay $0x1  }
0x9f: {  	s5 =	simm.s32 $_scs_section_size  }
0xa0: {  	s6 =	simm.s32 $_size__tile_overlayer_lowered;
	s7 =	simm.s32 $_tile_overlayer_lowered  }
0xa1: {  	s22 =	simm.s32 $0x1BFF;
	s21 =	sshll.u32 s7, $0x1;
	s4 =	sadd.s32 s5, s19  }
0xa2: {  	s8 =	simm.s32 $0x0;
	s20 =	sshll.u32 s6, $0x1;
	s6 =	sadd.s32 s21, s4  }
0xa3: {  	[timem:s8], [sflag:s22] =	dma.local [hbm:s6], s20  }
0xa4: {  	_ =	swait.ge [sflag:s22], s20  }
0xa5: {  	s5 =	ssub.s32 $0x0, s20;
	[sflag:s22] =	ssyncset.done $0x0  }
0xa6: {  	[sflag:s22] =	ssyncadd.s32 s5;
	_ =	sdelay $0x1  }
0xa7: {  	s23 =	simm.s32 $0x1B8B  }
0xa8: {  	_ =	swait.ge [sflag:s23], $0x1  }
0xa9: {  	[sflag:s23] =	ssyncset.done $0x0  }
0xaa: {  	s25 =	simm.s32 $0x1B8E;
	s24 =	sld [smem:$0x3FFE];
	[sflag:s23] =	ssyncadd.s32 $0xFFFFFFFF  }
0xab: {  	s26 =	simm.s32 $execute0_lowered;
	[smem:$0x3FD2] =	sst s25  }
0xac: {  	s6 =	sshll.u32 s26, $0x1;
	_ =	strace $0x80000049;
	[dreg:$0x1] =	wrdreg $0xFFFFFFFF  }
0xad: {  	s28 =	simm.s32 $_size_execute0_lowered;
	s4 =	sadd.s32 s4, s6;
	[dreg:$0x0] =	wrdreg $0x0  }
0xae: {  	s6 =	sshll.u32 s28, $0x1;
	[dreg:$0x2] =	wrdreg s4  }
0xaf: {  	[dreg:$0x3] =	wrdreg s6  }
0xb0: {  	[dreg:$0x4] =	wrdreg $0xC0  }
0xb1: {  	_ =	task [dreg:s8], $0x5FFFF  }
0xb2: {  	[dreg:$0x1] =	wrdreg $0xFFFFFFFF  }
0xb3: {  	[dreg:$0x0] =	wrdreg $0x60  }
0xb4: {  	[dreg:$0x2] =	wrdreg s24  }
0xb5: {  	[dreg:$0x3] =	wrdreg s17  }
0xb6: {  	[dreg:$0x4] =	wrdreg s16  }
0xb7: {  	[dreg:$0x5] =	wrdreg $0x0  }
0xb8: {  	[dreg:$0x6] =	wrdreg $0xA0000  }
0xb9: {  	[dreg:$0x7] =	wrdreg $0x9  }
0xba: {  	_ =	task.clear_ibuf [dreg:s8], $0x8FFFF;
	_ =	strace $0x90000049  }
0xbb: {  	s29 =	simm.s32 $0x9;
	_ =	strace $0x8000004B  }
0xbc: {  	_ =	swait.ge [sflag:s29], $0x1  }
0xbd: {  	[sflag:s29] =	ssyncadd.s32 $0xFFFFFFFF  }
0xbe: {  	_ =	strace $0x9000004B  }
0xbf: {  	_ =	sfence  }
0xc0: {  	s30 =	sld [smem:$0x0];
	_ =	sdelay $0x2  }
0xc1: {  	s31 =	sshll.u32 s1, $0xD;
	s1 =	sshrl.u32 s1, $0x2  }
0xc2: {  	s3 =	sand.u32 $0x4000, s31;
	s1 =	sadd.s32 s1, s30  }
0xc3: {  	s0 =	sor.u32 s3, s0;
	s1 =	sshll.u32 s1, $0x11  }
0xc4: {  	s0 =	sor.u32 s1, s0  }
0xc5: {  	s0 =	sadd.s32 $0x8F2B, s0  }
0xc6: {  	[sflag:s0] =	ssyncadd.remote.s32 $0x1  }
0xc7: {  	_ =	sfence.sel $0xFFFF  }
0xc8: {  	[dreg:$0x0] =	wrdreg $0xFFFFFFFF;
	(pc) =	sbr.abs _section_cstart, $3  }
0xc9: {  	[dreg:$0x1] =	wrdreg $0xFFFFFFFF  }
0xca: {  	_ =	task.clear_ibuf [dreg:s8], $0x2FFFF;
	_ =	strace $0x9FFFFFFF  }
0xcb: {  	(tm) =	ssettm $0x7FFFFFFF  }
tec
execute0_lowered:
.L_overlay_start_1:
0x0: {  	(tag) =	ssettag $0x1  }
0x1: {  	s1 =	rddreg [dreg:$0x0]  }
0x2: {  	s6 =	rddreg [dreg:$0x1]  }
0x3: {  	s8 =	rddreg [dreg:$0x2]  }
0x4: {  	s2 =	rddreg [dreg:$0x3]  }
0x5: {  	s3 =	rddreg [dreg:$0x4]  }
0x6: {  	s0 =	stileid.u32;
	s7 =	srdreg.scid;
	s4 =	simm.s32 $0x0  }
0x7: {  	s5 =	smul.u32 $0x14000, s0;
	s7 =	sand.u32 $0x1, s7;
	[smem:$0x7FF] =	sst s4  }
0x8: {  	s13 =	smul.u32 $0x28000, s0;
	s16 =	sadd.s32 $0x3D400, s1;
	s25 =	sadd.s32 $0x29A00, s1  }
0x9: {  	p1 =	seq.s32 s0, $0xF;
	s10 =	ssub.s32 $0x2, s7;
	_ =	strace $0x8000004A  }
0xa: {  	p0 =	seq.s32 s7, $0x1;
	s7 =	sadd.s32 $0x96000, s2;
	[dreg:$0x9] =	wrdreg s16  }
0xb: {  	[dreg:$0x13] =	wrdreg s25;
	s9 =	sshrl.u32 s5, $0x4;
	s11 =	sshrl.u32 s10, $0x1  }
0xc: {  	s12 =	sadd.s32 s9, s1;
	s10 =	ssub.s32 s10, s11;
	s11 =	sshrl.u32 s5, $0x1  }
0xd: {  	s9 =	sshrl.u32 s13, $0x2;
	s13 =	smul.u32 $0x5000, s0;
	s5 =	sadd.s32 s11, s2  }
0xe: {  	s14 =	sadd.s32 $0x3400, s12;
	s9 =	sadd.s32 s9, s3;
	s15 =	sadd.s32 $0x2A800, s12  }
0xf: {  	s11 =	sadd.s32 s11, s3;
	s17 =	sadd.s32 $0x16E00, s12;
	[dreg:$0x6] =	wrdreg s14  }
0x10: {  	s26 =	sadd.s32 $0x3E200, s12;
	s25 =	smax.u32 s10, $0x1;
	[dreg:$0x8] =	wrdreg s15  }
0x11: {  	s12 =	simm.s32 $0x80;
	s14 =	sadd.s32 $0x16000, s1;
	[dreg:$0xa] =	wrdreg s17  }
0x12: {  	s13 =	sshrl.u32 s13, $0x3;
	[dreg:$0x14] =	wrdreg s26;
	s1 =	sadd.s32 $0x50E00, s1  }
0x13: {  	s26 =	sadd.s32 $0x96000, s3;
	s28 =	sadd.s32 $0x2000, s9;
	s29 =	sadd.s32 $0x4000, s9  }
0x14: {  	s30 =	sadd.s32 $0x6000, s9;
	s31 =	sadd.s32 $0x8000, s9;
	[dreg:$0x7] =	wrdreg s14  }
0x15: {  	s18 =	sadd.s32 s6, s13;
	s19 =	sadd.s32 $0xA000, s13;
	[dreg:$0x15] =	wrdreg s1  }
0x16: {  	s20 =	sadd.s32 $0x500, s13;
	s21 =	sadd.s32 s8, s13;
	[dreg:$0xb] =	wrdreg s18  }
0x17: {  	s16 =	sadd.s32 $0xA500, s13;
	s15 =	sadd.s32 s6, s19;
	[dreg:$0xf] =	wrdreg s21  }
0x18: {  	s1 =	simm.s32 $0x14000;
	s17 =	sadd.s32 s6, s20;
	[dreg:$0xc] =	wrdreg s15  }
0x19: {  	s13 =	simm.s32 $0x18080;
	s6 =	sadd.s32 s6, s16;
	[dreg:$0xd] =	wrdreg s17  }
.Ltmp0:
0x1a: {  	s22 =	sadd.s32 s8, s19;
	[dreg:$0xe] =	wrdreg s6;
	(pc) =	sbr.rel .LBB2_1-.Ltmp0, $4  }
0x1b: {  	s14 =	simm.s32 $0x16000;
	s23 =	sadd.s32 s8, s20;
	[dreg:$0x10] =	wrdreg s22  }
0x1c: {  	s24 =	sadd.s32 s8, s16;
	s8 =	simm.s32 $0x18000;
	[dreg:$0x11] =	wrdreg s23  }
0x1d: {  	s16 =	simm.s32 $0x2;
	s18 =	simm.s32 $0x1CF80;
	[dreg:$0x12] =	wrdreg s24  }
0x1e: {  	v0 =	vimm.bf16 $0.0e+00;
	s6 =	simm.s32 $0x3;
	s15 =	simm.s32 $0x1;
	s17 =	simm.s32 $0x1CF00  }
.LBB2_8:
0x1f: {  	[tilespmem:s14], [sflag:$0x2] =	stream.indirect.gather [spmem:s2], $0x40, s23, s12, $0xb8;
	[tilespmem:$0x1D000] =	vst v63  }
0x20: {  	_ =	swait.ge [sflag:s15], $0x2000  }
0x21: {  	[sflag:s15] =	ssyncset.done $0x0  }
0x22: {  	[sflag:s15] =	ssyncadd.s32 $0xFFFFE000  }
0x23: {  	[spmem:s3] =	stream.indirect.scatter.add.bf16 [tilespmem:s1], [sflag:$0x3], $0x40, s17, s12, $0xb8;
	[tilespmem:$0x1D000] =	vst v63  }
0x24: {  	_ =	swait.ge [sflag:s6], $0x2000  }
0x25: {  	[sflag:s6] =	ssyncset.done $0x0  }
0x26: {  	[sflag:s6] =	ssyncadd.s32 $0xFFFFE000  }
0x27: {  	_ =	swait.ge [sflag:s16], $0x2000  }
0x28: {  	[sflag:s16] =	ssyncset.done $0x0  }
0x29: {  	[sflag:s16] =	ssyncadd.s32 $0xFFFFE000  }
0x2a: {  	[spmem:s3] =	stream.indirect.scatter.add.bf16 [tilespmem:s14], [sflag:$0x3], $0x40, s18, s12, $0xb8;
	[tilespmem:$0x1D000] =	vst v63  }
0x2b: {  	_ =	swait.ge [sflag:s6], $0x2000  }
0x2c: {  	[sflag:s6] =	ssyncset.done $0x0  }
0x2d: {  	[sflag:s6] =	ssyncadd.s32 $0xFFFFE000  }
0x2e: {  	[bflag:$0x0] =	sbarrier.arrive $0xFFFF  }
0x2f: {  	s22 =	simm.s32 @p1 $0x1FC3;
	s0 =	rddreg [dreg:$0x9]  }
0x30: {  	[hbm:s0], [sflag:s22] =	dma.local @p1 [spmem:s21], $0xC80  }
0x31: {  	s21 =	simm.s32 @p1 $0x3  }
0x32: {  	_ =	swait.ge @p1 [sflag:s21], $0xC80  }
0x33: {  	[sflag:s21] =	ssyncset.done @p1 $0x0  }
0x34: {  	s0 =	rddreg [dreg:$0x8];
	[sflag:s21] =	ssyncadd.s32 @p1 $0xFFFFF380  }
0x35: {  	[hbm:s0], [sflag:s20] =	dma.local @!p1 [spmem:s19], $0x1400  }
0x36: {  	s19 =	simm.s32 @!p1 $0x3  }
0x37: {  	_ =	swait.ge @!p1 [sflag:s19], $0x1400  }
0x38: {  	[sflag:s19] =	ssyncset.done @!p1 $0x0  }
0x39: {  	s0 =	stileid.u32;
	[sflag:s19] =	ssyncadd.s32 @!p1 $0xFFFFEC00  }
.LBB2_14:
0x3a: {  	s4 =	sadd.s32 $0x1, s4  }
0x3b: {  	p2 =	sne.s32 s4, s25  }
.Ltmp1:
0x3c: {  	_ = 	snop;
	(pc) =	sbr.rel @!p2 .LBB2_15-.Ltmp1, $1  }
0x3d: {  	_ =	sdelay $0x3  }
.LBB2_1:
0x3e: {  	s20 =	simm.s32 $0x100;
	s19 =	simm.s32 $0x0  }
.LBB2_2:
0x3f: {  	p2 =	sne.s32 s20, $0x7F00;
	[tilespmem:s19+$0x14030] =	vst v0;
	s21 =	smov.u32 s20;
	s20 =	sadd.s32 $0x100, s20  }
.Ltmp2:
0x40: {  	[tilespmem:s19+$0x14020] =	vst v0;
	(pc) =	sbr.rel @p2 .LBB2_2-.Ltmp2, $3  }
0x41: {  	[tilespmem:s19+$0x14000] =	vst v0  }
0x42: {  	[tilespmem:s19+$0x14010] =	vst v0;
	_ =	sdelay $0x1  }
0x43: {  	s19 =	sshra.s32 s21, $0x2  }
.Ltmp3:
0x44: {  	(pc) =	sbr.rel @!p0 .LBB2_4-.Ltmp3, $4  }
0x45: {  	[tilespmem:s19+$0x14030] =	vst v0  }
0x46: {  	[tilespmem:s19+$0x14020] =	vst v0  }
0x47: {  	[tilespmem:s19+$0x14000] =	vst v0;
	s23 =	sshrl.u32 @p1 s7, $0x3;
	s20 =	sshll.u32 @!p1 s0, $0x6;
	s22 =	sshrl.u32 @!p1 s5, $0x3  }
0x48: {  	[tilespmem:s19+$0x14010] =	vst v0;
	s21 =	sshrl.u32 @p1 s26, $0x3;
	s19 =	sshrl.u32 @!p1 s11, $0x3;
	s20 =	sor.u32 @!p1 $0x1C03, s20  }
0x49: {  	s10 =	smov.u32 s25;
	s25 =	smov.u32 s11;
	s11 =	smov.u32 s7  }
0x4a: {  	s7 =	smov.u32 s5;
	s24 =	simm.s32 @p1 $0x1FC3;
	s5 =	rddreg [dreg:$0x13]  }
0x4b: {  	[spmem:s23], [sflag:s24] =	dma.local @p1 [hbm:s5], $0xC80  }
0x4c: {  	s23 =	simm.s32 @p1 $0x3  }
0x4d: {  	_ =	swait.ge @p1 [sflag:s23], $0xC80  }
0x4e: {  	[sflag:s23] =	ssyncset.done @p1 $0x0  }
0x4f: {  	[sflag:s23] =	ssyncadd.s32 @p1 $0xFFFFF380;
	s23 =	rddreg [dreg:$0xa]  }
0x50: {  	[spmem:s22], [sflag:s20] =	dma.local @!p1 [hbm:s23], $0x1400  }
0x51: {  	s22 =	simm.s32 @!p1 $0x3  }
0x52: {  	_ =	swait.ge @!p1 [sflag:s22], $0x1400  }
0x53: {  	[sflag:s22] =	ssyncset.done @!p1 $0x0  }
0x54: {  	[sflag:s22] =	ssyncadd.s32 @!p1 $0xFFFFEC00  }
0x55: {  	[spmem:s9] =	stream.linear.scatter [tilespmem:s1], [sflag:$0x3], $0x2000, $0x38;
	[tilespmem:$0x1D000] =	vst v63  }
0x56: {  	_ =	swait.ge [sflag:s6], $0x2000  }
0x57: {  	[sflag:s6] =	ssyncset.done $0x0  }
0x58: {  	[sflag:s6] =	ssyncadd.s32 $0xFFFFE000  }
0x59: {  	[spmem:s28] =	stream.linear.scatter [tilespmem:s1], [sflag:$0x3], $0x2000, $0x38;
	[tilespmem:$0x1D000] =	vst v63  }
0x5a: {  	_ =	swait.ge [sflag:s6], $0x2000  }
0x5b: {  	[sflag:s6] =	ssyncset.done $0x0  }
0x5c: {  	[sflag:s6] =	ssyncadd.s32 $0xFFFFE000  }
0x5d: {  	[spmem:s29] =	stream.linear.scatter [tilespmem:s1], [sflag:$0x3], $0x2000, $0x38;
	[tilespmem:$0x1D000] =	vst v63  }
0x5e: {  	_ =	swait.ge [sflag:s6], $0x2000  }
0x5f: {  	[sflag:s6] =	ssyncset.done $0x0  }
0x60: {  	[sflag:s6] =	ssyncadd.s32 $0xFFFFE000  }
0x61: {  	[spmem:s30] =	stream.linear.scatter [tilespmem:s1], [sflag:$0x3], $0x2000, $0x38;
	[tilespmem:$0x1D000] =	vst v63  }
0x62: {  	_ =	swait.ge [sflag:s6], $0x2000  }
0x63: {  	[sflag:s6] =	ssyncset.done $0x0  }
0x64: {  	[sflag:s6] =	ssyncadd.s32 $0xFFFFE000  }
0x65: {  	[spmem:s31] =	stream.linear.scatter [tilespmem:s1], [sflag:$0x3], $0x2000, $0x38;
	[tilespmem:$0x1D000] =	vst v63  }
0x66: {  	_ =	swait.ge [sflag:s6], $0x2000  }
0x67: {  	[sflag:s6] =	ssyncset.done $0x0  }
0x68: {  	[sflag:s6] =	ssyncadd.s32 $0xFFFFE000  }
0x69: {  	[bflag:$0x0] =	sbarrier.arrive $0xFFFF  }
0x6a: {  	s22 =	simm.s32 $0x0;
	s24 =	rddreg [dreg:$0xf]  }
0x6b: {  	[tilespmem:s8], [sflag:$0x3] =	stream.linear.gather [hbm4b:s24+s22], $0x2800, $0x38;
	[tilespmem:$0x1D000] =	vst v63  }
0x6c: {  	_ =	swait.ge [sflag:s6], $0x2800  }
0x6d: {  	[sflag:s6] =	ssyncset.done $0x0  }
0x6e: {  	s24 =	simm.s32 $0x1A800;
	s5 =	rddreg [dreg:$0x10];
	[sflag:s6] =	ssyncadd.s32 $0xFFFFD800  }
0x6f: {  	[tilespmem:s24], [sflag:$0x3] =	stream.linear.gather [hbm4b:s5+s22], $0x2800, $0x38;
	[tilespmem:$0x1D000] =	vst v63  }
0x70: {  	_ =	swait.ge [sflag:s6], $0x2800  }
0x71: {  	[sflag:s6] =	ssyncset.done $0x0  }
0x72: {  	[sflag:s6] =	ssyncadd.s32 $0xFFFFD800  }
0x73: {  	[tilespmem:s1], [sflag:$0x1] =	stream.indirect.gather [spmem:s2], $0x40, s8, s12, $0xb8;
	[tilespmem:$0x1D000] =	vst v63  }
0x74: {  	_ = 	snop  }
0x75: {  	[tilespmem:s14], [sflag:$0x2] =	stream.indirect.gather [spmem:s2], $0x40, s13, s12, $0xb8;
	[tilespmem:$0x1D000] =	vst v63  }
0x76: {  	_ =	swait.ge [sflag:s15], $0x2000  }
0x77: {  	[sflag:s15] =	ssyncset.done $0x0  }
0x78: {  	s5 =	simm.s32 $0x1A800;
	[sflag:s15] =	ssyncadd.s32 $0xFFFFE000  }
0x79: {  	[spmem:s3] =	stream.indirect.scatter.add.bf16 [tilespmem:s1], [sflag:$0x3], $0x40, s5, s12, $0xb8;
	[tilespmem:$0x1D000] =	vst v63  }
0x7a: {  	_ =	swait.ge [sflag:s6], $0x2000  }
0x7b: {  	[sflag:s6] =	ssyncset.done $0x0  }
0x7c: {  	s23 =	simm.s32 $0x18100;
	[sflag:s6] =	ssyncadd.s32 $0xFFFFE000  }
0x7d: {  	[tilespmem:s1], [sflag:$0x1] =	stream.indirect.gather [spmem:s2], $0x40, s23, s12, $0xb8;
	[tilespmem:$0x1D000] =	vst v63  }
0x7e: {  	_ =	swait.ge [sflag:s16], $0x2000  }
0x7f: {  	[sflag:s16] =	ssyncset.done $0x0  }
0x80: {  	s24 =	simm.s32 $0x1A880;
	[sflag:s16] =	ssyncadd.s32 $0xFFFFE000  }
0x81: {  	[spmem:s3] =	stream.indirect.scatter.add.bf16 [tilespmem:s14], [sflag:$0x3], $0x40, s24, s12, $0xb8;
	[tilespmem:$0x1D000] =	vst v63  }
0x82: {  	_ =	swait.ge [sflag:s6], $0x2000  }
0x83: {  	[sflag:s6] =	ssyncset.done $0x0  }
0x84: {  	s22 =	simm.s32 $0x400;
	s23 =	simm.s32 $0x18180;
	[sflag:s6] =	ssyncadd.s32 $0xFFFFE000  }
.LBB2_10:
0x85: {  	[tilespmem:s14], [sflag:$0x2] =	stream.indirect.gather [spmem:s2], $0x40, s23, s12, $0xb8;
	[tilespmem:$0x1D000] =	vst v63  }
0x86: {  	s23 =	smov.u32 s22  }
0x87: {  	p2 =	sne.s32 s22, $0x9800;
	s22 =	sadd.s32 $0x400, s22;
	_ =	swait.ge [sflag:s15], $0x2000  }
0x88: {  	s23 =	sshra.s32 s23, $0x2;
	[sflag:s15] =	ssyncset.done $0x0  }
0x89: {  	s24 =	sadd.s32 $0x1A800, s23;
	[sflag:s15] =	ssyncadd.s32 $0xFFFFE000  }
0x8a: {  	[spmem:s3] =	stream.indirect.scatter.add.bf16 [tilespmem:s1], [sflag:$0x3], $0x40, s24, s12, $0xb8;
	[tilespmem:$0x1D000] =	vst v63  }
0x8b: {  	_ =	swait.ge [sflag:s6], $0x2000  }
0x8c: {  	[sflag:s6] =	ssyncset.done $0x0  }
0x8d: {  	s24 =	sadd.s32 $0x18100, s23;
	[sflag:s6] =	ssyncadd.s32 $0xFFFFE000  }
0x8e: {  	[tilespmem:s1], [sflag:$0x1] =	stream.indirect.gather [spmem:s2], $0x40, s24, s12, $0xb8;
	[tilespmem:$0x1D000] =	vst v63  }
0x8f: {  	_ =	swait.ge [sflag:s16], $0x2000  }
0x90: {  	[sflag:s16] =	ssyncset.done $0x0  }
.Ltmp4:
0x91: {  	s24 =	sadd.s32 $0x1A880, s23;
	[sflag:s16] =	ssyncadd.s32 $0xFFFFE000;
	(pc) =	sbr.rel @p2 .LBB2_10-.Ltmp4, $4  }
0x92: {  	[spmem:s3] =	stream.indirect.scatter.add.bf16 [tilespmem:s14], [sflag:$0x3], $0x40, s24, s12, $0xb8;
	[tilespmem:$0x1D000] =	vst v63  }
0x93: {  	_ =	swait.ge [sflag:s6], $0x2000  }
0x94: {  	[sflag:s6] =	ssyncset.done $0x0  }
0x95: {  	s23 =	sadd.s32 $0x18180, s23;
	[sflag:s6] =	ssyncadd.s32 $0xFFFFE000  }
0x96: {  	[tilespmem:s14], [sflag:$0x2] =	stream.indirect.gather [spmem:s2], $0x40, s23, s12, $0xb8;
	[tilespmem:$0x1D000] =	vst v63  }
0x97: {  	_ =	swait.ge [sflag:s15], $0x2000  }
0x98: {  	[sflag:s15] =	ssyncset.done $0x0  }
0x99: {  	[sflag:s15] =	ssyncadd.s32 $0xFFFFE000  }
0x9a: {  	[spmem:s3] =	stream.indirect.scatter.add.bf16 [tilespmem:s1], [sflag:$0x3], $0x40, s17, s12, $0xb8;
	[tilespmem:$0x1D000] =	vst v63  }
0x9b: {  	_ =	swait.ge [sflag:s6], $0x2000  }
0x9c: {  	[sflag:s6] =	ssyncset.done $0x0  }
0x9d: {  	[sflag:s6] =	ssyncadd.s32 $0xFFFFE000  }
0x9e: {  	_ =	swait.ge [sflag:s16], $0x2000  }
0x9f: {  	[sflag:s16] =	ssyncset.done $0x0  }
0xa0: {  	[sflag:s16] =	ssyncadd.s32 $0xFFFFE000  }
0xa1: {  	[spmem:s3] =	stream.indirect.scatter.add.bf16 [tilespmem:s14], [sflag:$0x3], $0x40, s18, s12, $0xb8;
	[tilespmem:$0x1D000] =	vst v63  }
0xa2: {  	_ =	swait.ge [sflag:s6], $0x2000  }
0xa3: {  	[sflag:s6] =	ssyncset.done $0x0  }
0xa4: {  	s22 =	simm.s32 $0x0;
	s5 =	rddreg [dreg:$0x11];
	[sflag:s6] =	ssyncadd.s32 $0xFFFFE000  }
0xa5: {  	[tilespmem:s8], [sflag:$0x3] =	stream.linear.gather [hbm4b:s5+s22], $0x2800, $0x38;
	[tilespmem:$0x1D000] =	vst v63  }
0xa6: {  	_ =	swait.ge [sflag:s6], $0x2800  }
0xa7: {  	[sflag:s6] =	ssyncset.done $0x0  }
0xa8: {  	s5 =	simm.s32 $0x1A800;
	s24 =	rddreg [dreg:$0x12];
	[sflag:s6] =	ssyncadd.s32 $0xFFFFD800  }
0xa9: {  	[tilespmem:s5], [sflag:$0x3] =	stream.linear.gather [hbm4b:s24+s22], $0x2800, $0x38;
	[tilespmem:$0x1D000] =	vst v63  }
0xaa: {  	_ =	swait.ge [sflag:s6], $0x2800  }
0xab: {  	[sflag:s6] =	ssyncset.done $0x0  }
0xac: {  	[sflag:s6] =	ssyncadd.s32 $0xFFFFD800  }
0xad: {  	[tilespmem:s1], [sflag:$0x1] =	stream.indirect.gather [spmem:s2], $0x40, s8, s12, $0xb8;
	[tilespmem:$0x1D000] =	vst v63  }
0xae: {  	_ = 	snop  }
0xaf: {  	[tilespmem:s14], [sflag:$0x2] =	stream.indirect.gather [spmem:s2], $0x40, s13, s12, $0xb8;
	[tilespmem:$0x1D000] =	vst v63  }
0xb0: {  	_ =	swait.ge [sflag:s15], $0x2000  }
0xb1: {  	[sflag:s15] =	ssyncset.done $0x0  }
0xb2: {  	s5 =	simm.s32 $0x1A800;
	[sflag:s15] =	ssyncadd.s32 $0xFFFFE000  }
0xb3: {  	[spmem:s3] =	stream.indirect.scatter.add.bf16 [tilespmem:s1], [sflag:$0x3], $0x40, s5, s12, $0xb8;
	[tilespmem:$0x1D000] =	vst v63  }
0xb4: {  	_ =	swait.ge [sflag:s6], $0x2000  }
0xb5: {  	[sflag:s6] =	ssyncset.done $0x0  }
0xb6: {  	s23 =	simm.s32 $0x18100;
	[sflag:s6] =	ssyncadd.s32 $0xFFFFE000  }
0xb7: {  	[tilespmem:s1], [sflag:$0x1] =	stream.indirect.gather [spmem:s2], $0x40, s23, s12, $0xb8;
	[tilespmem:$0x1D000] =	vst v63  }
0xb8: {  	_ =	swait.ge [sflag:s16], $0x2000  }
0xb9: {  	[sflag:s16] =	ssyncset.done $0x0  }
0xba: {  	s24 =	simm.s32 $0x1A880;
	[sflag:s16] =	ssyncadd.s32 $0xFFFFE000  }
0xbb: {  	[spmem:s3] =	stream.indirect.scatter.add.bf16 [tilespmem:s14], [sflag:$0x3], $0x40, s24, s12, $0xb8;
	[tilespmem:$0x1D000] =	vst v63  }
0xbc: {  	_ =	swait.ge [sflag:s6], $0x2000  }
0xbd: {  	[sflag:s6] =	ssyncset.done $0x0  }
0xbe: {  	s22 =	simm.s32 $0x400;
	s23 =	simm.s32 $0x18180;
	[sflag:s6] =	ssyncadd.s32 $0xFFFFE000  }
.LBB2_12:
0xbf: {  	[tilespmem:s14], [sflag:$0x2] =	stream.indirect.gather [spmem:s2], $0x40, s23, s12, $0xb8;
	[tilespmem:$0x1D000] =	vst v63  }
0xc0: {  	s23 =	smov.u32 s22  }
0xc1: {  	p2 =	sne.s32 s22, $0x9800;
	s22 =	sadd.s32 $0x400, s22;
	_ =	swait.ge [sflag:s15], $0x2000  }
0xc2: {  	s23 =	sshra.s32 s23, $0x2;
	[sflag:s15] =	ssyncset.done $0x0  }
0xc3: {  	s24 =	sadd.s32 $0x1A800, s23;
	[sflag:s15] =	ssyncadd.s32 $0xFFFFE000  }
0xc4: {  	[spmem:s3] =	stream.indirect.scatter.add.bf16 [tilespmem:s1], [sflag:$0x3], $0x40, s24, s12, $0xb8;
	[tilespmem:$0x1D000] =	vst v63  }
0xc5: {  	_ =	swait.ge [sflag:s6], $0x2000  }
0xc6: {  	[sflag:s6] =	ssyncset.done $0x0  }
0xc7: {  	s24 =	sadd.s32 $0x18100, s23;
	[sflag:s6] =	ssyncadd.s32 $0xFFFFE000  }
0xc8: {  	[tilespmem:s1], [sflag:$0x1] =	stream.indirect.gather [spmem:s2], $0x40, s24, s12, $0xb8;
	[tilespmem:$0x1D000] =	vst v63  }
0xc9: {  	_ =	swait.ge [sflag:s16], $0x2000  }
0xca: {  	[sflag:s16] =	ssyncset.done $0x0  }
.Ltmp5:
0xcb: {  	s24 =	sadd.s32 $0x1A880, s23;
	[sflag:s16] =	ssyncadd.s32 $0xFFFFE000;
	(pc) =	sbr.rel @p2 .LBB2_12-.Ltmp5, $4  }
0xcc: {  	[spmem:s3] =	stream.indirect.scatter.add.bf16 [tilespmem:s14], [sflag:$0x3], $0x40, s24, s12, $0xb8;
	[tilespmem:$0x1D000] =	vst v63  }
0xcd: {  	_ =	swait.ge [sflag:s6], $0x2000  }
0xce: {  	[sflag:s6] =	ssyncset.done $0x0  }
0xcf: {  	s23 =	sadd.s32 $0x18180, s23;
	[sflag:s6] =	ssyncadd.s32 $0xFFFFE000  }
0xd0: {  	[tilespmem:s14], [sflag:$0x2] =	stream.indirect.gather [spmem:s2], $0x40, s23, s12, $0xb8;
	[tilespmem:$0x1D000] =	vst v63  }
0xd1: {  	_ =	swait.ge [sflag:s15], $0x2000  }
0xd2: {  	[sflag:s15] =	ssyncset.done $0x0  }
0xd3: {  	[sflag:s15] =	ssyncadd.s32 $0xFFFFE000  }
0xd4: {  	[spmem:s3] =	stream.indirect.scatter.add.bf16 [tilespmem:s1], [sflag:$0x3], $0x40, s17, s12, $0xb8;
	[tilespmem:$0x1D000] =	vst v63  }
0xd5: {  	_ =	swait.ge [sflag:s6], $0x2000  }
0xd6: {  	[sflag:s6] =	ssyncset.done $0x0  }
0xd7: {  	[sflag:s6] =	ssyncadd.s32 $0xFFFFE000  }
0xd8: {  	_ =	swait.ge [sflag:s16], $0x2000  }
0xd9: {  	[sflag:s16] =	ssyncset.done $0x0  }
0xda: {  	[sflag:s16] =	ssyncadd.s32 $0xFFFFE000  }
0xdb: {  	[spmem:s3] =	stream.indirect.scatter.add.bf16 [tilespmem:s14], [sflag:$0x3], $0x40, s18, s12, $0xb8;
	[tilespmem:$0x1D000] =	vst v63  }
0xdc: {  	_ =	swait.ge [sflag:s6], $0x2000  }
0xdd: {  	[sflag:s6] =	ssyncset.done $0x0  }
0xde: {  	[sflag:s6] =	ssyncadd.s32 $0xFFFFE000  }
0xdf: {  	[bflag:$0x0] =	sbarrier.arrive $0xFFFF  }
0xe0: {  	s22 =	simm.s32 @p1 $0x1FC3;
	s5 =	rddreg [dreg:$0x15]  }
0xe1: {  	[hbm:s5], [sflag:s22] =	dma.local @p1 [spmem:s21], $0xC80  }
0xe2: {  	s21 =	simm.s32 @p1 $0x3  }
0xe3: {  	_ =	swait.ge @p1 [sflag:s21], $0xC80  }
0xe4: {  	[sflag:s21] =	ssyncset.done @p1 $0x0  }
0xe5: {  	s5 =	rddreg [dreg:$0x14];
	[sflag:s21] =	ssyncadd.s32 @p1 $0xFFFFF380  }
0xe6: {  	[hbm:s5], [sflag:s20] =	dma.local @!p1 [spmem:s19], $0x1400  }
.Ltmp6:
0xe7: {  	_ = 	snop;
	(pc) =	sbr.rel .LBB2_14-.Ltmp6, $4  }
0xe8: {  	s19 =	simm.s32 @!p1 $0x3  }
0xe9: {  	_ =	swait.ge @!p1 [sflag:s19], $0x1400  }
0xea: {  	s5 =	smov.u32 s7;
	s7 =	smov.u32 s11;
	[sflag:s19] =	ssyncset.done @!p1 $0x0  }
0xeb: {  	s11 =	smov.u32 s25;
	s25 =	smov.u32 s10;
	[sflag:s19] =	ssyncadd.s32 @!p1 $0xFFFFEC00  }
.LBB2_4:
0xec: {  	s24 =	simm.s32 @p1 $0x1FC3;
	s0 =	rddreg [dreg:$0x7]  }
0xed: {  	[spmem:s23], [sflag:s24] =	dma.local @p1 [hbm:s0], $0xC80  }
0xee: {  	s23 =	simm.s32 @p1 $0x3  }
0xef: {  	_ =	swait.ge @p1 [sflag:s23], $0xC80  }
0xf0: {  	[sflag:s23] =	ssyncset.done @p1 $0x0  }
0xf1: {  	[sflag:s23] =	ssyncadd.s32 @p1 $0xFFFFF380;
	s23 =	rddreg [dreg:$0x6]  }
0xf2: {  	[spmem:s22], [sflag:s20] =	dma.local @!p1 [hbm:s23], $0x1400  }
0xf3: {  	s22 =	simm.s32 @!p1 $0x3  }
0xf4: {  	_ =	swait.ge @!p1 [sflag:s22], $0x1400  }
0xf5: {  	[sflag:s22] =	ssyncset.done @!p1 $0x0  }
0xf6: {  	[sflag:s22] =	ssyncadd.s32 @!p1 $0xFFFFEC00  }
0xf7: {  	[spmem:s9] =	stream.linear.scatter [tilespmem:s1], [sflag:$0x3], $0x2000, $0x38;
	[tilespmem:$0x1D000] =	vst v63  }
0xf8: {  	_ =	swait.ge [sflag:s6], $0x2000  }
0xf9: {  	[sflag:s6] =	ssyncset.done $0x0  }
0xfa: {  	[sflag:s6] =	ssyncadd.s32 $0xFFFFE000  }
0xfb: {  	[spmem:s28] =	stream.linear.scatter [tilespmem:s1], [sflag:$0x3], $0x2000, $0x38;
	[tilespmem:$0x1D000] =	vst v63  }
0xfc: {  	_ =	swait.ge [sflag:s6], $0x2000  }
0xfd: {  	[sflag:s6] =	ssyncset.done $0x0  }
0xfe: {  	[sflag:s6] =	ssyncadd.s32 $0xFFFFE000  }
0xff: {  	[spmem:s29] =	stream.linear.scatter [tilespmem:s1], [sflag:$0x3], $0x2000, $0x38;
	[tilespmem:$0x1D000] =	vst v63  }
0x100: {  	_ =	swait.ge [sflag:s6], $0x2000  }
0x101: {  	[sflag:s6] =	ssyncset.done $0x0  }
0x102: {  	[sflag:s6] =	ssyncadd.s32 $0xFFFFE000  }
0x103: {  	[spmem:s30] =	stream.linear.scatter [tilespmem:s1], [sflag:$0x3], $0x2000, $0x38;
	[tilespmem:$0x1D000] =	vst v63  }
0x104: {  	_ =	swait.ge [sflag:s6], $0x2000  }
0x105: {  	[sflag:s6] =	ssyncset.done $0x0  }
0x106: {  	[sflag:s6] =	ssyncadd.s32 $0xFFFFE000  }
0x107: {  	[spmem:s31] =	stream.linear.scatter [tilespmem:s1], [sflag:$0x3], $0x2000, $0x38;
	[tilespmem:$0x1D000] =	vst v63  }
0x108: {  	_ =	swait.ge [sflag:s6], $0x2000  }
0x109: {  	[sflag:s6] =	ssyncset.done $0x0  }
0x10a: {  	[sflag:s6] =	ssyncadd.s32 $0xFFFFE000  }
0x10b: {  	[bflag:$0x0] =	sbarrier.arrive $0xFFFF  }
0x10c: {  	s22 =	simm.s32 $0x0;
	s23 =	rddreg [dreg:$0xb]  }
0x10d: {  	[tilespmem:s8], [sflag:$0x3] =	stream.linear.gather [hbm4b:s23+s22], $0x2800, $0x38;
	[tilespmem:$0x1D000] =	vst v63  }
0x10e: {  	_ =	swait.ge [sflag:s6], $0x2800  }
0x10f: {  	[sflag:s6] =	ssyncset.done $0x0  }
0x110: {  	s10 =	simm.s32 $0x1A800;
	s24 =	rddreg [dreg:$0xc];
	[sflag:s6] =	ssyncadd.s32 $0xFFFFD800  }
0x111: {  	[tilespmem:s10], [sflag:$0x3] =	stream.linear.gather [hbm4b:s24+s22], $0x2800, $0x38;
	[tilespmem:$0x1D000] =	vst v63  }
0x112: {  	_ =	swait.ge [sflag:s6], $0x2800  }
0x113: {  	[sflag:s6] =	ssyncset.done $0x0  }
0x114: {  	[sflag:s6] =	ssyncadd.s32 $0xFFFFD800  }
0x115: {  	[tilespmem:s1], [sflag:$0x1] =	stream.indirect.gather [spmem:s2], $0x40, s8, s12, $0xb8;
	[tilespmem:$0x1D000] =	vst v63  }
0x116: {  	_ = 	snop  }
0x117: {  	[tilespmem:s14], [sflag:$0x2] =	stream.indirect.gather [spmem:s2], $0x40, s13, s12, $0xb8;
	[tilespmem:$0x1D000] =	vst v63  }
0x118: {  	_ =	swait.ge [sflag:s15], $0x2000  }
0x119: {  	[sflag:s15] =	ssyncset.done $0x0  }
0x11a: {  	s10 =	simm.s32 $0x1A800;
	[sflag:s15] =	ssyncadd.s32 $0xFFFFE000  }
0x11b: {  	[spmem:s3] =	stream.indirect.scatter.add.bf16 [tilespmem:s1], [sflag:$0x3], $0x40, s10, s12, $0xb8;
	[tilespmem:$0x1D000] =	vst v63  }
0x11c: {  	_ =	swait.ge [sflag:s6], $0x2000  }
0x11d: {  	[sflag:s6] =	ssyncset.done $0x0  }
0x11e: {  	s23 =	simm.s32 $0x18100;
	[sflag:s6] =	ssyncadd.s32 $0xFFFFE000  }
0x11f: {  	[tilespmem:s1], [sflag:$0x1] =	stream.indirect.gather [spmem:s2], $0x40, s23, s12, $0xb8;
	[tilespmem:$0x1D000] =	vst v63  }
0x120: {  	_ =	swait.ge [sflag:s16], $0x2000  }
0x121: {  	[sflag:s16] =	ssyncset.done $0x0  }
0x122: {  	s24 =	simm.s32 $0x1A880;
	[sflag:s16] =	ssyncadd.s32 $0xFFFFE000  }
0x123: {  	[spmem:s3] =	stream.indirect.scatter.add.bf16 [tilespmem:s14], [sflag:$0x3], $0x40, s24, s12, $0xb8;
	[tilespmem:$0x1D000] =	vst v63  }
0x124: {  	_ =	swait.ge [sflag:s6], $0x2000  }
0x125: {  	[sflag:s6] =	ssyncset.done $0x0  }
0x126: {  	s22 =	simm.s32 $0x400;
	s23 =	simm.s32 $0x18180;
	[sflag:s6] =	ssyncadd.s32 $0xFFFFE000  }
.LBB2_5:
0x127: {  	[tilespmem:s14], [sflag:$0x2] =	stream.indirect.gather [spmem:s2], $0x40, s23, s12, $0xb8;
	[tilespmem:$0x1D000] =	vst v63  }
0x128: {  	s23 =	smov.u32 s22  }
0x129: {  	p2 =	sne.s32 s22, $0x9800;
	s22 =	sadd.s32 $0x400, s22;
	_ =	swait.ge [sflag:s15], $0x2000  }
0x12a: {  	s23 =	sshra.s32 s23, $0x2;
	[sflag:s15] =	ssyncset.done $0x0  }
0x12b: {  	s24 =	sadd.s32 $0x1A800, s23;
	[sflag:s15] =	ssyncadd.s32 $0xFFFFE000  }
0x12c: {  	[spmem:s3] =	stream.indirect.scatter.add.bf16 [tilespmem:s1], [sflag:$0x3], $0x40, s24, s12, $0xb8;
	[tilespmem:$0x1D000] =	vst v63  }
0x12d: {  	_ =	swait.ge [sflag:s6], $0x2000  }
0x12e: {  	[sflag:s6] =	ssyncset.done $0x0  }
0x12f: {  	s24 =	sadd.s32 $0x18100, s23;
	[sflag:s6] =	ssyncadd.s32 $0xFFFFE000  }
0x130: {  	[tilespmem:s1], [sflag:$0x1] =	stream.indirect.gather [spmem:s2], $0x40, s24, s12, $0xb8;
	[tilespmem:$0x1D000] =	vst v63  }
0x131: {  	_ =	swait.ge [sflag:s16], $0x2000  }
0x132: {  	[sflag:s16] =	ssyncset.done $0x0  }
.Ltmp7:
0x133: {  	s24 =	sadd.s32 $0x1A880, s23;
	[sflag:s16] =	ssyncadd.s32 $0xFFFFE000;
	(pc) =	sbr.rel @p2 .LBB2_5-.Ltmp7, $4  }
0x134: {  	[spmem:s3] =	stream.indirect.scatter.add.bf16 [tilespmem:s14], [sflag:$0x3], $0x40, s24, s12, $0xb8;
	[tilespmem:$0x1D000] =	vst v63  }
0x135: {  	_ =	swait.ge [sflag:s6], $0x2000  }
0x136: {  	[sflag:s6] =	ssyncset.done $0x0  }
0x137: {  	s23 =	sadd.s32 $0x18180, s23;
	[sflag:s6] =	ssyncadd.s32 $0xFFFFE000  }
0x138: {  	[tilespmem:s14], [sflag:$0x2] =	stream.indirect.gather [spmem:s2], $0x40, s23, s12, $0xb8;
	[tilespmem:$0x1D000] =	vst v63  }
0x139: {  	_ =	swait.ge [sflag:s15], $0x2000  }
0x13a: {  	[sflag:s15] =	ssyncset.done $0x0  }
0x13b: {  	[sflag:s15] =	ssyncadd.s32 $0xFFFFE000  }
0x13c: {  	[spmem:s3] =	stream.indirect.scatter.add.bf16 [tilespmem:s1], [sflag:$0x3], $0x40, s17, s12, $0xb8;
	[tilespmem:$0x1D000] =	vst v63  }
0x13d: {  	_ =	swait.ge [sflag:s6], $0x2000  }
0x13e: {  	[sflag:s6] =	ssyncset.done $0x0  }
0x13f: {  	[sflag:s6] =	ssyncadd.s32 $0xFFFFE000  }
0x140: {  	_ =	swait.ge [sflag:s16], $0x2000  }
0x141: {  	[sflag:s16] =	ssyncset.done $0x0  }
0x142: {  	[sflag:s16] =	ssyncadd.s32 $0xFFFFE000  }
0x143: {  	[spmem:s3] =	stream.indirect.scatter.add.bf16 [tilespmem:s14], [sflag:$0x3], $0x40, s18, s12, $0xb8;
	[tilespmem:$0x1D000] =	vst v63  }
0x144: {  	_ =	swait.ge [sflag:s6], $0x2000  }
0x145: {  	[sflag:s6] =	ssyncset.done $0x0  }
0x146: {  	s22 =	simm.s32 $0x0;
	s0 =	rddreg [dreg:$0xd];
	[sflag:s6] =	ssyncadd.s32 $0xFFFFE000  }
0x147: {  	[tilespmem:s8], [sflag:$0x3] =	stream.linear.gather [hbm4b:s0+s22], $0x2800, $0x38;
	[tilespmem:$0x1D000] =	vst v63  }
0x148: {  	_ =	swait.ge [sflag:s6], $0x2800  }
0x149: {  	[sflag:s6] =	ssyncset.done $0x0  }
0x14a: {  	s10 =	simm.s32 $0x1A800;
	s24 =	rddreg [dreg:$0xe];
	[sflag:s6] =	ssyncadd.s32 $0xFFFFD800  }
0x14b: {  	[tilespmem:s10], [sflag:$0x3] =	stream.linear.gather [hbm4b:s24+s22], $0x2800, $0x38;
	[tilespmem:$0x1D000] =	vst v63  }
0x14c: {  	_ =	swait.ge [sflag:s6], $0x2800  }
0x14d: {  	[sflag:s6] =	ssyncset.done $0x0  }
0x14e: {  	[sflag:s6] =	ssyncadd.s32 $0xFFFFD800  }
0x14f: {  	[tilespmem:s1], [sflag:$0x1] =	stream.indirect.gather [spmem:s2], $0x40, s8, s12, $0xb8;
	[tilespmem:$0x1D000] =	vst v63  }
0x150: {  	_ = 	snop  }
0x151: {  	[tilespmem:s14], [sflag:$0x2] =	stream.indirect.gather [spmem:s2], $0x40, s13, s12, $0xb8;
	[tilespmem:$0x1D000] =	vst v63  }
0x152: {  	_ =	swait.ge [sflag:s15], $0x2000  }
0x153: {  	[sflag:s15] =	ssyncset.done $0x0  }
0x154: {  	s10 =	simm.s32 $0x1A800;
	[sflag:s15] =	ssyncadd.s32 $0xFFFFE000  }
0x155: {  	[spmem:s3] =	stream.indirect.scatter.add.bf16 [tilespmem:s1], [sflag:$0x3], $0x40, s10, s12, $0xb8;
	[tilespmem:$0x1D000] =	vst v63  }
0x156: {  	_ =	swait.ge [sflag:s6], $0x2000  }
0x157: {  	[sflag:s6] =	ssyncset.done $0x0  }
0x158: {  	s23 =	simm.s32 $0x18100;
	[sflag:s6] =	ssyncadd.s32 $0xFFFFE000  }
0x159: {  	[tilespmem:s1], [sflag:$0x1] =	stream.indirect.gather [spmem:s2], $0x40, s23, s12, $0xb8;
	[tilespmem:$0x1D000] =	vst v63  }
0x15a: {  	_ =	swait.ge [sflag:s16], $0x2000  }
0x15b: {  	[sflag:s16] =	ssyncset.done $0x0  }
0x15c: {  	s24 =	simm.s32 $0x1A880;
	[sflag:s16] =	ssyncadd.s32 $0xFFFFE000  }
0x15d: {  	[spmem:s3] =	stream.indirect.scatter.add.bf16 [tilespmem:s14], [sflag:$0x3], $0x40, s24, s12, $0xb8;
	[tilespmem:$0x1D000] =	vst v63  }
0x15e: {  	_ =	swait.ge [sflag:s6], $0x2000  }
0x15f: {  	[sflag:s6] =	ssyncset.done $0x0  }
0x160: {  	s22 =	simm.s32 $0x400;
	s23 =	simm.s32 $0x18180;
	[sflag:s6] =	ssyncadd.s32 $0xFFFFE000  }
.LBB2_7:
0x161: {  	[tilespmem:s14], [sflag:$0x2] =	stream.indirect.gather [spmem:s2], $0x40, s23, s12, $0xb8;
	[tilespmem:$0x1D000] =	vst v63  }
0x162: {  	s23 =	smov.u32 s22  }
0x163: {  	p2 =	sne.s32 s22, $0x9800;
	s22 =	sadd.s32 $0x400, s22;
	_ =	swait.ge [sflag:s15], $0x2000  }
0x164: {  	s23 =	sshra.s32 s23, $0x2;
	[sflag:s15] =	ssyncset.done $0x0  }
0x165: {  	s24 =	sadd.s32 $0x1A800, s23;
	[sflag:s15] =	ssyncadd.s32 $0xFFFFE000  }
0x166: {  	[spmem:s3] =	stream.indirect.scatter.add.bf16 [tilespmem:s1], [sflag:$0x3], $0x40, s24, s12, $0xb8;
	[tilespmem:$0x1D000] =	vst v63  }
0x167: {  	_ =	swait.ge [sflag:s6], $0x2000  }
0x168: {  	[sflag:s6] =	ssyncset.done $0x0  }
0x169: {  	s24 =	sadd.s32 $0x18100, s23;
	[sflag:s6] =	ssyncadd.s32 $0xFFFFE000  }
0x16a: {  	[tilespmem:s1], [sflag:$0x1] =	stream.indirect.gather [spmem:s2], $0x40, s24, s12, $0xb8;
	[tilespmem:$0x1D000] =	vst v63  }
0x16b: {  	_ =	swait.ge [sflag:s16], $0x2000  }
0x16c: {  	[sflag:s16] =	ssyncset.done $0x0  }
.Ltmp8:
0x16d: {  	s24 =	sadd.s32 $0x1A880, s23;
	[sflag:s16] =	ssyncadd.s32 $0xFFFFE000;
	(pc) =	sbr.rel @p2 .LBB2_7-.Ltmp8, $4  }
0x16e: {  	[spmem:s3] =	stream.indirect.scatter.add.bf16 [tilespmem:s14], [sflag:$0x3], $0x40, s24, s12, $0xb8;
	[tilespmem:$0x1D000] =	vst v63  }
0x16f: {  	_ =	swait.ge [sflag:s6], $0x2000  }
0x170: {  	[sflag:s6] =	ssyncset.done $0x0  }
0x171: {  	s23 =	sadd.s32 $0x18180, s23;
	[sflag:s6] =	ssyncadd.s32 $0xFFFFE000  }
.Ltmp9:
0x172: {  	_ = 	snop;
	(pc) =	sbr.rel .LBB2_8-.Ltmp9, $1  }
0x173: {  	_ =	sdelay $0x3  }
.LBB2_15:
0x174: {  	_ =	sfence.sel $0x180000  }
0x175: {  	[bflag:$0x0] =	sbarrier.arrive $0xFFFF  }
0x176: {  	_ =	strace $0x9000004A  }
0x177: {  	[bflag:$0x2] =	sbarrier.arrive $0xFFFF  }
0x178: {  	p0 =	sne.s32 s0, $0x0;
	s0 =	rddreg [dreg:$0x5]  }
0x179: {  	s0 =	sadd.s32 @!p0 $0x100000, s0  }
0x17a: {  	[sflag:s0] =	ssyncadd.tile.s32 @!p0 $0x1;
	_ =	shalt  }
.Lfunc_end2:
_tile_overlayer_lowered:
.L_overlay_start_2:
0x17b: {  	(tag) =	ssettag $0x2  }
0x17c: {  	s0 =	rddreg [dreg:$0x0];
	s2 =	stileid.u32  }
0x17d: {  	s1 =	rddreg [dreg:$0x1];
	p0 =	sne.s32 s2, $0x0  }
0x17e: {  	s3 =	rddreg [dreg:$0x2];
	[bflag:$0x3] =	sbarrier.arrive $0xFFFF;
	s2 =	simm.s32 @!p0 $0x1C03  }
0x17f: {  	[timem:s3], [sflag:s2] =	dma.local @!p0 [hbm:s0], s1  }
0x180: {  	s0 =	simm.s32 @!p0 $0x3  }
0x181: {  	_ =	swait.ge @!p0 [sflag:s0], s1  }
0x182: {  	s1 =	ssub.s32 @!p0 $0x0, s1;
	[sflag:s0] =	ssyncset.done @!p0 $0x0  }
0x183: {  	[sflag:s0] =	ssyncadd.s32 @!p0 s1  }
0x184: {  	[bflag:$0x3] =	sbarrier.arrive $0xFFFF  }
0x185: {  	_ =	shalt  }

// kernel: kernel.7.cloned.1.call-start
scs
__scs_entry_jumppad:
0x0: {  	(pc) =	sbr.rel $0x88, $3  }
0x1: {  	(tag) =	ssettag $0x0;
	lr =	simm.s32 $0x1  }
0x2: {  	[smem:$0x3F95] =	sst lr;
	_ =	strace $0xD0000000  }
0x3: {  	_ = 	snop  }
0x4: {  	_ = 	snop  }
0x5: {  	_ = 	snop  }
0x6: {  	_ = 	snop  }
0x7: {  	_ = 	snop  }
__scs_overlays_trampoline_lowered:
0x8: {  	[smem:$0x3FA4] =	sst s0  }
0x9: {  	[smem:$0x3FA5] =	sst s1  }
0xa: {  	[smem:$0x3FA6] =	sst s2  }
0xb: {  	[smem:$0x3FA7] =	sst s3  }
0xc: {  	[smem:$0x3FA8] =	sst s4  }
0xd: {  	[smem:$0x3FA9] =	sst s5  }
0xe: {  	[smem:$0x3FAA] =	sst s6  }
0xf: {  	[smem:$0x3FAB] =	sst s7  }
0x10: {  	[smem:$0x3FAC] =	sst s8  }
0x11: {  	[smem:$0x3FAD] =	sst s9;
	s0 =	simm.s32 @!p0 $0x0  }
0x12: {  	s1 =	sld [smem:$0x3F93];
	s0 =	simm.s32 @p0 $0x1  }
0x13: {  	[smem:$0x3FAE] =	sst s0;
	s0 =	simm.s32 @!p1 $0x0  }
0x14: {  	s2 =	sld [smem:$0x3F92];
	s0 =	simm.s32 @p1 $0x1  }
0x15: {  	[smem:$0x3FAF] =	sst s0;
	s0 =	simm.s32 @!p2 $0x0  }
0x16: {  	s3 =	sld [smem:$0x3FDB];
	s0 =	simm.s32 @p2 $0x1  }
0x17: {  	s4 =	simm.s32 $0x1BF5;
	[smem:$0x3FB1] =	sst s0  }
0x18: {  	s0 =	sld [smem:$0x3F94];
	_ =	swait.ge [sflag:s4], $0x0  }
0x19: {  	s7 =	sld [smem:$0x3F95]  }
0x1a: {  	s8 =	sadd.s32 $0xFFFFE003, lr  }
0x1b: {  	s9 =	sadd.s32 $0xFFFFFEF7, lr;
	s5 =	simm.s32 $0xFFFFFFFF;
	p2 =	slt.u32 s8, $0xFFFFF086  }
0x1c: {  	p1 =	slt.u32 s9, $0xF7A;
	s5 =	simm.s32 @!p2 $0x0  }
0x1d: {  	s5 =	simm.s32 @p1 $0x1;
	p0 =	seq.s32 s7, s2  }
0x1e: {  	s7 =	smul.u32 @!p0 $0xF7A, s2;
	p2 =	seq.s32 @!p0 s5, $0x0  }
0x1f: {  	s9 =	smul.u32 $0xF7A, s1;
	s8 =	simm.s32 @!p0 $0x1BF5;
	p2 =	por !p2, p0  }
0x20: {  	[sflag:s8] =	ssyncset.s32 @!p0 $0xFFFFF086;
	s6 =	sadd.s32 @!p0 s3, s7;
	s7 =	simm.s32 @!p0 $0x108  }
0x21: {  	s3 =	sadd.s32 s3, s9;
	s6 =	sadd.s32 @!p0 $0x88, s6;
	s7 =	simm.s32 @p2 $0x1082  }
0x22: {  	[simem:s7], [sflag:s8] =	dma.local @!p0 [hbm:s6], $0xF7A  }
0x23: {  	s9 =	sor.u32 $0xD0000000, s2;
	s6 =	simm.s32 $0x108;
	_ =	swait.ge @!p0 [sflag:s8], $0x0  }
0x24: {  	s3 =	sadd.s32 $0x88, s3;
	s6 =	simm.s32 @!p1 $0x1082;
	[sflag:s4] =	ssyncset.s32 $0xFFFFF086  }
0x25: {  	[simem:s6], [sflag:s4] =	dma.local [hbm:s3], $0xF7A  }
0x26: {  	[smem:$0x3F95] =	sst s1;
	(tag) =	ssettag s2;
	_ =	strace s9  }
0x27: {  	s1 =	sld [smem:$0x3FA5]  }
0x28: {  	s2 =	sld [smem:$0x3FA6]  }
0x29: {  	s4 =	sld [smem:$0x3FA8]  }
0x2a: {  	p0 =	seq.s32 s5, $0x0;
	s5 =	sld [smem:$0x3FA9]  }
0x2b: {  	s6 =	sld [smem:$0x3FAA]  }
0x2c: {  	s7 =	sld [smem:$0x3FAB]  }
0x2d: {  	s3 =	simm.s32 $0x108;
	s8 =	sld [smem:$0x3FAC]  }
0x2e: {  	s3 =	simm.s32 @!p0 $0x1082;
	s9 =	sld [smem:$0x3FAD]  }
0x2f: {  	lr =	sadd.s32 s0, s3;
	s0 =	sld [smem:$0x3FA4]  }
0x30: {  	s3 =	sld [smem:$0x3FA7]  }
0x31: {  	[smem:$0x3FB0] =	sst s10  }
0x32: {  	s10 =	sld [smem:$0x3FAE];
	_ =	sdelay $0x3  }
0x33: {  	p0 =	seq.s32 s10, $0x1;
	s10 =	sld [smem:$0x3FB0];
	_ =	sdelay $0x3  }
0x34: {  	[smem:$0x3FB0] =	sst s10  }
0x35: {  	s10 =	sld [smem:$0x3FAF];
	_ =	sdelay $0x3  }
0x36: {  	p1 =	seq.s32 s10, $0x1;
	s10 =	sld [smem:$0x3FB0];
	_ =	sdelay $0x3  }
0x37: {  	[smem:$0x3FB0] =	sst s10  }
0x38: {  	s10 =	sld [smem:$0x3FB1]  }
0x39: {  	_ = 	snop;
	(pc) =	sbr.ind lr, $3  }
0x3a: {  	_ = 	snop  }
0x3b: {  	_ = 	snop  }
0x3c: {  	p2 =	seq.s32 s10, $0x1;
	s10 =	sld [smem:$0x3FB0]  }
0x3d: {  	_ =	shalt  }
0x3e: {  	_ =	shalt  }
0x3f: {  	_ =	shalt  }
0x40: {  	_ =	shalt  }
0x41: {  	_ =	shalt  }
0x42: {  	_ =	shalt  }
0x43: {  	_ =	shalt  }
0x44: {  	_ =	shalt  }
0x45: {  	_ =	shalt  }
0x46: {  	_ =	shalt  }
0x47: {  	_ =	shalt  }
0x48: {  	_ =	shalt  }
0x49: {  	_ =	shalt  }
0x4a: {  	_ =	shalt  }
0x4b: {  	_ =	shalt  }
0x4c: {  	_ =	shalt  }
0x4d: {  	_ =	shalt  }
0x4e: {  	_ =	shalt  }
0x4f: {  	_ =	shalt  }
0x50: {  	_ =	shalt  }
0x51: {  	_ =	shalt  }
0x52: {  	_ =	shalt  }
0x53: {  	_ =	shalt  }
0x54: {  	_ =	shalt  }
0x55: {  	_ =	shalt  }
0x56: {  	_ =	shalt  }
0x57: {  	_ =	shalt  }
0x58: {  	_ =	shalt  }
0x59: {  	_ =	shalt  }
0x5a: {  	_ =	shalt  }
0x5b: {  	_ =	shalt  }
0x5c: {  	_ =	shalt  }
0x5d: {  	_ =	shalt  }
0x5e: {  	_ =	shalt  }
0x5f: {  	_ =	shalt  }
0x60: {  	_ =	shalt  }
0x61: {  	_ =	shalt  }
0x62: {  	_ =	shalt  }
0x63: {  	_ =	shalt  }
0x64: {  	_ =	shalt  }
0x65: {  	_ =	shalt  }
0x66: {  	_ =	shalt  }
0x67: {  	_ =	shalt  }
0x68: {  	_ =	shalt  }
0x69: {  	_ =	shalt  }
0x6a: {  	_ =	shalt  }
0x6b: {  	_ =	shalt  }
0x6c: {  	_ =	shalt  }
0x6d: {  	_ =	shalt  }
0x6e: {  	_ =	shalt  }
0x6f: {  	_ =	shalt  }
0x70: {  	_ =	shalt  }
0x71: {  	_ =	shalt  }
0x72: {  	_ =	shalt  }
0x73: {  	_ =	shalt  }
0x74: {  	_ =	shalt  }
0x75: {  	_ =	shalt  }
0x76: {  	_ =	shalt  }
0x77: {  	_ =	shalt  }
0x78: {  	_ =	shalt  }
0x79: {  	_ =	shalt  }
0x7a: {  	_ =	shalt  }
0x7b: {  	_ =	shalt  }
0x7c: {  	_ =	shalt  }
0x7d: {  	_ =	shalt  }
0x7e: {  	_ =	shalt  }
0x7f: {  	_ =	shalt  }
0x80: {  	_ =	shalt  }
0x81: {  	_ =	shalt  }
0x82: {  	_ =	shalt  }
0x83: {  	_ =	shalt  }
0x84: {  	_ =	shalt  }
0x85: {  	_ =	shalt  }
0x86: {  	_ =	shalt  }
0x87: {  	_ =	shalt  }
.Lfunc_end0:
.L_simem_size_0:
called_computation_lowered:
.L_overlay_start_0:
0x88: {  	s2 =	sld [smem:$0x3FD9]  }
0x89: {  	s3 =	sld [smem:$0x3FFE];
	_ =	sdelay $0x1  }
0x8a: {  	s1 =	srdreg.scid  }
0x8b: {  	s0 =	sand.u32 $0x1, s1  }
0x8c: {  	s14 =	sshll.u32 s0, $0xA;
	s2 =	sadd.s32 s3, s2  }
0x8d: {  	s2 =	sadd.s32 s2, s14  }
0x8e: {  	[smem:$0x3FBC] =	sst s2  }
0x8f: {  	_ = 	snop  }
0x90: {  	s2 =	sld [smem:$0x3FD0];
	_ =	sdelay $0x2  }
0x91: {  	s15 =	simm.s32 $0xA;
	s4 =	simm.s32 $0x10  }
0x92: {  	[smem:s4], [sflag:s15] =	dma.local [hbm:s2], $0x1  }
0x93: {  	_ =	swait.eq [sflag:s15], $0x1  }
0x94: {  	[sflag:s15] =	ssyncset.done $0x0  }
0x95: {  	s16 =	sld [smem:$0x10];
	[sflag:s15] =	ssyncadd.s32 $0xFFFFFFFF  }
0x96: {  	s17 =	sld [smem:$0x11];
	(tm) =	ssettm $0x1  }
0x97: {  	s18 =	sld [smem:$0x3FFB];
	_ =	sdelay $0x3  }
0x98: {  	_ =	strace s18  }
0x99: {  	s4 =	sld [smem:$0x3FFC];
	_ =	sdelay $0x3  }
0x9a: {  	_ =	strace s4  }
0x9b: {  	s4 =	sld [smem:$0x3FFD];
	_ =	sdelay $0x3  }
0x9c: {  	_ =	strace s4  }
0x9d: {  	_ =	strace $0x8FFFFFFF  }
0x9e: {  	s19 =	sld [smem:$0x3FDB];
	_ =	sdelay $0x1  }
0x9f: {  	s5 =	simm.s32 $_scs_section_size  }
0xa0: {  	s6 =	simm.s32 $_size__tile_overlayer_lowered;
	s7 =	simm.s32 $_tile_overlayer_lowered  }
0xa1: {  	s22 =	simm.s32 $0x1BFF;
	s21 =	sshll.u32 s7, $0x1;
	s4 =	sadd.s32 s5, s19  }
0xa2: {  	s8 =	simm.s32 $0x0;
	s20 =	sshll.u32 s6, $0x1;
	s6 =	sadd.s32 s21, s4  }
0xa3: {  	[timem:s8], [sflag:s22] =	dma.local [hbm:s6], s20  }
0xa4: {  	_ =	swait.ge [sflag:s22], s20  }
0xa5: {  	s5 =	ssub.s32 $0x0, s20;
	[sflag:s22] =	ssyncset.done $0x0  }
0xa6: {  	[sflag:s22] =	ssyncadd.s32 s5;
	_ =	sdelay $0x1  }
0xa7: {  	s23 =	simm.s32 $0x1B8B  }
0xa8: {  	_ =	swait.ge [sflag:s23], $0x1  }
0xa9: {  	[sflag:s23] =	ssyncset.done $0x0  }
0xaa: {  	s25 =	simm.s32 $0x1B8E;
	s24 =	sld [smem:$0x3FFE];
	[sflag:s23] =	ssyncadd.s32 $0xFFFFFFFF  }
0xab: {  	s26 =	simm.s32 $execute0_lowered;
	[smem:$0x3FD2] =	sst s25  }
0xac: {  	s6 =	sshll.u32 s26, $0x1;
	_ =	strace $0x80000046;
	[dreg:$0x1] =	wrdreg $0xFFFFFFFF  }
0xad: {  	s28 =	simm.s32 $_size_execute0_lowered;
	s4 =	sadd.s32 s4, s6;
	[dreg:$0x0] =	wrdreg $0x0  }
0xae: {  	s6 =	sshll.u32 s28, $0x1;
	[dreg:$0x2] =	wrdreg s4  }
0xaf: {  	[dreg:$0x3] =	wrdreg s6  }
0xb0: {  	[dreg:$0x4] =	wrdreg $0xC0  }
0xb1: {  	_ =	task [dreg:s8], $0x5FFFF  }
0xb2: {  	[dreg:$0x1] =	wrdreg $0xFFFFFFFF  }
0xb3: {  	[dreg:$0x0] =	wrdreg $0x60  }
0xb4: {  	[dreg:$0x2] =	wrdreg s24  }
0xb5: {  	[dreg:$0x3] =	wrdreg s17  }
0xb6: {  	[dreg:$0x4] =	wrdreg s16  }
0xb7: {  	[dreg:$0x5] =	wrdreg $0x0  }
0xb8: {  	[dreg:$0x6] =	wrdreg $0xA0000  }
0xb9: {  	[dreg:$0x7] =	wrdreg $0x9  }
0xba: {  	_ =	task.clear_ibuf [dreg:s8], $0x8FFFF;
	_ =	strace $0x90000046  }
0xbb: {  	s29 =	simm.s32 $0x9;
	_ =	strace $0x80000048  }
0xbc: {  	_ =	swait.ge [sflag:s29], $0x1  }
0xbd: {  	[sflag:s29] =	ssyncadd.s32 $0xFFFFFFFF  }
0xbe: {  	_ =	strace $0x90000048  }
0xbf: {  	_ =	sfence  }
0xc0: {  	s30 =	sld [smem:$0x0];
	_ =	sdelay $0x2  }
0xc1: {  	s31 =	sshll.u32 s1, $0xD;
	s1 =	sshrl.u32 s1, $0x2  }
0xc2: {  	s3 =	sand.u32 $0x4000, s31;
	s1 =	sadd.s32 s1, s30  }
0xc3: {  	s0 =	sor.u32 s3, s0;
	s1 =	sshll.u32 s1, $0x11  }
0xc4: {  	s0 =	sor.u32 s1, s0  }
0xc5: {  	s0 =	sadd.s32 $0x8F2B, s0  }
0xc6: {  	[sflag:s0] =	ssyncadd.remote.s32 $0x1  }
0xc7: {  	_ =	sfence.sel $0xFFFF  }
0xc8: {  	[dreg:$0x0] =	wrdreg $0xFFFFFFFF;
	(pc) =	sbr.abs _section_cstart, $3  }
0xc9: {  	[dreg:$0x1] =	wrdreg $0xFFFFFFFF  }
0xca: {  	_ =	task.clear_ibuf [dreg:s8], $0x2FFFF;
	_ =	strace $0x9FFFFFFF  }
0xcb: {  	(tm) =	ssettm $0x7FFFFFFF  }
tec
execute0_lowered:
.L_overlay_start_1:
0x0: {  	(tag) =	ssettag $0x1  }
0x1: {  	s1 =	rddreg [dreg:$0x0]  }
0x2: {  	s6 =	rddreg [dreg:$0x1]  }
0x3: {  	s8 =	rddreg [dreg:$0x2]  }
0x4: {  	s2 =	rddreg [dreg:$0x3]  }
0x5: {  	s3 =	rddreg [dreg:$0x4]  }
0x6: {  	s0 =	stileid.u32;
	s7 =	srdreg.scid;
	s4 =	simm.s32 $0x0  }
0x7: {  	s5 =	smul.u32 $0x14000, s0;
	s7 =	sand.u32 $0x1, s7;
	[smem:$0x7FF] =	sst s4  }
0x8: {  	s13 =	smul.u32 $0x28000, s0;
	s16 =	sadd.s32 $0x3D400, s1;
	s25 =	sadd.s32 $0x29A00, s1  }
0x9: {  	p1 =	seq.s32 s0, $0xF;
	s10 =	ssub.s32 $0x2, s7;
	_ =	strace $0x80000047  }
0xa: {  	p0 =	seq.s32 s7, $0x1;
	s7 =	sadd.s32 $0x96000, s2;
	[dreg:$0x9] =	wrdreg s16  }
0xb: {  	[dreg:$0x13] =	wrdreg s25;
	s9 =	sshrl.u32 s5, $0x4;
	s11 =	sshrl.u32 s10, $0x1  }
0xc: {  	s12 =	sadd.s32 s9, s1;
	s10 =	ssub.s32 s10, s11;
	s11 =	sshrl.u32 s5, $0x1  }
0xd: {  	s9 =	sshrl.u32 s13, $0x2;
	s13 =	smul.u32 $0x5000, s0;
	s5 =	sadd.s32 s11, s2  }
0xe: {  	s14 =	sadd.s32 $0x3400, s12;
	s9 =	sadd.s32 s9, s3;
	s15 =	sadd.s32 $0x2A800, s12  }
0xf: {  	s11 =	sadd.s32 s11, s3;
	s17 =	sadd.s32 $0x16E00, s12;
	[dreg:$0x6] =	wrdreg s14  }
0x10: {  	s26 =	sadd.s32 $0x3E200, s12;
	s25 =	smax.u32 s10, $0x1;
	[dreg:$0x8] =	wrdreg s15  }
0x11: {  	s12 =	simm.s32 $0x80;
	s14 =	sadd.s32 $0x16000, s1;
	[dreg:$0xa] =	wrdreg s17  }
0x12: {  	s13 =	sshrl.u32 s13, $0x3;
	[dreg:$0x14] =	wrdreg s26;
	s1 =	sadd.s32 $0x50E00, s1  }
0x13: {  	s26 =	sadd.s32 $0x96000, s3;
	s28 =	sadd.s32 $0x2000, s9;
	s29 =	sadd.s32 $0x4000, s9  }
0x14: {  	s30 =	sadd.s32 $0x6000, s9;
	s31 =	sadd.s32 $0x8000, s9;
	[dreg:$0x7] =	wrdreg s14  }
0x15: {  	s18 =	sadd.s32 s6, s13;
	s19 =	sadd.s32 $0xA000, s13;
	[dreg:$0x15] =	wrdreg s1  }
0x16: {  	s20 =	sadd.s32 $0x500, s13;
	s21 =	sadd.s32 s8, s13;
	[dreg:$0xb] =	wrdreg s18  }
0x17: {  	s16 =	sadd.s32 $0xA500, s13;
	s15 =	sadd.s32 s6, s19;
	[dreg:$0xf] =	wrdreg s21  }
0x18: {  	s1 =	simm.s32 $0x14000;
	s17 =	sadd.s32 s6, s20;
	[dreg:$0xc] =	wrdreg s15  }
0x19: {  	s13 =	simm.s32 $0x18080;
	s6 =	sadd.s32 s6, s16;
	[dreg:$0xd] =	wrdreg s17  }
.Ltmp0:
0x1a: {  	s22 =	sadd.s32 s8, s19;
	[dreg:$0xe] =	wrdreg s6;
	(pc) =	sbr.rel .LBB2_1-.Ltmp0, $4  }
0x1b: {  	s14 =	simm.s32 $0x16000;
	s23 =	sadd.s32 s8, s20;
	[dreg:$0x10] =	wrdreg s22  }
0x1c: {  	s24 =	sadd.s32 s8, s16;
	s8 =	simm.s32 $0x18000;
	[dreg:$0x11] =	wrdreg s23  }
0x1d: {  	s16 =	simm.s32 $0x2;
	s18 =	simm.s32 $0x1CF80;
	[dreg:$0x12] =	wrdreg s24  }
0x1e: {  	v0 =	vimm.bf16 $0.0e+00;
	s6 =	simm.s32 $0x3;
	s15 =	simm.s32 $0x1;
	s17 =	simm.s32 $0x1CF00  }
.LBB2_8:
0x1f: {  	[tilespmem:s14], [sflag:$0x2] =	stream.indirect.gather [spmem:s2], $0x40, s23, s12, $0xb8;
	[tilespmem:$0x1D000] =	vst v63  }
0x20: {  	_ =	swait.ge [sflag:s15], $0x2000  }
0x21: {  	[sflag:s15] =	ssyncset.done $0x0  }
0x22: {  	[sflag:s15] =	ssyncadd.s32 $0xFFFFE000  }
0x23: {  	[spmem:s3] =	stream.indirect.scatter.add.bf16 [tilespmem:s1], [sflag:$0x3], $0x40, s17, s12, $0xb8;
	[tilespmem:$0x1D000] =	vst v63  }
0x24: {  	_ =	swait.ge [sflag:s6], $0x2000  }
0x25: {  	[sflag:s6] =	ssyncset.done $0x0  }
0x26: {  	[sflag:s6] =	ssyncadd.s32 $0xFFFFE000  }
0x27: {  	_ =	swait.ge [sflag:s16], $0x2000  }
0x28: {  	[sflag:s16] =	ssyncset.done $0x0  }
0x29: {  	[sflag:s16] =	ssyncadd.s32 $0xFFFFE000  }
0x2a: {  	[spmem:s3] =	stream.indirect.scatter.add.bf16 [tilespmem:s14], [sflag:$0x3], $0x40, s18, s12, $0xb8;
	[tilespmem:$0x1D000] =	vst v63  }
0x2b: {  	_ =	swait.ge [sflag:s6], $0x2000  }
0x2c: {  	[sflag:s6] =	ssyncset.done $0x0  }
0x2d: {  	[sflag:s6] =	ssyncadd.s32 $0xFFFFE000  }
0x2e: {  	[bflag:$0x0] =	sbarrier.arrive $0xFFFF  }
0x2f: {  	s22 =	simm.s32 @p1 $0x1FC3;
	s0 =	rddreg [dreg:$0x9]  }
0x30: {  	[hbm:s0], [sflag:s22] =	dma.local @p1 [spmem:s21], $0xC80  }
0x31: {  	s21 =	simm.s32 @p1 $0x3  }
0x32: {  	_ =	swait.ge @p1 [sflag:s21], $0xC80  }
0x33: {  	[sflag:s21] =	ssyncset.done @p1 $0x0  }
0x34: {  	s0 =	rddreg [dreg:$0x8];
	[sflag:s21] =	ssyncadd.s32 @p1 $0xFFFFF380  }
0x35: {  	[hbm:s0], [sflag:s20] =	dma.local @!p1 [spmem:s19], $0x1400  }
0x36: {  	s19 =	simm.s32 @!p1 $0x3  }
0x37: {  	_ =	swait.ge @!p1 [sflag:s19], $0x1400  }
0x38: {  	[sflag:s19] =	ssyncset.done @!p1 $0x0  }
0x39: {  	s0 =	stileid.u32;
	[sflag:s19] =	ssyncadd.s32 @!p1 $0xFFFFEC00  }
.LBB2_14:
0x3a: {  	s4 =	sadd.s32 $0x1, s4  }
0x3b: {  	p2 =	sne.s32 s4, s25  }
.Ltmp1:
0x3c: {  	_ = 	snop;
	(pc) =	sbr.rel @!p2 .LBB2_15-.Ltmp1, $1  }
0x3d: {  	_ =	sdelay $0x3  }
.LBB2_1:
0x3e: {  	s20 =	simm.s32 $0x100;
	s19 =	simm.s32 $0x0  }
.LBB2_2:
0x3f: {  	p2 =	sne.s32 s20, $0x7F00;
	[tilespmem:s19+$0x14030] =	vst v0;
	s21 =	smov.u32 s20;
	s20 =	sadd.s32 $0x100, s20  }
.Ltmp2:
0x40: {  	[tilespmem:s19+$0x14020] =	vst v0;
	(pc) =	sbr.rel @p2 .LBB2_2-.Ltmp2, $3  }
0x41: {  	[tilespmem:s19+$0x14000] =	vst v0  }
0x42: {  	[tilespmem:s19+$0x14010] =	vst v0;
	_ =	sdelay $0x1  }
0x43: {  	s19 =	sshra.s32 s21, $0x2  }
.Ltmp3:
0x44: {  	(pc) =	sbr.rel @!p0 .LBB2_4-.Ltmp3, $4  }
0x45: {  	[tilespmem:s19+$0x14030] =	vst v0  }
0x46: {  	[tilespmem:s19+$0x14020] =	vst v0  }
0x47: {  	[tilespmem:s19+$0x14000] =	vst v0;
	s23 =	sshrl.u32 @p1 s7, $0x3;
	s20 =	sshll.u32 @!p1 s0, $0x6;
	s22 =	sshrl.u32 @!p1 s5, $0x3  }
0x48: {  	[tilespmem:s19+$0x14010] =	vst v0;
	s21 =	sshrl.u32 @p1 s26, $0x3;
	s19 =	sshrl.u32 @!p1 s11, $0x3;
	s20 =	sor.u32 @!p1 $0x1C03, s20  }
0x49: {  	s10 =	smov.u32 s25;
	s25 =	smov.u32 s11;
	s11 =	smov.u32 s7  }
0x4a: {  	s7 =	smov.u32 s5;
	s24 =	simm.s32 @p1 $0x1FC3;
	s5 =	rddreg [dreg:$0x13]  }
0x4b: {  	[spmem:s23], [sflag:s24] =	dma.local @p1 [hbm:s5], $0xC80  }
0x4c: {  	s23 =	simm.s32 @p1 $0x3  }
0x4d: {  	_ =	swait.ge @p1 [sflag:s23], $0xC80  }
0x4e: {  	[sflag:s23] =	ssyncset.done @p1 $0x0  }
0x4f: {  	[sflag:s23] =	ssyncadd.s32 @p1 $0xFFFFF380;
	s23 =	rddreg [dreg:$0xa]  }
0x50: {  	[spmem:s22], [sflag:s20] =	dma.local @!p1 [hbm:s23], $0x1400  }
0x51: {  	s22 =	simm.s32 @!p1 $0x3  }
0x52: {  	_ =	swait.ge @!p1 [sflag:s22], $0x1400  }
0x53: {  	[sflag:s22] =	ssyncset.done @!p1 $0x0  }
0x54: {  	[sflag:s22] =	ssyncadd.s32 @!p1 $0xFFFFEC00  }
0x55: {  	[spmem:s9] =	stream.linear.scatter [tilespmem:s1], [sflag:$0x3], $0x2000, $0x38;
	[tilespmem:$0x1D000] =	vst v63  }
0x56: {  	_ =	swait.ge [sflag:s6], $0x2000  }
0x57: {  	[sflag:s6] =	ssyncset.done $0x0  }
0x58: {  	[sflag:s6] =	ssyncadd.s32 $0xFFFFE000  }
0x59: {  	[spmem:s28] =	stream.linear.scatter [tilespmem:s1], [sflag:$0x3], $0x2000, $0x38;
	[tilespmem:$0x1D000] =	vst v63  }
0x5a: {  	_ =	swait.ge [sflag:s6], $0x2000  }
0x5b: {  	[sflag:s6] =	ssyncset.done $0x0  }
0x5c: {  	[sflag:s6] =	ssyncadd.s32 $0xFFFFE000  }
0x5d: {  	[spmem:s29] =	stream.linear.scatter [tilespmem:s1], [sflag:$0x3], $0x2000, $0x38;
	[tilespmem:$0x1D000] =	vst v63  }
0x5e: {  	_ =	swait.ge [sflag:s6], $0x2000  }
0x5f: {  	[sflag:s6] =	ssyncset.done $0x0  }
0x60: {  	[sflag:s6] =	ssyncadd.s32 $0xFFFFE000  }
0x61: {  	[spmem:s30] =	stream.linear.scatter [tilespmem:s1], [sflag:$0x3], $0x2000, $0x38;
	[tilespmem:$0x1D000] =	vst v63  }
0x62: {  	_ =	swait.ge [sflag:s6], $0x2000  }
0x63: {  	[sflag:s6] =	ssyncset.done $0x0  }
0x64: {  	[sflag:s6] =	ssyncadd.s32 $0xFFFFE000  }
0x65: {  	[spmem:s31] =	stream.linear.scatter [tilespmem:s1], [sflag:$0x3], $0x2000, $0x38;
	[tilespmem:$0x1D000] =	vst v63  }
0x66: {  	_ =	swait.ge [sflag:s6], $0x2000  }
0x67: {  	[sflag:s6] =	ssyncset.done $0x0  }
0x68: {  	[sflag:s6] =	ssyncadd.s32 $0xFFFFE000  }
0x69: {  	[bflag:$0x0] =	sbarrier.arrive $0xFFFF  }
0x6a: {  	s22 =	simm.s32 $0x0;
	s24 =	rddreg [dreg:$0xf]  }
0x6b: {  	[tilespmem:s8], [sflag:$0x3] =	stream.linear.gather [hbm4b:s24+s22], $0x2800, $0x38;
	[tilespmem:$0x1D000] =	vst v63  }
0x6c: {  	_ =	swait.ge [sflag:s6], $0x2800  }
0x6d: {  	[sflag:s6] =	ssyncset.done $0x0  }
0x6e: {  	s24 =	simm.s32 $0x1A800;
	s5 =	rddreg [dreg:$0x10];
	[sflag:s6] =	ssyncadd.s32 $0xFFFFD800  }
0x6f: {  	[tilespmem:s24], [sflag:$0x3] =	stream.linear.gather [hbm4b:s5+s22], $0x2800, $0x38;
	[tilespmem:$0x1D000] =	vst v63  }
0x70: {  	_ =	swait.ge [sflag:s6], $0x2800  }
0x71: {  	[sflag:s6] =	ssyncset.done $0x0  }
0x72: {  	[sflag:s6] =	ssyncadd.s32 $0xFFFFD800  }
0x73: {  	[tilespmem:s1], [sflag:$0x1] =	stream.indirect.gather [spmem:s2], $0x40, s8, s12, $0xb8;
	[tilespmem:$0x1D000] =	vst v63  }
0x74: {  	_ = 	snop  }
0x75: {  	[tilespmem:s14], [sflag:$0x2] =	stream.indirect.gather [spmem:s2], $0x40, s13, s12, $0xb8;
	[tilespmem:$0x1D000] =	vst v63  }
0x76: {  	_ =	swait.ge [sflag:s15], $0x2000  }
0x77: {  	[sflag:s15] =	ssyncset.done $0x0  }
0x78: {  	s5 =	simm.s32 $0x1A800;
	[sflag:s15] =	ssyncadd.s32 $0xFFFFE000  }
0x79: {  	[spmem:s3] =	stream.indirect.scatter.add.bf16 [tilespmem:s1], [sflag:$0x3], $0x40, s5, s12, $0xb8;
	[tilespmem:$0x1D000] =	vst v63  }
0x7a: {  	_ =	swait.ge [sflag:s6], $0x2000  }
0x7b: {  	[sflag:s6] =	ssyncset.done $0x0  }
0x7c: {  	s23 =	simm.s32 $0x18100;
	[sflag:s6] =	ssyncadd.s32 $0xFFFFE000  }
0x7d: {  	[tilespmem:s1], [sflag:$0x1] =	stream.indirect.gather [spmem:s2], $0x40, s23, s12, $0xb8;
	[tilespmem:$0x1D000] =	vst v63  }
0x7e: {  	_ =	swait.ge [sflag:s16], $0x2000  }
0x7f: {  	[sflag:s16] =	ssyncset.done $0x0  }
0x80: {  	s24 =	simm.s32 $0x1A880;
	[sflag:s16] =	ssyncadd.s32 $0xFFFFE000  }
0x81: {  	[spmem:s3] =	stream.indirect.scatter.add.bf16 [tilespmem:s14], [sflag:$0x3], $0x40, s24, s12, $0xb8;
	[tilespmem:$0x1D000] =	vst v63  }
0x82: {  	_ =	swait.ge [sflag:s6], $0x2000  }
0x83: {  	[sflag:s6] =	ssyncset.done $0x0  }
0x84: {  	s22 =	simm.s32 $0x400;
	s23 =	simm.s32 $0x18180;
	[sflag:s6] =	ssyncadd.s32 $0xFFFFE000  }
.LBB2_10:
0x85: {  	[tilespmem:s14], [sflag:$0x2] =	stream.indirect.gather [spmem:s2], $0x40, s23, s12, $0xb8;
	[tilespmem:$0x1D000] =	vst v63  }
0x86: {  	s23 =	smov.u32 s22  }
0x87: {  	p2 =	sne.s32 s22, $0x9800;
	s22 =	sadd.s32 $0x400, s22;
	_ =	swait.ge [sflag:s15], $0x2000  }
0x88: {  	s23 =	sshra.s32 s23, $0x2;
	[sflag:s15] =	ssyncset.done $0x0  }
0x89: {  	s24 =	sadd.s32 $0x1A800, s23;
	[sflag:s15] =	ssyncadd.s32 $0xFFFFE000  }
0x8a: {  	[spmem:s3] =	stream.indirect.scatter.add.bf16 [tilespmem:s1], [sflag:$0x3], $0x40, s24, s12, $0xb8;
	[tilespmem:$0x1D000] =	vst v63  }
0x8b: {  	_ =	swait.ge [sflag:s6], $0x2000  }
0x8c: {  	[sflag:s6] =	ssyncset.done $0x0  }
0x8d: {  	s24 =	sadd.s32 $0x18100, s23;
	[sflag:s6] =	ssyncadd.s32 $0xFFFFE000  }
0x8e: {  	[tilespmem:s1], [sflag:$0x1] =	stream.indirect.gather [spmem:s2], $0x40, s24, s12, $0xb8;
	[tilespmem:$0x1D000] =	vst v63  }
0x8f: {  	_ =	swait.ge [sflag:s16], $0x2000  }
0x90: {  	[sflag:s16] =	ssyncset.done $0x0  }
.Ltmp4:
0x91: {  	s24 =	sadd.s32 $0x1A880, s23;
	[sflag:s16] =	ssyncadd.s32 $0xFFFFE000;
	(pc) =	sbr.rel @p2 .LBB2_10-.Ltmp4, $4  }
0x92: {  	[spmem:s3] =	stream.indirect.scatter.add.bf16 [tilespmem:s14], [sflag:$0x3], $0x40, s24, s12, $0xb8;
	[tilespmem:$0x1D000] =	vst v63  }
0x93: {  	_ =	swait.ge [sflag:s6], $0x2000  }
0x94: {  	[sflag:s6] =	ssyncset.done $0x0  }
0x95: {  	s23 =	sadd.s32 $0x18180, s23;
	[sflag:s6] =	ssyncadd.s32 $0xFFFFE000  }
0x96: {  	[tilespmem:s14], [sflag:$0x2] =	stream.indirect.gather [spmem:s2], $0x40, s23, s12, $0xb8;
	[tilespmem:$0x1D000] =	vst v63  }
0x97: {  	_ =	swait.ge [sflag:s15], $0x2000  }
0x98: {  	[sflag:s15] =	ssyncset.done $0x0  }
0x99: {  	[sflag:s15] =	ssyncadd.s32 $0xFFFFE000  }
0x9a: {  	[spmem:s3] =	stream.indirect.scatter.add.bf16 [tilespmem:s1], [sflag:$0x3], $0x40, s17, s12, $0xb8;
	[tilespmem:$0x1D000] =	vst v63  }
0x9b: {  	_ =	swait.ge [sflag:s6], $0x2000  }
0x9c: {  	[sflag:s6] =	ssyncset.done $0x0  }
0x9d: {  	[sflag:s6] =	ssyncadd.s32 $0xFFFFE000  }
0x9e: {  	_ =	swait.ge [sflag:s16], $0x2000  }
0x9f: {  	[sflag:s16] =	ssyncset.done $0x0  }
0xa0: {  	[sflag:s16] =	ssyncadd.s32 $0xFFFFE000  }
0xa1: {  	[spmem:s3] =	stream.indirect.scatter.add.bf16 [tilespmem:s14], [sflag:$0x3], $0x40, s18, s12, $0xb8;
	[tilespmem:$0x1D000] =	vst v63  }
0xa2: {  	_ =	swait.ge [sflag:s6], $0x2000  }
0xa3: {  	[sflag:s6] =	ssyncset.done $0x0  }
0xa4: {  	s22 =	simm.s32 $0x0;
	s5 =	rddreg [dreg:$0x11];
	[sflag:s6] =	ssyncadd.s32 $0xFFFFE000  }
0xa5: {  	[tilespmem:s8], [sflag:$0x3] =	stream.linear.gather [hbm4b:s5+s22], $0x2800, $0x38;
	[tilespmem:$0x1D000] =	vst v63  }
0xa6: {  	_ =	swait.ge [sflag:s6], $0x2800  }
0xa7: {  	[sflag:s6] =	ssyncset.done $0x0  }
0xa8: {  	s5 =	simm.s32 $0x1A800;
	s24 =	rddreg [dreg:$0x12];
	[sflag:s6] =	ssyncadd.s32 $0xFFFFD800  }
0xa9: {  	[tilespmem:s5], [sflag:$0x3] =	stream.linear.gather [hbm4b:s24+s22], $0x2800, $0x38;
	[tilespmem:$0x1D000] =	vst v63  }
0xaa: {  	_ =	swait.ge [sflag:s6], $0x2800  }
0xab: {  	[sflag:s6] =	ssyncset.done $0x0  }
0xac: {  	[sflag:s6] =	ssyncadd.s32 $0xFFFFD800  }
0xad: {  	[tilespmem:s1], [sflag:$0x1] =	stream.indirect.gather [spmem:s2], $0x40, s8, s12, $0xb8;
	[tilespmem:$0x1D000] =	vst v63  }
0xae: {  	_ = 	snop  }
0xaf: {  	[tilespmem:s14], [sflag:$0x2] =	stream.indirect.gather [spmem:s2], $0x40, s13, s12, $0xb8;
	[tilespmem:$0x1D000] =	vst v63  }
0xb0: {  	_ =	swait.ge [sflag:s15], $0x2000  }
0xb1: {  	[sflag:s15] =	ssyncset.done $0x0  }
0xb2: {  	s5 =	simm.s32 $0x1A800;
	[sflag:s15] =	ssyncadd.s32 $0xFFFFE000  }
0xb3: {  	[spmem:s3] =	stream.indirect.scatter.add.bf16 [tilespmem:s1], [sflag:$0x3], $0x40, s5, s12, $0xb8;
	[tilespmem:$0x1D000] =	vst v63  }
0xb4: {  	_ =	swait.ge [sflag:s6], $0x2000  }
0xb5: {  	[sflag:s6] =	ssyncset.done $0x0  }
0xb6: {  	s23 =	simm.s32 $0x18100;
	[sflag:s6] =	ssyncadd.s32 $0xFFFFE000  }
0xb7: {  	[tilespmem:s1], [sflag:$0x1] =	stream.indirect.gather [spmem:s2], $0x40, s23, s12, $0xb8;
	[tilespmem:$0x1D000] =	vst v63  }
0xb8: {  	_ =	swait.ge [sflag:s16], $0x2000  }
0xb9: {  	[sflag:s16] =	ssyncset.done $0x0  }
0xba: {  	s24 =	simm.s32 $0x1A880;
	[sflag:s16] =	ssyncadd.s32 $0xFFFFE000  }
0xbb: {  	[spmem:s3] =	stream.indirect.scatter.add.bf16 [tilespmem:s14], [sflag:$0x3], $0x40, s24, s12, $0xb8;
	[tilespmem:$0x1D000] =	vst v63  }
0xbc: {  	_ =	swait.ge [sflag:s6], $0x2000  }
0xbd: {  	[sflag:s6] =	ssyncset.done $0x0  }
0xbe: {  	s22 =	simm.s32 $0x400;
	s23 =	simm.s32 $0x18180;
	[sflag:s6] =	ssyncadd.s32 $0xFFFFE000  }
.LBB2_12:
0xbf: {  	[tilespmem:s14], [sflag:$0x2] =	stream.indirect.gather [spmem:s2], $0x40, s23, s12, $0xb8;
	[tilespmem:$0x1D000] =	vst v63  }
0xc0: {  	s23 =	smov.u32 s22  }
0xc1: {  	p2 =	sne.s32 s22, $0x9800;
	s22 =	sadd.s32 $0x400, s22;
	_ =	swait.ge [sflag:s15], $0x2000  }
0xc2: {  	s23 =	sshra.s32 s23, $0x2;
	[sflag:s15] =	ssyncset.done $0x0  }
0xc3: {  	s24 =	sadd.s32 $0x1A800, s23;
	[sflag:s15] =	ssyncadd.s32 $0xFFFFE000  }
0xc4: {  	[spmem:s3] =	stream.indirect.scatter.add.bf16 [tilespmem:s1], [sflag:$0x3], $0x40, s24, s12, $0xb8;
	[tilespmem:$0x1D000] =	vst v63  }
0xc5: {  	_ =	swait.ge [sflag:s6], $0x2000  }
0xc6: {  	[sflag:s6] =	ssyncset.done $0x0  }
0xc7: {  	s24 =	sadd.s32 $0x18100, s23;
	[sflag:s6] =	ssyncadd.s32 $0xFFFFE000  }
0xc8: {  	[tilespmem:s1], [sflag:$0x1] =	stream.indirect.gather [spmem:s2], $0x40, s24, s12, $0xb8;
	[tilespmem:$0x1D000] =	vst v63  }
0xc9: {  	_ =	swait.ge [sflag:s16], $0x2000  }
0xca: {  	[sflag:s16] =	ssyncset.done $0x0  }
.Ltmp5:
0xcb: {  	s24 =	sadd.s32 $0x1A880, s23;
	[sflag:s16] =	ssyncadd.s32 $0xFFFFE000;
	(pc) =	sbr.rel @p2 .LBB2_12-.Ltmp5, $4  }
0xcc: {  	[spmem:s3] =	stream.indirect.scatter.add.bf16 [tilespmem:s14], [sflag:$0x3], $0x40, s24, s12, $0xb8;
	[tilespmem:$0x1D000] =	vst v63  }
0xcd: {  	_ =	swait.ge [sflag:s6], $0x2000  }
0xce: {  	[sflag:s6] =	ssyncset.done $0x0  }
0xcf: {  	s23 =	sadd.s32 $0x18180, s23;
	[sflag:s6] =	ssyncadd.s32 $0xFFFFE000  }
0xd0: {  	[tilespmem:s14], [sflag:$0x2] =	stream.indirect.gather [spmem:s2], $0x40, s23, s12, $0xb8;
	[tilespmem:$0x1D000] =	vst v63  }
0xd1: {  	_ =	swait.ge [sflag:s15], $0x2000  }
0xd2: {  	[sflag:s15] =	ssyncset.done $0x0  }
0xd3: {  	[sflag:s15] =	ssyncadd.s32 $0xFFFFE000  }
0xd4: {  	[spmem:s3] =	stream.indirect.scatter.add.bf16 [tilespmem:s1], [sflag:$0x3], $0x40, s17, s12, $0xb8;
	[tilespmem:$0x1D000] =	vst v63  }
0xd5: {  	_ =	swait.ge [sflag:s6], $0x2000  }
0xd6: {  	[sflag:s6] =	ssyncset.done $0x0  }
0xd7: {  	[sflag:s6] =	ssyncadd.s32 $0xFFFFE000  }
0xd8: {  	_ =	swait.ge [sflag:s16], $0x2000  }
0xd9: {  	[sflag:s16] =	ssyncset.done $0x0  }
0xda: {  	[sflag:s16] =	ssyncadd.s32 $0xFFFFE000  }
0xdb: {  	[spmem:s3] =	stream.indirect.scatter.add.bf16 [tilespmem:s14], [sflag:$0x3], $0x40, s18, s12, $0xb8;
	[tilespmem:$0x1D000] =	vst v63  }
0xdc: {  	_ =	swait.ge [sflag:s6], $0x2000  }
0xdd: {  	[sflag:s6] =	ssyncset.done $0x0  }
0xde: {  	[sflag:s6] =	ssyncadd.s32 $0xFFFFE000  }
0xdf: {  	[bflag:$0x0] =	sbarrier.arrive $0xFFFF  }
0xe0: {  	s22 =	simm.s32 @p1 $0x1FC3;
	s5 =	rddreg [dreg:$0x15]  }
0xe1: {  	[hbm:s5], [sflag:s22] =	dma.local @p1 [spmem:s21], $0xC80  }
0xe2: {  	s21 =	simm.s32 @p1 $0x3  }
0xe3: {  	_ =	swait.ge @p1 [sflag:s21], $0xC80  }
0xe4: {  	[sflag:s21] =	ssyncset.done @p1 $0x0  }
0xe5: {  	s5 =	rddreg [dreg:$0x14];
	[sflag:s21] =	ssyncadd.s32 @p1 $0xFFFFF380  }
0xe6: {  	[hbm:s5], [sflag:s20] =	dma.local @!p1 [spmem:s19], $0x1400  }
.Ltmp6:
0xe7: {  	_ = 	snop;
	(pc) =	sbr.rel .LBB2_14-.Ltmp6, $4  }
0xe8: {  	s19 =	simm.s32 @!p1 $0x3  }
0xe9: {  	_ =	swait.ge @!p1 [sflag:s19], $0x1400  }
0xea: {  	s5 =	smov.u32 s7;
	s7 =	smov.u32 s11;
	[sflag:s19] =	ssyncset.done @!p1 $0x0  }
0xeb: {  	s11 =	smov.u32 s25;
	s25 =	smov.u32 s10;
	[sflag:s19] =	ssyncadd.s32 @!p1 $0xFFFFEC00  }
.LBB2_4:
0xec: {  	s24 =	simm.s32 @p1 $0x1FC3;
	s0 =	rddreg [dreg:$0x7]  }
0xed: {  	[spmem:s23], [sflag:s24] =	dma.local @p1 [hbm:s0], $0xC80  }
0xee: {  	s23 =	simm.s32 @p1 $0x3  }
0xef: {  	_ =	swait.ge @p1 [sflag:s23], $0xC80  }
0xf0: {  	[sflag:s23] =	ssyncset.done @p1 $0x0  }
0xf1: {  	[sflag:s23] =	ssyncadd.s32 @p1 $0xFFFFF380;
	s23 =	rddreg [dreg:$0x6]  }
0xf2: {  	[spmem:s22], [sflag:s20] =	dma.local @!p1 [hbm:s23], $0x1400  }
0xf3: {  	s22 =	simm.s32 @!p1 $0x3  }
0xf4: {  	_ =	swait.ge @!p1 [sflag:s22], $0x1400  }
0xf5: {  	[sflag:s22] =	ssyncset.done @!p1 $0x0  }
0xf6: {  	[sflag:s22] =	ssyncadd.s32 @!p1 $0xFFFFEC00  }
0xf7: {  	[spmem:s9] =	stream.linear.scatter [tilespmem:s1], [sflag:$0x3], $0x2000, $0x38;
	[tilespmem:$0x1D000] =	vst v63  }
0xf8: {  	_ =	swait.ge [sflag:s6], $0x2000  }
0xf9: {  	[sflag:s6] =	ssyncset.done $0x0  }
0xfa: {  	[sflag:s6] =	ssyncadd.s32 $0xFFFFE000  }
0xfb: {  	[spmem:s28] =	stream.linear.scatter [tilespmem:s1], [sflag:$0x3], $0x2000, $0x38;
	[tilespmem:$0x1D000] =	vst v63  }
0xfc: {  	_ =	swait.ge [sflag:s6], $0x2000  }
0xfd: {  	[sflag:s6] =	ssyncset.done $0x0  }
0xfe: {  	[sflag:s6] =	ssyncadd.s32 $0xFFFFE000  }
0xff: {  	[spmem:s29] =	stream.linear.scatter [tilespmem:s1], [sflag:$0x3], $0x2000, $0x38;
	[tilespmem:$0x1D000] =	vst v63  }
0x100: {  	_ =	swait.ge [sflag:s6], $0x2000  }
0x101: {  	[sflag:s6] =	ssyncset.done $0x0  }
0x102: {  	[sflag:s6] =	ssyncadd.s32 $0xFFFFE000  }
0x103: {  	[spmem:s30] =	stream.linear.scatter [tilespmem:s1], [sflag:$0x3], $0x2000, $0x38;
	[tilespmem:$0x1D000] =	vst v63  }
0x104: {  	_ =	swait.ge [sflag:s6], $0x2000  }
0x105: {  	[sflag:s6] =	ssyncset.done $0x0  }
0x106: {  	[sflag:s6] =	ssyncadd.s32 $0xFFFFE000  }
0x107: {  	[spmem:s31] =	stream.linear.scatter [tilespmem:s1], [sflag:$0x3], $0x2000, $0x38;
	[tilespmem:$0x1D000] =	vst v63  }
0x108: {  	_ =	swait.ge [sflag:s6], $0x2000  }
0x109: {  	[sflag:s6] =	ssyncset.done $0x0  }
0x10a: {  	[sflag:s6] =	ssyncadd.s32 $0xFFFFE000  }
0x10b: {  	[bflag:$0x0] =	sbarrier.arrive $0xFFFF  }
0x10c: {  	s22 =	simm.s32 $0x0;
	s23 =	rddreg [dreg:$0xb]  }
0x10d: {  	[tilespmem:s8], [sflag:$0x3] =	stream.linear.gather [hbm4b:s23+s22], $0x2800, $0x38;
	[tilespmem:$0x1D000] =	vst v63  }
0x10e: {  	_ =	swait.ge [sflag:s6], $0x2800  }
0x10f: {  	[sflag:s6] =	ssyncset.done $0x0  }
0x110: {  	s10 =	simm.s32 $0x1A800;
	s24 =	rddreg [dreg:$0xc];
	[sflag:s6] =	ssyncadd.s32 $0xFFFFD800  }
0x111: {  	[tilespmem:s10], [sflag:$0x3] =	stream.linear.gather [hbm4b:s24+s22], $0x2800, $0x38;
	[tilespmem:$0x1D000] =	vst v63  }
0x112: {  	_ =	swait.ge [sflag:s6], $0x2800  }
0x113: {  	[sflag:s6] =	ssyncset.done $0x0  }
0x114: {  	[sflag:s6] =	ssyncadd.s32 $0xFFFFD800  }
0x115: {  	[tilespmem:s1], [sflag:$0x1] =	stream.indirect.gather [spmem:s2], $0x40, s8, s12, $0xb8;
	[tilespmem:$0x1D000] =	vst v63  }
0x116: {  	_ = 	snop  }
0x117: {  	[tilespmem:s14], [sflag:$0x2] =	stream.indirect.gather [spmem:s2], $0x40, s13, s12, $0xb8;
	[tilespmem:$0x1D000] =	vst v63  }
0x118: {  	_ =	swait.ge [sflag:s15], $0x2000  }
0x119: {  	[sflag:s15] =	ssyncset.done $0x0  }
0x11a: {  	s10 =	simm.s32 $0x1A800;
	[sflag:s15] =	ssyncadd.s32 $0xFFFFE000  }
0x11b: {  	[spmem:s3] =	stream.indirect.scatter.add.bf16 [tilespmem:s1], [sflag:$0x3], $0x40, s10, s12, $0xb8;
	[tilespmem:$0x1D000] =	vst v63  }
0x11c: {  	_ =	swait.ge [sflag:s6], $0x2000  }
0x11d: {  	[sflag:s6] =	ssyncset.done $0x0  }
0x11e: {  	s23 =	simm.s32 $0x18100;
	[sflag:s6] =	ssyncadd.s32 $0xFFFFE000  }
0x11f: {  	[tilespmem:s1], [sflag:$0x1] =	stream.indirect.gather [spmem:s2], $0x40, s23, s12, $0xb8;
	[tilespmem:$0x1D000] =	vst v63  }
0x120: {  	_ =	swait.ge [sflag:s16], $0x2000  }
0x121: {  	[sflag:s16] =	ssyncset.done $0x0  }
0x122: {  	s24 =	simm.s32 $0x1A880;
	[sflag:s16] =	ssyncadd.s32 $0xFFFFE000  }
0x123: {  	[spmem:s3] =	stream.indirect.scatter.add.bf16 [tilespmem:s14], [sflag:$0x3], $0x40, s24, s12, $0xb8;
	[tilespmem:$0x1D000] =	vst v63  }
0x124: {  	_ =	swait.ge [sflag:s6], $0x2000  }
0x125: {  	[sflag:s6] =	ssyncset.done $0x0  }
0x126: {  	s22 =	simm.s32 $0x400;
	s23 =	simm.s32 $0x18180;
	[sflag:s6] =	ssyncadd.s32 $0xFFFFE000  }
.LBB2_5:
0x127: {  	[tilespmem:s14], [sflag:$0x2] =	stream.indirect.gather [spmem:s2], $0x40, s23, s12, $0xb8;
	[tilespmem:$0x1D000] =	vst v63  }
0x128: {  	s23 =	smov.u32 s22  }
0x129: {  	p2 =	sne.s32 s22, $0x9800;
	s22 =	sadd.s32 $0x400, s22;
	_ =	swait.ge [sflag:s15], $0x2000  }
0x12a: {  	s23 =	sshra.s32 s23, $0x2;
	[sflag:s15] =	ssyncset.done $0x0  }
0x12b: {  	s24 =	sadd.s32 $0x1A800, s23;
	[sflag:s15] =	ssyncadd.s32 $0xFFFFE000  }
0x12c: {  	[spmem:s3] =	stream.indirect.scatter.add.bf16 [tilespmem:s1], [sflag:$0x3], $0x40, s24, s12, $0xb8;
	[tilespmem:$0x1D000] =	vst v63  }
0x12d: {  	_ =	swait.ge [sflag:s6], $0x2000  }
0x12e: {  	[sflag:s6] =	ssyncset.done $0x0  }
0x12f: {  	s24 =	sadd.s32 $0x18100, s23;
	[sflag:s6] =	ssyncadd.s32 $0xFFFFE000  }
0x130: {  	[tilespmem:s1], [sflag:$0x1] =	stream.indirect.gather [spmem:s2], $0x40, s24, s12, $0xb8;
	[tilespmem:$0x1D000] =	vst v63  }
0x131: {  	_ =	swait.ge [sflag:s16], $0x2000  }
0x132: {  	[sflag:s16] =	ssyncset.done $0x0  }
.Ltmp7:
0x133: {  	s24 =	sadd.s32 $0x1A880, s23;
	[sflag:s16] =	ssyncadd.s32 $0xFFFFE000;
	(pc) =	sbr.rel @p2 .LBB2_5-.Ltmp7, $4  }
0x134: {  	[spmem:s3] =	stream.indirect.scatter.add.bf16 [tilespmem:s14], [sflag:$0x3], $0x40, s24, s12, $0xb8;
	[tilespmem:$0x1D000] =	vst v63  }
0x135: {  	_ =	swait.ge [sflag:s6], $0x2000  }
0x136: {  	[sflag:s6] =	ssyncset.done $0x0  }
0x137: {  	s23 =	sadd.s32 $0x18180, s23;
	[sflag:s6] =	ssyncadd.s32 $0xFFFFE000  }
0x138: {  	[tilespmem:s14], [sflag:$0x2] =	stream.indirect.gather [spmem:s2], $0x40, s23, s12, $0xb8;
	[tilespmem:$0x1D000] =	vst v63  }
0x139: {  	_ =	swait.ge [sflag:s15], $0x2000  }
0x13a: {  	[sflag:s15] =	ssyncset.done $0x0  }
0x13b: {  	[sflag:s15] =	ssyncadd.s32 $0xFFFFE000  }
0x13c: {  	[spmem:s3] =	stream.indirect.scatter.add.bf16 [tilespmem:s1], [sflag:$0x3], $0x40, s17, s12, $0xb8;
	[tilespmem:$0x1D000] =	vst v63  }
0x13d: {  	_ =	swait.ge [sflag:s6], $0x2000  }
0x13e: {  	[sflag:s6] =	ssyncset.done $0x0  }
0x13f: {  	[sflag:s6] =	ssyncadd.s32 $0xFFFFE000  }
0x140: {  	_ =	swait.ge [sflag:s16], $0x2000  }
0x141: {  	[sflag:s16] =	ssyncset.done $0x0  }
0x142: {  	[sflag:s16] =	ssyncadd.s32 $0xFFFFE000  }
0x143: {  	[spmem:s3] =	stream.indirect.scatter.add.bf16 [tilespmem:s14], [sflag:$0x3], $0x40, s18, s12, $0xb8;
	[tilespmem:$0x1D000] =	vst v63  }
0x144: {  	_ =	swait.ge [sflag:s6], $0x2000  }
0x145: {  	[sflag:s6] =	ssyncset.done $0x0  }
0x146: {  	s22 =	simm.s32 $0x0;
	s0 =	rddreg [dreg:$0xd];
	[sflag:s6] =	ssyncadd.s32 $0xFFFFE000  }
0x147: {  	[tilespmem:s8], [sflag:$0x3] =	stream.linear.gather [hbm4b:s0+s22], $0x2800, $0x38;
	[tilespmem:$0x1D000] =	vst v63  }
0x148: {  	_ =	swait.ge [sflag:s6], $0x2800  }
0x149: {  	[sflag:s6] =	ssyncset.done $0x0  }
0x14a: {  	s10 =	simm.s32 $0x1A800;
	s24 =	rddreg [dreg:$0xe];
	[sflag:s6] =	ssyncadd.s32 $0xFFFFD800  }
0x14b: {  	[tilespmem:s10], [sflag:$0x3] =	stream.linear.gather [hbm4b:s24+s22], $0x2800, $0x38;
	[tilespmem:$0x1D000] =	vst v63  }
0x14c: {  	_ =	swait.ge [sflag:s6], $0x2800  }
0x14d: {  	[sflag:s6] =	ssyncset.done $0x0  }
0x14e: {  	[sflag:s6] =	ssyncadd.s32 $0xFFFFD800  }
0x14f: {  	[tilespmem:s1], [sflag:$0x1] =	stream.indirect.gather [spmem:s2], $0x40, s8, s12, $0xb8;
	[tilespmem:$0x1D000] =	vst v63  }
0x150: {  	_ = 	snop  }
0x151: {  	[tilespmem:s14], [sflag:$0x2] =	stream.indirect.gather [spmem:s2], $0x40, s13, s12, $0xb8;
	[tilespmem:$0x1D000] =	vst v63  }
0x152: {  	_ =	swait.ge [sflag:s15], $0x2000  }
0x153: {  	[sflag:s15] =	ssyncset.done $0x0  }
0x154: {  	s10 =	simm.s32 $0x1A800;
	[sflag:s15] =	ssyncadd.s32 $0xFFFFE000  }
0x155: {  	[spmem:s3] =	stream.indirect.scatter.add.bf16 [tilespmem:s1], [sflag:$0x3], $0x40, s10, s12, $0xb8;
	[tilespmem:$0x1D000] =	vst v63  }
0x156: {  	_ =	swait.ge [sflag:s6], $0x2000  }
0x157: {  	[sflag:s6] =	ssyncset.done $0x0  }
0x158: {  	s23 =	simm.s32 $0x18100;
	[sflag:s6] =	ssyncadd.s32 $0xFFFFE000  }
0x159: {  	[tilespmem:s1], [sflag:$0x1] =	stream.indirect.gather [spmem:s2], $0x40, s23, s12, $0xb8;
	[tilespmem:$0x1D000] =	vst v63  }
0x15a: {  	_ =	swait.ge [sflag:s16], $0x2000  }
0x15b: {  	[sflag:s16] =	ssyncset.done $0x0  }
0x15c: {  	s24 =	simm.s32 $0x1A880;
	[sflag:s16] =	ssyncadd.s32 $0xFFFFE000  }
0x15d: {  	[spmem:s3] =	stream.indirect.scatter.add.bf16 [tilespmem:s14], [sflag:$0x3], $0x40, s24, s12, $0xb8;
	[tilespmem:$0x1D000] =	vst v63  }
0x15e: {  	_ =	swait.ge [sflag:s6], $0x2000  }
0x15f: {  	[sflag:s6] =	ssyncset.done $0x0  }
0x160: {  	s22 =	simm.s32 $0x400;
	s23 =	simm.s32 $0x18180;
	[sflag:s6] =	ssyncadd.s32 $0xFFFFE000  }
.LBB2_7:
0x161: {  	[tilespmem:s14], [sflag:$0x2] =	stream.indirect.gather [spmem:s2], $0x40, s23, s12, $0xb8;
	[tilespmem:$0x1D000] =	vst v63  }
0x162: {  	s23 =	smov.u32 s22  }
0x163: {  	p2 =	sne.s32 s22, $0x9800;
	s22 =	sadd.s32 $0x400, s22;
	_ =	swait.ge [sflag:s15], $0x2000  }
0x164: {  	s23 =	sshra.s32 s23, $0x2;
	[sflag:s15] =	ssyncset.done $0x0  }
0x165: {  	s24 =	sadd.s32 $0x1A800, s23;
	[sflag:s15] =	ssyncadd.s32 $0xFFFFE000  }
0x166: {  	[spmem:s3] =	stream.indirect.scatter.add.bf16 [tilespmem:s1], [sflag:$0x3], $0x40, s24, s12, $0xb8;
	[tilespmem:$0x1D000] =	vst v63  }
0x167: {  	_ =	swait.ge [sflag:s6], $0x2000  }
0x168: {  	[sflag:s6] =	ssyncset.done $0x0  }
0x169: {  	s24 =	sadd.s32 $0x18100, s23;
	[sflag:s6] =	ssyncadd.s32 $0xFFFFE000  }
0x16a: {  	[tilespmem:s1], [sflag:$0x1] =	stream.indirect.gather [spmem:s2], $0x40, s24, s12, $0xb8;
	[tilespmem:$0x1D000] =	vst v63  }
0x16b: {  	_ =	swait.ge [sflag:s16], $0x2000  }
0x16c: {  	[sflag:s16] =	ssyncset.done $0x0  }
.Ltmp8:
0x16d: {  	s24 =	sadd.s32 $0x1A880, s23;
	[sflag:s16] =	ssyncadd.s32 $0xFFFFE000;
	(pc) =	sbr.rel @p2 .LBB2_7-.Ltmp8, $4  }
0x16e: {  	[spmem:s3] =	stream.indirect.scatter.add.bf16 [tilespmem:s14], [sflag:$0x3], $0x40, s24, s12, $0xb8;
	[tilespmem:$0x1D000] =	vst v63  }
0x16f: {  	_ =	swait.ge [sflag:s6], $0x2000  }
0x170: {  	[sflag:s6] =	ssyncset.done $0x0  }
0x171: {  	s23 =	sadd.s32 $0x18180, s23;
	[sflag:s6] =	ssyncadd.s32 $0xFFFFE000  }
.Ltmp9:
0x172: {  	_ = 	snop;
	(pc) =	sbr.rel .LBB2_8-.Ltmp9, $1  }
0x173: {  	_ =	sdelay $0x3  }
.LBB2_15:
0x174: {  	_ =	sfence.sel $0x180000  }
0x175: {  	[bflag:$0x0] =	sbarrier.arrive $0xFFFF  }
0x176: {  	_ =	strace $0x90000047  }
0x177: {  	[bflag:$0x2] =	sbarrier.arrive $0xFFFF  }
0x178: {  	p0 =	sne.s32 s0, $0x0;
	s0 =	rddreg [dreg:$0x5]  }
0x179: {  	s0 =	sadd.s32 @!p0 $0x100000, s0  }
0x17a: {  	[sflag:s0] =	ssyncadd.tile.s32 @!p0 $0x1;
	_ =	shalt  }
.Lfunc_end2:
_tile_overlayer_lowered:
.L_overlay_start_2:
0x17b: {  	(tag) =	ssettag $0x2  }
0x17c: {  	s0 =	rddreg [dreg:$0x0];
	s2 =	stileid.u32  }
0x17d: {  	s1 =	rddreg [dreg:$0x1];
	p0 =	sne.s32 s2, $0x0  }
0x17e: {  	s3 =	rddreg [dreg:$0x2];
	[bflag:$0x3] =	sbarrier.arrive $0xFFFF;
	s2 =	simm.s32 @!p0 $0x1C03  }
0x17f: {  	[timem:s3], [sflag:s2] =	dma.local @!p0 [hbm:s0], s1  }
0x180: {  	s0 =	simm.s32 @!p0 $0x3  }
0x181: {  	_ =	swait.ge @!p0 [sflag:s0], s1  }
0x182: {  	s1 =	ssub.s32 @!p0 $0x0, s1;
	[sflag:s0] =	ssyncset.done @!p0 $0x0  }
0x183: {  	[sflag:s0] =	ssyncadd.s32 @!p0 s1  }
0x184: {  	[bflag:$0x3] =	sbarrier.arrive $0xFFFF  }
0x185: {  	_ =	shalt  }

</sc_bundles>
